<compile_context>
chip_gen: v7x
topology: tpu7x:2x2x1
jax: 0.10.2.dev20260603
libtpu: 0.0.44.dev20260713+nightly
codegen_flags: <defaults>
</compile_context>

<pallas_src>
import jax
import jax.numpy as jnp
import numpy as np
from jax import lax
from jax.experimental import pallas as pl
from jax.experimental.pallas import tpu as pltpu
from jax.experimental.pallas import tpu_sc as plsc

NUM_KEYS = 425984
EMB_DIM = 128
HASH_MULT_I32 = np.int32(np.uint32(2654435761).astype(np.int32))

NC = 2
NS = 16
L = 16
NW = NC * NS
B_PER_W = NUM_KEYS // NW
C = 64
NCHUNK = B_PER_W // C
NB = 8
NGROUP = NCHUNK // NB
SKEW = 4


def _body(keys_hbm, tids_hbm, table_hbm, off_hbm, cap_hbm, out_hbm,
          keys_v, tids_v, rows_v, off_v, cap_v, inv_v, bufs, gsems, osems):
    wid = lax.axis_index("s") * NC + lax.axis_index("c")
    base = wid * B_PER_W

    pltpu.sync_copy(keys_hbm.at[pl.ds(base, B_PER_W)], keys_v)
    pltpu.sync_copy(tids_hbm.at[pl.ds(base, B_PER_W)], tids_v)
    pltpu.sync_copy(off_hbm, off_v)
    pltpu.sync_copy(cap_hbm, cap_v)

    for s in range(128 // L):
        c16 = cap_v[pl.ds(s * L, L)]
        inv_v[pl.ds(s * L, L)] = 1.0 / c16.astype(jnp.float32)

    def compute_rows(j, b):
        for s in range(C // L):
            k16 = keys_v[pl.ds(j * C + s * L, L)]
            t16 = tids_v[pl.ds(j * C + s * L, L)]
            off = plsc.load_gather(off_v, [t16])
            cap = plsc.load_gather(cap_v, [t16])
            inv = plsc.load_gather(inv_v, [t16])
            p = k16 * HASH_MULT_I32
            q = (p.astype(jnp.float32) * inv).astype(jnp.int32)
            r = p - q * cap
            r = jnp.where(r < 0, r + cap, r)
            r = jnp.where(r < 0, r + cap, r)
            r = jnp.where(r >= cap, r - cap, r)
            r = jnp.where(r >= cap, r - cap, r)
            rows_v[b, pl.ds(s * L, L)] = off + r

    def fire_gather(j, b):
        pltpu.async_copy(table_hbm.at[rows_v.at[b]], bufs[b], gsems[b])

    def wait_gather(b):
        pltpu.make_async_copy(table_hbm.at[rows_v.at[b]], bufs[b],
                              gsems[b]).wait()

    def fire_out(j, b):
        pltpu.async_copy(bufs[b], out_hbm.at[pl.ds(base + j * C, C)],
                         osems[b])

    def wait_out(j, b):
        pltpu.make_async_copy(bufs[b], out_hbm.at[pl.ds(base + j * C, C)],
                              osems[b]).wait()

    def group(g, carry):
        for b in range(NB):
            j = g * NB + b

            compute_rows(j, b)

            ib = (b - SKEW) % NB
            if b >= SKEW:
                wait_gather(ib)
                fire_out(j - SKEW, ib)
            else:
                @pl.when(g > 0)
                def _drain():
                    wait_gather(ib)
                    fire_out(j - SKEW, ib)

            @pl.when(g > 0)
            def _reuse():
                wait_out(j - NB, b)

            fire_gather(j, b)

        return carry

    lax.fori_loop(0, NGROUP, group, 0)

    last = NGROUP * NB
    for i in range(last - SKEW, last):
        b = i % NB
        wait_gather(b)
        fire_out(i, b)
    for i in range(last - NB, last):
        wait_out(i, i % NB)


def kernel(keys, table_ids, linear_mem_table, table_offsets, capacity_list):
    off32 = jnp.pad(table_offsets.astype(jnp.int32),
                    (0, 128 - table_offsets.shape[0]))
    cap32 = jnp.pad(capacity_list.astype(jnp.int32),
                    (0, 128 - capacity_list.shape[0]), constant_values=1)
    mesh = plsc.VectorSubcoreMesh(core_axis_name="c", subcore_axis_name="s")
    run = pl.kernel(
        _body,
        out_type=jax.ShapeDtypeStruct((NUM_KEYS, EMB_DIM), jnp.float32),
        mesh=mesh,
        compiler_params=pltpu.CompilerParams(needs_layout_passes=False),
        scratch_types=[
            pltpu.VMEM((B_PER_W,), jnp.int32),
            pltpu.VMEM((B_PER_W,), jnp.int32),
            pltpu.VMEM((NB, C), jnp.int32),
            pltpu.VMEM((128,), jnp.int32),
            pltpu.VMEM((128,), jnp.int32),
            pltpu.VMEM((128,), jnp.float32),
            [pltpu.VMEM((C, EMB_DIM), jnp.float32) for _ in range(NB)],
            [pltpu.SemaphoreType.DMA for _ in range(NB)],
            [pltpu.SemaphoreType.DMA for _ in range(NB)],
        ],
    )
    return run(keys.astype(jnp.int32), table_ids.astype(jnp.int32),
               linear_mem_table, off32, cap32)

# --- scband reference (transcript-rebuilt; emitter-appended) ---
"""Pipeline reference for scband-inference-embedding-table-19129784336957 (READ-ONLY COPY).

The authoritative reference and input builder live on the scoring server;
editing this copy changes nothing except your own understanding.
"""

import jax, jax.numpy as jnp
import numpy as np

NUM_TABLES = 26
PER_TABLE_CAP = 100000
EMB_DIM = 128
NUM_KEYS = 425984
HASH_MULT = np.int64(2654435761)


def setup_inputs(seed: int = 0) -> dict:
    key = jax.random.key(seed)
    k1, k2, k3 = jax.random.split(key, 3)
    keys = jax.random.randint(k1, (NUM_KEYS,), 0, PER_TABLE_CAP, dtype=jnp.int64)
    table_ids = jnp.sort(jax.random.randint(k2, (NUM_KEYS,), 0, NUM_TABLES, dtype=jnp.int64))
    capacity_list = jnp.full((NUM_TABLES,), PER_TABLE_CAP, dtype=jnp.int64)
    table_offsets = jnp.concatenate([jnp.zeros((1,), dtype=jnp.int64), jnp.cumsum(capacity_list)])
    total_rows = NUM_TABLES * PER_TABLE_CAP
    linear_mem_table = jax.random.normal(k3, (total_rows, EMB_DIM), dtype=jnp.float32) * 0.01
    return {
        'keys': keys,
        'table_ids': table_ids,
        'linear_mem_table': linear_mem_table,
        'table_offsets': table_offsets,
        'capacity_list': capacity_list,
    }


def reference(keys, table_ids, linear_mem_table, table_offsets, capacity_list):
    # Faithful lookup semantics of InferenceEmbeddingTable + InferenceLinearBucketTable:
    # each key is hashed into its table's slot range (linear-bucket hash table),
    # producing a row index into the flat linear_mem_table_; the embedding row is gathered.
    per_key_cap = jnp.take(capacity_list, table_ids)          # gather per-key table capacity
    h = jnp.mod(keys * HASH_MULT, per_key_cap)                # bucketized hash within table
    rows = jnp.take(table_offsets, table_ids) + h             # global row index
    out = jnp.take(linear_mem_table, rows, axis=0)            # embedding gather (SparseCore gather)
    return out

if __name__ == "__main__":
    import jax
    _d = setup_inputs()
    print(jax.jit(kernel)(*tuple(_d.values())))

</pallas_src>

<mosaic_0001>
#map = affine_map<(d0, d1) -> (0)>
#map1 = affine_map<(d0, d1) -> (0, 0)>
module attributes {stable_mosaic.version = 14 : i64} {
  func.func @_body(%arg0: i32, %arg1: i32, %arg2: memref<425984xi32, #tpu.memory_space<hbm>>, %arg3: memref<425984xi32, #tpu.memory_space<hbm>>, %arg4: memref<2600000x128xf32, #tpu.memory_space<hbm>>, %arg5: memref<128xi32, #tpu.memory_space<hbm>>, %arg6: memref<128xi32, #tpu.memory_space<hbm>>, %arg7: memref<425984x128xf32, #tpu.memory_space<hbm>>, %arg8: memref<13312xi32, #tpu.memory_space<vmem>>, %arg9: memref<13312xi32, #tpu.memory_space<vmem>>, %arg10: memref<8x64xi32, #tpu.memory_space<vmem>>, %arg11: memref<128xi32, #tpu.memory_space<vmem>>, %arg12: memref<128xi32, #tpu.memory_space<vmem>>, %arg13: memref<128xf32, #tpu.memory_space<vmem>>, %arg14: memref<64x128xf32, #tpu.memory_space<vmem>>, %arg15: memref<64x128xf32, #tpu.memory_space<vmem>>, %arg16: memref<64x128xf32, #tpu.memory_space<vmem>>, %arg17: memref<64x128xf32, #tpu.memory_space<vmem>>, %arg18: memref<64x128xf32, #tpu.memory_space<vmem>>, %arg19: memref<64x128xf32, #tpu.memory_space<vmem>>, %arg20: memref<64x128xf32, #tpu.memory_space<vmem>>, %arg21: memref<64x128xf32, #tpu.memory_space<vmem>>, %arg22: memref<!tpu.dma_semaphore, #tpu.memory_space<semaphore_mem>>, %arg23: memref<!tpu.dma_semaphore, #tpu.memory_space<semaphore_mem>>, %arg24: memref<!tpu.dma_semaphore, #tpu.memory_space<semaphore_mem>>, %arg25: memref<!tpu.dma_semaphore, #tpu.memory_space<semaphore_mem>>, %arg26: memref<!tpu.dma_semaphore, #tpu.memory_space<semaphore_mem>>, %arg27: memref<!tpu.dma_semaphore, #tpu.memory_space<semaphore_mem>>, %arg28: memref<!tpu.dma_semaphore, #tpu.memory_space<semaphore_mem>>, %arg29: memref<!tpu.dma_semaphore, #tpu.memory_space<semaphore_mem>>, %arg30: memref<!tpu.dma_semaphore, #tpu.memory_space<semaphore_mem>>, %arg31: memref<!tpu.dma_semaphore, #tpu.memory_space<semaphore_mem>>, %arg32: memref<!tpu.dma_semaphore, #tpu.memory_space<semaphore_mem>>, %arg33: memref<!tpu.dma_semaphore, #tpu.memory_space<semaphore_mem>>, %arg34: memref<!tpu.dma_semaphore, #tpu.memory_space<semaphore_mem>>, %arg35: memref<!tpu.dma_semaphore, #tpu.memory_space<semaphore_mem>>, %arg36: memref<!tpu.dma_semaphore, #tpu.memory_space<semaphore_mem>>, %arg37: memref<!tpu.dma_semaphore, #tpu.memory_space<semaphore_mem>>) attributes {dimension_semantics = [#tpu.dimension_semantics<core_parallel>, #tpu.dimension_semantics<subcore_parallel>], iteration_bounds = array<i64: 2, 16>, scalar_prefetch = 0 : i64, scratch_operands = 30 : i64, tpu.core_type = #tpu.core_type<sc_vector_subcore>, window_params = [{transform_indices = #map}, {transform_indices = #map}, {transform_indices = #map1}, {transform_indices = #map}, {transform_indices = #map}, {transform_indices = #map1}]} {
    %mul3A = arith.constant 2 : i32
    %mul3A_0 = arith.muli %arg1, %mul3A : i32
    %add3A = arith.addi %mul3A_0, %arg0 : i32
    %mul3A_1 = arith.constant 13312 : i32
    %mul3A_2 = arith.muli %add3A, %mul3A_1 : i32
    "tpu.region"() ({
      %run_scoped3A = tpu.sem_alloc : memref<!tpu.dma_semaphore, #tpu.memory_space<semaphore_mem>>
      %dma_start3A_166 = tpu.memref_slice %arg2[%mul3A_2] : memref<425984xi32, #tpu.memory_space<hbm>> -> memref<13312xi32, #tpu.memory_space<hbm>>
      %dma_start3A_167 = tpu.memref_slice %arg2[%mul3A_2] : memref<425984xi32, #tpu.memory_space<hbm>> -> memref<13312xi32, #tpu.memory_space<hbm>>
      tpu.enqueue_dma source(%dma_start3A_167 : memref<13312xi32, #tpu.memory_space<hbm>>) target(%arg8 : memref<13312xi32, #tpu.memory_space<vmem>>) target_semaphore(%run_scoped3A : memref<!tpu.dma_semaphore, #tpu.memory_space<semaphore_mem>>)
      %dma_wait3A_168 = tpu.memref_slice %arg2[%mul3A_2] : memref<425984xi32, #tpu.memory_space<hbm>> -> memref<13312xi32, #tpu.memory_space<hbm>>
      %dma_wait3A_169 = tpu.memref_slice %arg2[%mul3A_2] : memref<425984xi32, #tpu.memory_space<hbm>> -> memref<13312xi32, #tpu.memory_space<hbm>>
      tpu.wait_dma2 semaphore(%run_scoped3A : memref<!tpu.dma_semaphore, #tpu.memory_space<semaphore_mem>>) src(%dma_wait3A_169 : memref<13312xi32, #tpu.memory_space<hbm>>) dst(%arg8 : memref<13312xi32, #tpu.memory_space<vmem>>)
      tpu.yield
    }) : () -> ()
    "tpu.region"() ({
      %run_scoped3A = tpu.sem_alloc : memref<!tpu.dma_semaphore, #tpu.memory_space<semaphore_mem>>
      %dma_start3A_166 = tpu.memref_slice %arg3[%mul3A_2] : memref<425984xi32, #tpu.memory_space<hbm>> -> memref<13312xi32, #tpu.memory_space<hbm>>
      %dma_start3A_167 = tpu.memref_slice %arg3[%mul3A_2] : memref<425984xi32, #tpu.memory_space<hbm>> -> memref<13312xi32, #tpu.memory_space<hbm>>
      tpu.enqueue_dma source(%dma_start3A_167 : memref<13312xi32, #tpu.memory_space<hbm>>) target(%arg9 : memref<13312xi32, #tpu.memory_space<vmem>>) target_semaphore(%run_scoped3A : memref<!tpu.dma_semaphore, #tpu.memory_space<semaphore_mem>>)
      %dma_wait3A_168 = tpu.memref_slice %arg3[%mul3A_2] : memref<425984xi32, #tpu.memory_space<hbm>> -> memref<13312xi32, #tpu.memory_space<hbm>>
      %dma_wait3A_169 = tpu.memref_slice %arg3[%mul3A_2] : memref<425984xi32, #tpu.memory_space<hbm>> -> memref<13312xi32, #tpu.memory_space<hbm>>
      tpu.wait_dma2 semaphore(%run_scoped3A : memref<!tpu.dma_semaphore, #tpu.memory_space<semaphore_mem>>) src(%dma_wait3A_169 : memref<13312xi32, #tpu.memory_space<hbm>>) dst(%arg9 : memref<13312xi32, #tpu.memory_space<vmem>>)
      tpu.yield
    }) : () -> ()
    "tpu.region"() ({
      %run_scoped3A = tpu.sem_alloc : memref<!tpu.dma_semaphore, #tpu.memory_space<semaphore_mem>>
      tpu.enqueue_dma source(%arg5 : memref<128xi32, #tpu.memory_space<hbm>>) target(%arg11 : memref<128xi32, #tpu.memory_space<vmem>>) target_semaphore(%run_scoped3A : memref<!tpu.dma_semaphore, #tpu.memory_space<semaphore_mem>>)
      tpu.wait_dma2 semaphore(%run_scoped3A : memref<!tpu.dma_semaphore, #tpu.memory_space<semaphore_mem>>) src(%arg5 : memref<128xi32, #tpu.memory_space<hbm>>) dst(%arg11 : memref<128xi32, #tpu.memory_space<vmem>>)
      tpu.yield
    }) : () -> ()
    "tpu.region"() ({
      %run_scoped3A = tpu.sem_alloc : memref<!tpu.dma_semaphore, #tpu.memory_space<semaphore_mem>>
      tpu.enqueue_dma source(%arg6 : memref<128xi32, #tpu.memory_space<hbm>>) target(%arg12 : memref<128xi32, #tpu.memory_space<vmem>>) target_semaphore(%run_scoped3A : memref<!tpu.dma_semaphore, #tpu.memory_space<semaphore_mem>>)
      tpu.wait_dma2 semaphore(%run_scoped3A : memref<!tpu.dma_semaphore, #tpu.memory_space<semaphore_mem>>) src(%arg6 : memref<128xi32, #tpu.memory_space<hbm>>) dst(%arg12 : memref<128xi32, #tpu.memory_space<vmem>>)
      tpu.yield
    }) : () -> ()
    %get3A = arith.constant 0 : index
    %get3A_3 = tpu.vector_load %arg12[%get3A] {strides = array<i32>} : memref<128xi32, #tpu.memory_space<vmem>>, vector<16xi32>,
    %convert_element_type3A = arith.sitofp %get3A_3 : vector<16xi32> to vector<16xf32>
    %div3A = arith.constant 1.000000e+00 : f32
    %div3A_4 = vector.broadcast %div3A : f32 to vector<16xf32>
    %div3A_5 = arith.divf %div3A_4, %convert_element_type3A : vector<16xf32>
    %swap3A = arith.constant 0 : index
    %swap3A_6 = tpu.vector_load %arg13[%swap3A] {strides = array<i32>} : memref<128xf32, #tpu.memory_space<vmem>>, vector<16xf32>,
    tpu.vector_store %arg13[%swap3A], %div3A_5 {strides = array<i32>} : memref<128xf32, #tpu.memory_space<vmem>>, vector<16xf32>,
    %get3A_7 = arith.constant 16 : index
    %get3A_8 = tpu.vector_load %arg12[%get3A_7] {strides = array<i32>} : memref<128xi32, #tpu.memory_space<vmem>>, vector<16xi32>,
    %convert_element_type3A_9 = arith.sitofp %get3A_8 : vector<16xi32> to vector<16xf32>
    %div3A_10 = arith.constant 1.000000e+00 : f32
    %div3A_11 = vector.broadcast %div3A_10 : f32 to vector<16xf32>
    %div3A_12 = arith.divf %div3A_11, %convert_element_type3A_9 : vector<16xf32>
    %swap3A_13 = arith.constant 16 : index
    %swap3A_14 = tpu.vector_load %arg13[%swap3A_13] {strides = array<i32>} : memref<128xf32, #tpu.memory_space<vmem>>, vector<16xf32>,
    tpu.vector_store %arg13[%swap3A_13], %div3A_12 {strides = array<i32>} : memref<128xf32, #tpu.memory_space<vmem>>, vector<16xf32>,
    %get3A_15 = arith.constant 32 : index
    %get3A_16 = tpu.vector_load %arg12[%get3A_15] {strides = array<i32>} : memref<128xi32, #tpu.memory_space<vmem>>, vector<16xi32>,
    %convert_element_type3A_17 = arith.sitofp %get3A_16 : vector<16xi32> to vector<16xf32>
    %div3A_18 = arith.constant 1.000000e+00 : f32
    %div3A_19 = vector.broadcast %div3A_18 : f32 to vector<16xf32>
    %div3A_20 = arith.divf %div3A_19, %convert_element_type3A_17 : vector<16xf32>
    %swap3A_21 = arith.constant 32 : index
    %swap3A_22 = tpu.vector_load %arg13[%swap3A_21] {strides = array<i32>} : memref<128xf32, #tpu.memory_space<vmem>>, vector<16xf32>,
    tpu.vector_store %arg13[%swap3A_21], %div3A_20 {strides = array<i32>} : memref<128xf32, #tpu.memory_space<vmem>>, vector<16xf32>,
    %get3A_23 = arith.constant 48 : index
    %get3A_24 = tpu.vector_load %arg12[%get3A_23] {strides = array<i32>} : memref<128xi32, #tpu.memory_space<vmem>>, vector<16xi32>,
    %convert_element_type3A_25 = arith.sitofp %get3A_24 : vector<16xi32> to vector<16xf32>
    %div3A_26 = arith.constant 1.000000e+00 : f32
    %div3A_27 = vector.broadcast %div3A_26 : f32 to vector<16xf32>
    %div3A_28 = arith.divf %div3A_27, %convert_element_type3A_25 : vector<16xf32>
    %swap3A_29 = arith.constant 48 : index
    %swap3A_30 = tpu.vector_load %arg13[%swap3A_29] {strides = array<i32>} : memref<128xf32, #tpu.memory_space<vmem>>, vector<16xf32>,
    tpu.vector_store %arg13[%swap3A_29], %div3A_28 {strides = array<i32>} : memref<128xf32, #tpu.memory_space<vmem>>, vector<16xf32>,
    %get3A_31 = arith.constant 64 : index
    %get3A_32 = tpu.vector_load %arg12[%get3A_31] {strides = array<i32>} : memref<128xi32, #tpu.memory_space<vmem>>, vector<16xi32>,
    %convert_element_type3A_33 = arith.sitofp %get3A_32 : vector<16xi32> to vector<16xf32>
    %div3A_34 = arith.constant 1.000000e+00 : f32
    %div3A_35 = vector.broadcast %div3A_34 : f32 to vector<16xf32>
    %div3A_36 = arith.divf %div3A_35, %convert_element_type3A_33 : vector<16xf32>
    %swap3A_37 = arith.constant 64 : index
    %swap3A_38 = tpu.vector_load %arg13[%swap3A_37] {strides = array<i32>} : memref<128xf32, #tpu.memory_space<vmem>>, vector<16xf32>,
    tpu.vector_store %arg13[%swap3A_37], %div3A_36 {strides = array<i32>} : memref<128xf32, #tpu.memory_space<vmem>>, vector<16xf32>,
    %get3A_39 = arith.constant 80 : index
    %get3A_40 = tpu.vector_load %arg12[%get3A_39] {strides = array<i32>} : memref<128xi32, #tpu.memory_space<vmem>>, vector<16xi32>,
    %convert_element_type3A_41 = arith.sitofp %get3A_40 : vector<16xi32> to vector<16xf32>
    %div3A_42 = arith.constant 1.000000e+00 : f32
    %div3A_43 = vector.broadcast %div3A_42 : f32 to vector<16xf32>
    %div3A_44 = arith.divf %div3A_43, %convert_element_type3A_41 : vector<16xf32>
    %swap3A_45 = arith.constant 80 : index
    %swap3A_46 = tpu.vector_load %arg13[%swap3A_45] {strides = array<i32>} : memref<128xf32, #tpu.memory_space<vmem>>, vector<16xf32>,
    tpu.vector_store %arg13[%swap3A_45], %div3A_44 {strides = array<i32>} : memref<128xf32, #tpu.memory_space<vmem>>, vector<16xf32>,
    %get3A_47 = arith.constant 96 : index
    %get3A_48 = tpu.vector_load %arg12[%get3A_47] {strides = array<i32>} : memref<128xi32, #tpu.memory_space<vmem>>, vector<16xi32>,
    %convert_element_type3A_49 = arith.sitofp %get3A_48 : vector<16xi32> to vector<16xf32>
    %div3A_50 = arith.constant 1.000000e+00 : f32
    %div3A_51 = vector.broadcast %div3A_50 : f32 to vector<16xf32>
    %div3A_52 = arith.divf %div3A_51, %convert_element_type3A_49 : vector<16xf32>
    %swap3A_53 = arith.constant 96 : index
    %swap3A_54 = tpu.vector_load %arg13[%swap3A_53] {strides = array<i32>} : memref<128xf32, #tpu.memory_space<vmem>>, vector<16xf32>,
    tpu.vector_store %arg13[%swap3A_53], %div3A_52 {strides = array<i32>} : memref<128xf32, #tpu.memory_space<vmem>>, vector<16xf32>,
    %get3A_55 = arith.constant 112 : index
    %get3A_56 = tpu.vector_load %arg12[%get3A_55] {strides = array<i32>} : memref<128xi32, #tpu.memory_space<vmem>>, vector<16xi32>,
    %convert_element_type3A_57 = arith.sitofp %get3A_56 : vector<16xi32> to vector<16xf32>
    %div3A_58 = arith.constant 1.000000e+00 : f32
    %div3A_59 = vector.broadcast %div3A_58 : f32 to vector<16xf32>
    %div3A_60 = arith.divf %div3A_59, %convert_element_type3A_57 : vector<16xf32>
    %swap3A_61 = arith.constant 112 : index
    %swap3A_62 = tpu.vector_load %arg13[%swap3A_61] {strides = array<i32>} : memref<128xf32, #tpu.memory_space<vmem>>, vector<16xf32>,
    tpu.vector_store %arg13[%swap3A_61], %div3A_60 {strides = array<i32>} : memref<128xf32, #tpu.memory_space<vmem>>, vector<16xf32>,
    %scan3A = arith.constant 0 : i32
    %scan3A_63 = arith.constant 0 : i32
    %scan3A_64 = arith.constant 26 : i32
    %scan3A_65 = arith.addi %scan3A_63, %scan3A_64 : i32
    %scan3A_66 = arith.constant 1 : i32
    scf.for %scan3A_166 = %scan3A_63 to %scan3A_65 step %scan3A_66  : i32 {
      %mul3A_167 = arith.constant 8 : i32
      %mul3A_168 = arith.muli %scan3A_166, %mul3A_167 : i32
      %add3A_169 = arith.constant 0 : i32
      %add3A_170 = arith.addi %mul3A_168, %add3A_169 : i32
      %mul3A_171 = arith.constant 64 : i32
      %mul3A_172 = arith.muli %add3A_170, %mul3A_171 : i32
      %add3A_173 = arith.constant 0 : i32
      %add3A_174 = arith.addi %mul3A_172, %add3A_173 : i32
      %get3A_175 = arith.index_cast %add3A_174 : i32 to index
      %get3A_176 = tpu.vector_load %arg8[%get3A_175] {strides = array<i32>} : memref<13312xi32, #tpu.memory_space<vmem>>, vector<16xi32>,
      %mul3A_177 = arith.constant 64 : i32
      %mul3A_178 = arith.muli %add3A_170, %mul3A_177 : i32
      %add3A_179 = arith.constant 0 : i32
      %add3A_180 = arith.addi %mul3A_178, %add3A_179 : i32
      %get3A_181 = arith.index_cast %add3A_180 : i32 to index
      %get3A_182 = tpu.vector_load %arg9[%get3A_181] {strides = array<i32>} : memref<13312xi32, #tpu.memory_space<vmem>>, vector<16xi32>,
      %gather3A = tpu.vector_load_idx %arg11[%get3A_182] : memref<128xi32, #tpu.memory_space<vmem>>[vector<16xi32>], vector<16xi32>,
      %gather3A_183 = tpu.vector_load_idx %arg12[%get3A_182] : memref<128xi32, #tpu.memory_space<vmem>>[vector<16xi32>], vector<16xi32>,
      %gather3A_184 = tpu.vector_load_idx %arg13[%get3A_182] : memref<128xf32, #tpu.memory_space<vmem>>[vector<16xi32>], vector<16xf32>,
      %mul3A_185 = arith.constant -1640531535 : i32
      %mul3A_186 = vector.broadcast %mul3A_185 : i32 to vector<16xi32>
      %mul3A_187 = arith.muli %get3A_176, %mul3A_186 : vector<16xi32>
      %convert_element_type3A_188 = arith.sitofp %mul3A_187 : vector<16xi32> to vector<16xf32>
      %mul3A_189 = arith.mulf %convert_element_type3A_188, %gather3A_184 : vector<16xf32>
      %convert_element_type3A_190 = arith.fptosi %mul3A_189 : vector<16xf32> to vector<16xi32>
      %mul3A_191 = arith.muli %convert_element_type3A_190, %gather3A_183 : vector<16xi32>
      %sub3A = arith.subi %mul3A_187, %mul3A_191 : vector<16xi32>
      %lt3A = arith.constant 0 : i32
      %lt3A_192 = vector.broadcast %lt3A : i32 to vector<16xi32>
      %lt3A_193 = arith.cmpi slt, %sub3A, %lt3A_192 : vector<16xi32>
      %add3A_194 = arith.addi %sub3A, %gather3A_183 : vector<16xi32>
      %select_n3A = arith.select %lt3A_193, %add3A_194, %sub3A : vector<16xi1>, vector<16xi32>
      %lt3A_195 = arith.constant 0 : i32
      %lt3A_196 = vector.broadcast %lt3A_195 : i32 to vector<16xi32>
      %lt3A_197 = arith.cmpi slt, %select_n3A, %lt3A_196 : vector<16xi32>
      %add3A_198 = arith.addi %select_n3A, %gather3A_183 : vector<16xi32>
      %select_n3A_199 = arith.select %lt3A_197, %add3A_198, %select_n3A : vector<16xi1>, vector<16xi32>
      %ge3A = arith.cmpi sge, %select_n3A_199, %gather3A_183 : vector<16xi32>
      %sub3A_200 = arith.subi %select_n3A_199, %gather3A_183 : vector<16xi32>
      %select_n3A_201 = arith.select %ge3A, %sub3A_200, %select_n3A_199 : vector<16xi1>, vector<16xi32>
      %ge3A_202 = arith.cmpi sge, %select_n3A_201, %gather3A_183 : vector<16xi32>
      %sub3A_203 = arith.subi %select_n3A_201, %gather3A_183 : vector<16xi32>
      %select_n3A_204 = arith.select %ge3A_202, %sub3A_203, %select_n3A_201 : vector<16xi1>, vector<16xi32>
      %add3A_205 = arith.addi %gather3A, %select_n3A_204 : vector<16xi32>
      %swap3A_206 = arith.constant 0 : i32
      %swap3A_207 = arith.index_cast %swap3A_206 : i32 to index
      %swap3A_208 = arith.constant 0 : index
      %swap3A_209 = tpu.vector_load %arg10[%swap3A_207, %swap3A_208] {strides = array<i32>} : memref<8x64xi32, #tpu.memory_space<vmem>>, vector<16xi32>,
      tpu.vector_store %arg10[%swap3A_207, %swap3A_208], %add3A_205 {strides = array<i32>} : memref<8x64xi32, #tpu.memory_space<vmem>>, vector<16xi32>,
      %mul3A_210 = arith.constant 64 : i32
      %mul3A_211 = arith.muli %add3A_170, %mul3A_210 : i32
      %add3A_212 = arith.constant 16 : i32
      %add3A_213 = arith.addi %mul3A_211, %add3A_212 : i32
      %get3A_214 = arith.index_cast %add3A_213 : i32 to index
      %get3A_215 = tpu.vector_load %arg8[%get3A_214] {strides = array<i32>} : memref<13312xi32, #tpu.memory_space<vmem>>, vector<16xi32>,
      %mul3A_216 = arith.constant 64 : i32
      %mul3A_217 = arith.muli %add3A_170, %mul3A_216 : i32
      %add3A_218 = arith.constant 16 : i32
      %add3A_219 = arith.addi %mul3A_217, %add3A_218 : i32
      %get3A_220 = arith.index_cast %add3A_219 : i32 to index
      %get3A_221 = tpu.vector_load %arg9[%get3A_220] {strides = array<i32>} : memref<13312xi32, #tpu.memory_space<vmem>>, vector<16xi32>,
      %gather3A_222 = tpu.vector_load_idx %arg11[%get3A_221] : memref<128xi32, #tpu.memory_space<vmem>>[vector<16xi32>], vector<16xi32>,
      %gather3A_223 = tpu.vector_load_idx %arg12[%get3A_221] : memref<128xi32, #tpu.memory_space<vmem>>[vector<16xi32>], vector<16xi32>,
      %gather3A_224 = tpu.vector_load_idx %arg13[%get3A_221] : memref<128xf32, #tpu.memory_space<vmem>>[vector<16xi32>], vector<16xf32>,
      %mul3A_225 = arith.constant -1640531535 : i32
      %mul3A_226 = vector.broadcast %mul3A_225 : i32 to vector<16xi32>
      %mul3A_227 = arith.muli %get3A_215, %mul3A_226 : vector<16xi32>
      %convert_element_type3A_228 = arith.sitofp %mul3A_227 : vector<16xi32> to vector<16xf32>
      %mul3A_229 = arith.mulf %convert_element_type3A_228, %gather3A_224 : vector<16xf32>
      %convert_element_type3A_230 = arith.fptosi %mul3A_229 : vector<16xf32> to vector<16xi32>
      %mul3A_231 = arith.muli %convert_element_type3A_230, %gather3A_223 : vector<16xi32>
      %sub3A_232 = arith.subi %mul3A_227, %mul3A_231 : vector<16xi32>
      %lt3A_233 = arith.constant 0 : i32
      %lt3A_234 = vector.broadcast %lt3A_233 : i32 to vector<16xi32>
      %lt3A_235 = arith.cmpi slt, %sub3A_232, %lt3A_234 : vector<16xi32>
      %add3A_236 = arith.addi %sub3A_232, %gather3A_223 : vector<16xi32>
      %select_n3A_237 = arith.select %lt3A_235, %add3A_236, %sub3A_232 : vector<16xi1>, vector<16xi32>
      %lt3A_238 = arith.constant 0 : i32
      %lt3A_239 = vector.broadcast %lt3A_238 : i32 to vector<16xi32>
      %lt3A_240 = arith.cmpi slt, %select_n3A_237, %lt3A_239 : vector<16xi32>
      %add3A_241 = arith.addi %select_n3A_237, %gather3A_223 : vector<16xi32>
      %select_n3A_242 = arith.select %lt3A_240, %add3A_241, %select_n3A_237 : vector<16xi1>, vector<16xi32>
      %ge3A_243 = arith.cmpi sge, %select_n3A_242, %gather3A_223 : vector<16xi32>
      %sub3A_244 = arith.subi %select_n3A_242, %gather3A_223 : vector<16xi32>
      %select_n3A_245 = arith.select %ge3A_243, %sub3A_244, %select_n3A_242 : vector<16xi1>, vector<16xi32>
      %ge3A_246 = arith.cmpi sge, %select_n3A_245, %gather3A_223 : vector<16xi32>
      %sub3A_247 = arith.subi %select_n3A_245, %gather3A_223 : vector<16xi32>
      %select_n3A_248 = arith.select %ge3A_246, %sub3A_247, %select_n3A_245 : vector<16xi1>, vector<16xi32>
      %add3A_249 = arith.addi %gather3A_222, %select_n3A_248 : vector<16xi32>
      %swap3A_250 = arith.constant 0 : i32
      %swap3A_251 = arith.index_cast %swap3A_250 : i32 to index
      %swap3A_252 = arith.constant 16 : index
      %swap3A_253 = tpu.vector_load %arg10[%swap3A_251, %swap3A_252] {strides = array<i32>} : memref<8x64xi32, #tpu.memory_space<vmem>>, vector<16xi32>,
      tpu.vector_store %arg10[%swap3A_251, %swap3A_252], %add3A_249 {strides = array<i32>} : memref<8x64xi32, #tpu.memory_space<vmem>>, vector<16xi32>,
      %mul3A_254 = arith.constant 64 : i32
      %mul3A_255 = arith.muli %add3A_170, %mul3A_254 : i32
      %add3A_256 = arith.constant 32 : i32
      %add3A_257 = arith.addi %mul3A_255, %add3A_256 : i32
      %get3A_258 = arith.index_cast %add3A_257 : i32 to index
      %get3A_259 = tpu.vector_load %arg8[%get3A_258] {strides = array<i32>} : memref<13312xi32, #tpu.memory_space<vmem>>, vector<16xi32>,
      %mul3A_260 = arith.constant 64 : i32
      %mul3A_261 = arith.muli %add3A_170, %mul3A_260 : i32
      %add3A_262 = arith.constant 32 : i32
      %add3A_263 = arith.addi %mul3A_261, %add3A_262 : i32
      %get3A_264 = arith.index_cast %add3A_263 : i32 to index
      %get3A_265 = tpu.vector_load %arg9[%get3A_264] {strides = array<i32>} : memref<13312xi32, #tpu.memory_space<vmem>>, vector<16xi32>,
      %gather3A_266 = tpu.vector_load_idx %arg11[%get3A_265] : memref<128xi32, #tpu.memory_space<vmem>>[vector<16xi32>], vector<16xi32>,
      %gather3A_267 = tpu.vector_load_idx %arg12[%get3A_265] : memref<128xi32, #tpu.memory_space<vmem>>[vector<16xi32>], vector<16xi32>,
      %gather3A_268 = tpu.vector_load_idx %arg13[%get3A_265] : memref<128xf32, #tpu.memory_space<vmem>>[vector<16xi32>], vector<16xf32>,
      %mul3A_269 = arith.constant -1640531535 : i32
      %mul3A_270 = vector.broadcast %mul3A_269 : i32 to vector<16xi32>
      %mul3A_271 = arith.muli %get3A_259, %mul3A_270 : vector<16xi32>
      %convert_element_type3A_272 = arith.sitofp %mul3A_271 : vector<16xi32> to vector<16xf32>
      %mul3A_273 = arith.mulf %convert_element_type3A_272, %gather3A_268 : vector<16xf32>
      %convert_element_type3A_274 = arith.fptosi %mul3A_273 : vector<16xf32> to vector<16xi32>
      %mul3A_275 = arith.muli %convert_element_type3A_274, %gather3A_267 : vector<16xi32>
      %sub3A_276 = arith.subi %mul3A_271, %mul3A_275 : vector<16xi32>
      %lt3A_277 = arith.constant 0 : i32
      %lt3A_278 = vector.broadcast %lt3A_277 : i32 to vector<16xi32>
      %lt3A_279 = arith.cmpi slt, %sub3A_276, %lt3A_278 : vector<16xi32>
      %add3A_280 = arith.addi %sub3A_276, %gather3A_267 : vector<16xi32>
      %select_n3A_281 = arith.select %lt3A_279, %add3A_280, %sub3A_276 : vector<16xi1>, vector<16xi32>
      %lt3A_282 = arith.constant 0 : i32
      %lt3A_283 = vector.broadcast %lt3A_282 : i32 to vector<16xi32>
      %lt3A_284 = arith.cmpi slt, %select_n3A_281, %lt3A_283 : vector<16xi32>
      %add3A_285 = arith.addi %select_n3A_281, %gather3A_267 : vector<16xi32>
      %select_n3A_286 = arith.select %lt3A_284, %add3A_285, %select_n3A_281 : vector<16xi1>, vector<16xi32>
      %ge3A_287 = arith.cmpi sge, %select_n3A_286, %gather3A_267 : vector<16xi32>
      %sub3A_288 = arith.subi %select_n3A_286, %gather3A_267 : vector<16xi32>
      %select_n3A_289 = arith.select %ge3A_287, %sub3A_288, %select_n3A_286 : vector<16xi1>, vector<16xi32>
      %ge3A_290 = arith.cmpi sge, %select_n3A_289, %gather3A_267 : vector<16xi32>
      %sub3A_291 = arith.subi %select_n3A_289, %gather3A_267 : vector<16xi32>
      %select_n3A_292 = arith.select %ge3A_290, %sub3A_291, %select_n3A_289 : vector<16xi1>, vector<16xi32>
      %add3A_293 = arith.addi %gather3A_266, %select_n3A_292 : vector<16xi32>
      %swap3A_294 = arith.constant 0 : i32
      %swap3A_295 = arith.index_cast %swap3A_294 : i32 to index
      %swap3A_296 = arith.constant 32 : index
      %swap3A_297 = tpu.vector_load %arg10[%swap3A_295, %swap3A_296] {strides = array<i32>} : memref<8x64xi32, #tpu.memory_space<vmem>>, vector<16xi32>,
      tpu.vector_store %arg10[%swap3A_295, %swap3A_296], %add3A_293 {strides = array<i32>} : memref<8x64xi32, #tpu.memory_space<vmem>>, vector<16xi32>,
      %mul3A_298 = arith.constant 64 : i32
      %mul3A_299 = arith.muli %add3A_170, %mul3A_298 : i32
      %add3A_300 = arith.constant 48 : i32
      %add3A_301 = arith.addi %mul3A_299, %add3A_300 : i32
      %get3A_302 = arith.index_cast %add3A_301 : i32 to index
      %get3A_303 = tpu.vector_load %arg8[%get3A_302] {strides = array<i32>} : memref<13312xi32, #tpu.memory_space<vmem>>, vector<16xi32>,
      %mul3A_304 = arith.constant 64 : i32
      %mul3A_305 = arith.muli %add3A_170, %mul3A_304 : i32
      %add3A_306 = arith.constant 48 : i32
      %add3A_307 = arith.addi %mul3A_305, %add3A_306 : i32
      %get3A_308 = arith.index_cast %add3A_307 : i32 to index
      %get3A_309 = tpu.vector_load %arg9[%get3A_308] {strides = array<i32>} : memref<13312xi32, #tpu.memory_space<vmem>>, vector<16xi32>,
      %gather3A_310 = tpu.vector_load_idx %arg11[%get3A_309] : memref<128xi32, #tpu.memory_space<vmem>>[vector<16xi32>], vector<16xi32>,
      %gather3A_311 = tpu.vector_load_idx %arg12[%get3A_309] : memref<128xi32, #tpu.memory_space<vmem>>[vector<16xi32>], vector<16xi32>,
      %gather3A_312 = tpu.vector_load_idx %arg13[%get3A_309] : memref<128xf32, #tpu.memory_space<vmem>>[vector<16xi32>], vector<16xf32>,
      %mul3A_313 = arith.constant -1640531535 : i32
      %mul3A_314 = vector.broadcast %mul3A_313 : i32 to vector<16xi32>
      %mul3A_315 = arith.muli %get3A_303, %mul3A_314 : vector<16xi32>
      %convert_element_type3A_316 = arith.sitofp %mul3A_315 : vector<16xi32> to vector<16xf32>
      %mul3A_317 = arith.mulf %convert_element_type3A_316, %gather3A_312 : vector<16xf32>
      %convert_element_type3A_318 = arith.fptosi %mul3A_317 : vector<16xf32> to vector<16xi32>
      %mul3A_319 = arith.muli %convert_element_type3A_318, %gather3A_311 : vector<16xi32>
      %sub3A_320 = arith.subi %mul3A_315, %mul3A_319 : vector<16xi32>
      %lt3A_321 = arith.constant 0 : i32
      %lt3A_322 = vector.broadcast %lt3A_321 : i32 to vector<16xi32>
      %lt3A_323 = arith.cmpi slt, %sub3A_320, %lt3A_322 : vector<16xi32>
      %add3A_324 = arith.addi %sub3A_320, %gather3A_311 : vector<16xi32>
      %select_n3A_325 = arith.select %lt3A_323, %add3A_324, %sub3A_320 : vector<16xi1>, vector<16xi32>
      %lt3A_326 = arith.constant 0 : i32
      %lt3A_327 = vector.broadcast %lt3A_326 : i32 to vector<16xi32>
      %lt3A_328 = arith.cmpi slt, %select_n3A_325, %lt3A_327 : vector<16xi32>
      %add3A_329 = arith.addi %select_n3A_325, %gather3A_311 : vector<16xi32>
      %select_n3A_330 = arith.select %lt3A_328, %add3A_329, %select_n3A_325 : vector<16xi1>, vector<16xi32>
      %ge3A_331 = arith.cmpi sge, %select_n3A_330, %gather3A_311 : vector<16xi32>
      %sub3A_332 = arith.subi %select_n3A_330, %gather3A_311 : vector<16xi32>
      %select_n3A_333 = arith.select %ge3A_331, %sub3A_332, %select_n3A_330 : vector<16xi1>, vector<16xi32>
      %ge3A_334 = arith.cmpi sge, %select_n3A_333, %gather3A_311 : vector<16xi32>
      %sub3A_335 = arith.subi %select_n3A_333, %gather3A_311 : vector<16xi32>
      %select_n3A_336 = arith.select %ge3A_334, %sub3A_335, %select_n3A_333 : vector<16xi1>, vector<16xi32>
      %add3A_337 = arith.addi %gather3A_310, %select_n3A_336 : vector<16xi32>
      %swap3A_338 = arith.constant 0 : i32
      %swap3A_339 = arith.index_cast %swap3A_338 : i32 to index
      %swap3A_340 = arith.constant 48 : index
      %swap3A_341 = tpu.vector_load %arg10[%swap3A_339, %swap3A_340] {strides = array<i32>} : memref<8x64xi32, #tpu.memory_space<vmem>>, vector<16xi32>,
      tpu.vector_store %arg10[%swap3A_339, %swap3A_340], %add3A_337 {strides = array<i32>} : memref<8x64xi32, #tpu.memory_space<vmem>>, vector<16xi32>,
      %gt3A = arith.constant 0 : i32
      %gt3A_342 = arith.cmpi sgt, %scan3A_166, %gt3A : i32
      %convert_element_type3A_343 = arith.extui %gt3A_342 : i1 to i32
      %cond3A = arith.constant 0 : i32
      %cond3A_344 = arith.cmpi ne, %convert_element_type3A_343, %cond3A : i32
      scf.if %cond3A_344 {
        %dma_wait3A_1780 = arith.constant 4 : i32
        %dma_wait3A_1781 = arith.constant 0 : i32
        %dma_wait3A_1782 = tpu.memref_slice %arg10[%dma_wait3A_1780, %dma_wait3A_1781] : memref<8x64xi32, #tpu.memory_space<vmem>> -> memref<1x64xi32, #tpu.memory_space<vmem>>
        %dma_wait3A_1783 = tpu.memref_squeeze %dma_wait3A_1782 : memref<1x64xi32, #tpu.memory_space<vmem>> -> memref<64xi32, #tpu.memory_space<vmem>>
        %dma_wait3A_1784 = arith.constant 0 : i32
        %dma_wait3A_1785 = arith.constant 0 : i32
        %dma_wait3A_1786 = tpu.memref_slice %arg4[%dma_wait3A_1784, %dma_wait3A_1785] : memref<2600000x128xf32, #tpu.memory_space<hbm>> -> memref<2600000x128xf32, #tpu.memory_space<hbm>>
        tpu.wait_indirect_dma semaphore(%arg26 : memref<!tpu.dma_semaphore, #tpu.memory_space<semaphore_mem>>) src(%dma_wait3A_1786 : memref<2600000x128xf32, #tpu.memory_space<hbm>>) dst(%arg18 : memref<64x128xf32, #tpu.memory_space<vmem>>)
        %sub3A_1787 = arith.constant 4 : i32
        %sub3A_1788 = arith.subi %add3A_170, %sub3A_1787 : i32
        %mul3A_1789 = arith.constant 64 : i32
        %mul3A_1790 = arith.muli %sub3A_1788, %mul3A_1789 : i32
        %add3A_1791 = arith.addi %mul3A_2, %mul3A_1790 : i32
        %dma_start3A_1792 = arith.constant 0 : i32
        %dma_start3A_1793 = tpu.memref_slice %arg7[%add3A_1791, %dma_start3A_1792] : memref<425984x128xf32, #tpu.memory_space<hbm>> -> memref<64x128xf32, #tpu.memory_space<hbm>>
        %dma_start3A_1794 = arith.constant 0 : i32
        %dma_start3A_1795 = tpu.memref_slice %arg7[%add3A_1791, %dma_start3A_1794] : memref<425984x128xf32, #tpu.memory_space<hbm>> -> memref<64x128xf32, #tpu.memory_space<hbm>>
        tpu.enqueue_dma source(%arg18 : memref<64x128xf32, #tpu.memory_space<vmem>>) target(%dma_start3A_1795 : memref<64x128xf32, #tpu.memory_space<hbm>>) target_semaphore(%arg34 : memref<!tpu.dma_semaphore, #tpu.memory_space<semaphore_mem>>)
      } else {
      }
      %gt3A_345 = arith.constant 0 : i32
      %gt3A_346 = arith.cmpi sgt, %scan3A_166, %gt3A_345 : i32
      %convert_element_type3A_347 = arith.extui %gt3A_346 : i1 to i32
      %cond3A_348 = arith.constant 0 : i32
      %cond3A_349 = arith.cmpi ne, %convert_element_type3A_347, %cond3A_348 : i32
      scf.if %cond3A_349 {
        %sub3A_1780 = arith.constant 8 : i32
        %sub3A_1781 = arith.subi %add3A_170, %sub3A_1780 : i32
        %mul3A_1782 = arith.constant 64 : i32
        %mul3A_1783 = arith.muli %sub3A_1781, %mul3A_1782 : i32
        %add3A_1784 = arith.addi %mul3A_2, %mul3A_1783 : i32
        %dma_wait3A_1785 = arith.constant 0 : i32
        %dma_wait3A_1786 = tpu.memref_slice %arg7[%add3A_1784, %dma_wait3A_1785] : memref<425984x128xf32, #tpu.memory_space<hbm>> -> memref<64x128xf32, #tpu.memory_space<hbm>>
        %dma_wait3A_1787 = arith.constant 0 : i32
        %dma_wait3A_1788 = tpu.memref_slice %arg7[%add3A_1784, %dma_wait3A_1787] : memref<425984x128xf32, #tpu.memory_space<hbm>> -> memref<64x128xf32, #tpu.memory_space<hbm>>
        tpu.wait_dma2 semaphore(%arg30 : memref<!tpu.dma_semaphore, #tpu.memory_space<semaphore_mem>>) src(%arg14 : memref<64x128xf32, #tpu.memory_space<vmem>>) dst(%dma_wait3A_1788 : memref<64x128xf32, #tpu.memory_space<hbm>>)
      } else {
      }
      %dma_start3A_350 = arith.constant 0 : i32
      %dma_start3A_351 = arith.constant 0 : i32
      %dma_start3A_352 = tpu.memref_slice %arg10[%dma_start3A_350, %dma_start3A_351] : memref<8x64xi32, #tpu.memory_space<vmem>> -> memref<1x64xi32, #tpu.memory_space<vmem>>
      %dma_start3A_353 = tpu.memref_squeeze %dma_start3A_352 : memref<1x64xi32, #tpu.memory_space<vmem>> -> memref<64xi32, #tpu.memory_space<vmem>>
      %dma_start3A_354 = arith.constant 0 : i32
      %dma_start3A_355 = arith.constant 0 : i32
      %dma_start3A_356 = tpu.memref_slice %arg4[%dma_start3A_354, %dma_start3A_355] : memref<2600000x128xf32, #tpu.memory_space<hbm>> -> memref<2600000x128xf32, #tpu.memory_space<hbm>>
      tpu.enqueue_indirect_dma source(%dma_start3A_356 : memref<2600000x128xf32, #tpu.memory_space<hbm>>) target(%arg14 : memref<64x128xf32, #tpu.memory_space<vmem>>) offsets(%dma_start3A_353 : memref<64xi32, #tpu.memory_space<vmem>>) semaphore(%arg22 : memref<!tpu.dma_semaphore, #tpu.memory_space<semaphore_mem>>)
      %mul3A_357 = arith.constant 8 : i32
      %mul3A_358 = arith.muli %scan3A_166, %mul3A_357 : i32
      %add3A_359 = arith.constant 1 : i32
      %add3A_360 = arith.addi %mul3A_358, %add3A_359 : i32
      %mul3A_361 = arith.constant 64 : i32
      %mul3A_362 = arith.muli %add3A_360, %mul3A_361 : i32
      %add3A_363 = arith.constant 0 : i32
      %add3A_364 = arith.addi %mul3A_362, %add3A_363 : i32
      %get3A_365 = arith.index_cast %add3A_364 : i32 to index
      %get3A_366 = tpu.vector_load %arg8[%get3A_365] {strides = array<i32>} : memref<13312xi32, #tpu.memory_space<vmem>>, vector<16xi32>,
      %mul3A_367 = arith.constant 64 : i32
      %mul3A_368 = arith.muli %add3A_360, %mul3A_367 : i32
      %add3A_369 = arith.constant 0 : i32
      %add3A_370 = arith.addi %mul3A_368, %add3A_369 : i32
      %get3A_371 = arith.index_cast %add3A_370 : i32 to index
      %get3A_372 = tpu.vector_load %arg9[%get3A_371] {strides = array<i32>} : memref<13312xi32, #tpu.memory_space<vmem>>, vector<16xi32>,
      %gather3A_373 = tpu.vector_load_idx %arg11[%get3A_372] : memref<128xi32, #tpu.memory_space<vmem>>[vector<16xi32>], vector<16xi32>,
      %gather3A_374 = tpu.vector_load_idx %arg12[%get3A_372] : memref<128xi32, #tpu.memory_space<vmem>>[vector<16xi32>], vector<16xi32>,
      %gather3A_375 = tpu.vector_load_idx %arg13[%get3A_372] : memref<128xf32, #tpu.memory_space<vmem>>[vector<16xi32>], vector<16xf32>,
      %mul3A_376 = arith.constant -1640531535 : i32
      %mul3A_377 = vector.broadcast %mul3A_376 : i32 to vector<16xi32>
      %mul3A_378 = arith.muli %get3A_366, %mul3A_377 : vector<16xi32>
      %convert_element_type3A_379 = arith.sitofp %mul3A_378 : vector<16xi32> to vector<16xf32>
      %mul3A_380 = arith.mulf %convert_element_type3A_379, %gather3A_375 : vector<16xf32>
      %convert_element_type3A_381 = arith.fptosi %mul3A_380 : vector<16xf32> to vector<16xi32>
      %mul3A_382 = arith.muli %convert_element_type3A_381, %gather3A_374 : vector<16xi32>
      %sub3A_383 = arith.subi %mul3A_378, %mul3A_382 : vector<16xi32>
      %lt3A_384 = arith.constant 0 : i32
      %lt3A_385 = vector.broadcast %lt3A_384 : i32 to vector<16xi32>
      %lt3A_386 = arith.cmpi slt, %sub3A_383, %lt3A_385 : vector<16xi32>
      %add3A_387 = arith.addi %sub3A_383, %gather3A_374 : vector<16xi32>
      %select_n3A_388 = arith.select %lt3A_386, %add3A_387, %sub3A_383 : vector<16xi1>, vector<16xi32>
      %lt3A_389 = arith.constant 0 : i32
      %lt3A_390 = vector.broadcast %lt3A_389 : i32 to vector<16xi32>
      %lt3A_391 = arith.cmpi slt, %select_n3A_388, %lt3A_390 : vector<16xi32>
      %add3A_392 = arith.addi %select_n3A_388, %gather3A_374 : vector<16xi32>
      %select_n3A_393 = arith.select %lt3A_391, %add3A_392, %select_n3A_388 : vector<16xi1>, vector<16xi32>
      %ge3A_394 = arith.cmpi sge, %select_n3A_393, %gather3A_374 : vector<16xi32>
      %sub3A_395 = arith.subi %select_n3A_393, %gather3A_374 : vector<16xi32>
      %select_n3A_396 = arith.select %ge3A_394, %sub3A_395, %select_n3A_393 : vector<16xi1>, vector<16xi32>
      %ge3A_397 = arith.cmpi sge, %select_n3A_396, %gather3A_374 : vector<16xi32>
      %sub3A_398 = arith.subi %select_n3A_396, %gather3A_374 : vector<16xi32>
      %select_n3A_399 = arith.select %ge3A_397, %sub3A_398, %select_n3A_396 : vector<16xi1>, vector<16xi32>
      %add3A_400 = arith.addi %gather3A_373, %select_n3A_399 : vector<16xi32>
      %swap3A_401 = arith.constant 1 : i32
      %swap3A_402 = arith.index_cast %swap3A_401 : i32 to index
      %swap3A_403 = arith.constant 0 : index
      %swap3A_404 = tpu.vector_load %arg10[%swap3A_402, %swap3A_403] {strides = array<i32>} : memref<8x64xi32, #tpu.memory_space<vmem>>, vector<16xi32>,
      tpu.vector_store %arg10[%swap3A_402, %swap3A_403], %add3A_400 {strides = array<i32>} : memref<8x64xi32, #tpu.memory_space<vmem>>, vector<16xi32>,
      %mul3A_405 = arith.constant 64 : i32
      %mul3A_406 = arith.muli %add3A_360, %mul3A_405 : i32
      %add3A_407 = arith.constant 16 : i32
      %add3A_408 = arith.addi %mul3A_406, %add3A_407 : i32
      %get3A_409 = arith.index_cast %add3A_408 : i32 to index
      %get3A_410 = tpu.vector_load %arg8[%get3A_409] {strides = array<i32>} : memref<13312xi32, #tpu.memory_space<vmem>>, vector<16xi32>,
      %mul3A_411 = arith.constant 64 : i32
      %mul3A_412 = arith.muli %add3A_360, %mul3A_411 : i32
      %add3A_413 = arith.constant 16 : i32
      %add3A_414 = arith.addi %mul3A_412, %add3A_413 : i32
      %get3A_415 = arith.index_cast %add3A_414 : i32 to index
      %get3A_416 = tpu.vector_load %arg9[%get3A_415] {strides = array<i32>} : memref<13312xi32, #tpu.memory_space<vmem>>, vector<16xi32>,
      %gather3A_417 = tpu.vector_load_idx %arg11[%get3A_416] : memref<128xi32, #tpu.memory_space<vmem>>[vector<16xi32>], vector<16xi32>,
      %gather3A_418 = tpu.vector_load_idx %arg12[%get3A_416] : memref<128xi32, #tpu.memory_space<vmem>>[vector<16xi32>], vector<16xi32>,
      %gather3A_419 = tpu.vector_load_idx %arg13[%get3A_416] : memref<128xf32, #tpu.memory_space<vmem>>[vector<16xi32>], vector<16xf32>,
      %mul3A_420 = arith.constant -1640531535 : i32
      %mul3A_421 = vector.broadcast %mul3A_420 : i32 to vector<16xi32>
      %mul3A_422 = arith.muli %get3A_410, %mul3A_421 : vector<16xi32>
      %convert_element_type3A_423 = arith.sitofp %mul3A_422 : vector<16xi32> to vector<16xf32>
      %mul3A_424 = arith.mulf %convert_element_type3A_423, %gather3A_419 : vector<16xf32>
      %convert_element_type3A_425 = arith.fptosi %mul3A_424 : vector<16xf32> to vector<16xi32>
      %mul3A_426 = arith.muli %convert_element_type3A_425, %gather3A_418 : vector<16xi32>
      %sub3A_427 = arith.subi %mul3A_422, %mul3A_426 : vector<16xi32>
      %lt3A_428 = arith.constant 0 : i32
      %lt3A_429 = vector.broadcast %lt3A_428 : i32 to vector<16xi32>
      %lt3A_430 = arith.cmpi slt, %sub3A_427, %lt3A_429 : vector<16xi32>
      %add3A_431 = arith.addi %sub3A_427, %gather3A_418 : vector<16xi32>
      %select_n3A_432 = arith.select %lt3A_430, %add3A_431, %sub3A_427 : vector<16xi1>, vector<16xi32>
      %lt3A_433 = arith.constant 0 : i32
      %lt3A_434 = vector.broadcast %lt3A_433 : i32 to vector<16xi32>
      %lt3A_435 = arith.cmpi slt, %select_n3A_432, %lt3A_434 : vector<16xi32>
      %add3A_436 = arith.addi %select_n3A_432, %gather3A_418 : vector<16xi32>
      %select_n3A_437 = arith.select %lt3A_435, %add3A_436, %select_n3A_432 : vector<16xi1>, vector<16xi32>
      %ge3A_438 = arith.cmpi sge, %select_n3A_437, %gather3A_418 : vector<16xi32>
      %sub3A_439 = arith.subi %select_n3A_437, %gather3A_418 : vector<16xi32>
      %select_n3A_440 = arith.select %ge3A_438, %sub3A_439, %select_n3A_437 : vector<16xi1>, vector<16xi32>
      %ge3A_441 = arith.cmpi sge, %select_n3A_440, %gather3A_418 : vector<16xi32>
      %sub3A_442 = arith.subi %select_n3A_440, %gather3A_418 : vector<16xi32>
      %select_n3A_443 = arith.select %ge3A_441, %sub3A_442, %select_n3A_440 : vector<16xi1>, vector<16xi32>
      %add3A_444 = arith.addi %gather3A_417, %select_n3A_443 : vector<16xi32>
      %swap3A_445 = arith.constant 1 : i32
      %swap3A_446 = arith.index_cast %swap3A_445 : i32 to index
      %swap3A_447 = arith.constant 16 : index
      %swap3A_448 = tpu.vector_load %arg10[%swap3A_446, %swap3A_447] {strides = array<i32>} : memref<8x64xi32, #tpu.memory_space<vmem>>, vector<16xi32>,
      tpu.vector_store %arg10[%swap3A_446, %swap3A_447], %add3A_444 {strides = array<i32>} : memref<8x64xi32, #tpu.memory_space<vmem>>, vector<16xi32>,
      %mul3A_449 = arith.constant 64 : i32
      %mul3A_450 = arith.muli %add3A_360, %mul3A_449 : i32
      %add3A_451 = arith.constant 32 : i32
      %add3A_452 = arith.addi %mul3A_450, %add3A_451 : i32
      %get3A_453 = arith.index_cast %add3A_452 : i32 to index
      %get3A_454 = tpu.vector_load %arg8[%get3A_453] {strides = array<i32>} : memref<13312xi32, #tpu.memory_space<vmem>>, vector<16xi32>,
      %mul3A_455 = arith.constant 64 : i32
      %mul3A_456 = arith.muli %add3A_360, %mul3A_455 : i32
      %add3A_457 = arith.constant 32 : i32
      %add3A_458 = arith.addi %mul3A_456, %add3A_457 : i32
      %get3A_459 = arith.index_cast %add3A_458 : i32 to index
      %get3A_460 = tpu.vector_load %arg9[%get3A_459] {strides = array<i32>} : memref<13312xi32, #tpu.memory_space<vmem>>, vector<16xi32>,
      %gather3A_461 = tpu.vector_load_idx %arg11[%get3A_460] : memref<128xi32, #tpu.memory_space<vmem>>[vector<16xi32>], vector<16xi32>,
      %gather3A_462 = tpu.vector_load_idx %arg12[%get3A_460] : memref<128xi32, #tpu.memory_space<vmem>>[vector<16xi32>], vector<16xi32>,
      %gather3A_463 = tpu.vector_load_idx %arg13[%get3A_460] : memref<128xf32, #tpu.memory_space<vmem>>[vector<16xi32>], vector<16xf32>,
      %mul3A_464 = arith.constant -1640531535 : i32
      %mul3A_465 = vector.broadcast %mul3A_464 : i32 to vector<16xi32>
      %mul3A_466 = arith.muli %get3A_454, %mul3A_465 : vector<16xi32>
      %convert_element_type3A_467 = arith.sitofp %mul3A_466 : vector<16xi32> to vector<16xf32>
      %mul3A_468 = arith.mulf %convert_element_type3A_467, %gather3A_463 : vector<16xf32>
      %convert_element_type3A_469 = arith.fptosi %mul3A_468 : vector<16xf32> to vector<16xi32>
      %mul3A_470 = arith.muli %convert_element_type3A_469, %gather3A_462 : vector<16xi32>
      %sub3A_471 = arith.subi %mul3A_466, %mul3A_470 : vector<16xi32>
      %lt3A_472 = arith.constant 0 : i32
      %lt3A_473 = vector.broadcast %lt3A_472 : i32 to vector<16xi32>
      %lt3A_474 = arith.cmpi slt, %sub3A_471, %lt3A_473 : vector<16xi32>
      %add3A_475 = arith.addi %sub3A_471, %gather3A_462 : vector<16xi32>
      %select_n3A_476 = arith.select %lt3A_474, %add3A_475, %sub3A_471 : vector<16xi1>, vector<16xi32>
      %lt3A_477 = arith.constant 0 : i32
      %lt3A_478 = vector.broadcast %lt3A_477 : i32 to vector<16xi32>
      %lt3A_479 = arith.cmpi slt, %select_n3A_476, %lt3A_478 : vector<16xi32>
      %add3A_480 = arith.addi %select_n3A_476, %gather3A_462 : vector<16xi32>
      %select_n3A_481 = arith.select %lt3A_479, %add3A_480, %select_n3A_476 : vector<16xi1>, vector<16xi32>
      %ge3A_482 = arith.cmpi sge, %select_n3A_481, %gather3A_462 : vector<16xi32>
      %sub3A_483 = arith.subi %select_n3A_481, %gather3A_462 : vector<16xi32>
      %select_n3A_484 = arith.select %ge3A_482, %sub3A_483, %select_n3A_481 : vector<16xi1>, vector<16xi32>
      %ge3A_485 = arith.cmpi sge, %select_n3A_484, %gather3A_462 : vector<16xi32>
      %sub3A_486 = arith.subi %select_n3A_484, %gather3A_462 : vector<16xi32>
      %select_n3A_487 = arith.select %ge3A_485, %sub3A_486, %select_n3A_484 : vector<16xi1>, vector<16xi32>
      %add3A_488 = arith.addi %gather3A_461, %select_n3A_487 : vector<16xi32>
      %swap3A_489 = arith.constant 1 : i32
      %swap3A_490 = arith.index_cast %swap3A_489 : i32 to index
      %swap3A_491 = arith.constant 32 : index
      %swap3A_492 = tpu.vector_load %arg10[%swap3A_490, %swap3A_491] {strides = array<i32>} : memref<8x64xi32, #tpu.memory_space<vmem>>, vector<16xi32>,
      tpu.vector_store %arg10[%swap3A_490, %swap3A_491], %add3A_488 {strides = array<i32>} : memref<8x64xi32, #tpu.memory_space<vmem>>, vector<16xi32>,
      %mul3A_493 = arith.constant 64 : i32
      %mul3A_494 = arith.muli %add3A_360, %mul3A_493 : i32
      %add3A_495 = arith.constant 48 : i32
      %add3A_496 = arith.addi %mul3A_494, %add3A_495 : i32
      %get3A_497 = arith.index_cast %add3A_496 : i32 to index
      %get3A_498 = tpu.vector_load %arg8[%get3A_497] {strides = array<i32>} : memref<13312xi32, #tpu.memory_space<vmem>>, vector<16xi32>,
      %mul3A_499 = arith.constant 64 : i32
      %mul3A_500 = arith.muli %add3A_360, %mul3A_499 : i32
      %add3A_501 = arith.constant 48 : i32
      %add3A_502 = arith.addi %mul3A_500, %add3A_501 : i32
      %get3A_503 = arith.index_cast %add3A_502 : i32 to index
      %get3A_504 = tpu.vector_load %arg9[%get3A_503] {strides = array<i32>} : memref<13312xi32, #tpu.memory_space<vmem>>, vector<16xi32>,
      %gather3A_505 = tpu.vector_load_idx %arg11[%get3A_504] : memref<128xi32, #tpu.memory_space<vmem>>[vector<16xi32>], vector<16xi32>,
      %gather3A_506 = tpu.vector_load_idx %arg12[%get3A_504] : memref<128xi32, #tpu.memory_space<vmem>>[vector<16xi32>], vector<16xi32>,
      %gather3A_507 = tpu.vector_load_idx %arg13[%get3A_504] : memref<128xf32, #tpu.memory_space<vmem>>[vector<16xi32>], vector<16xf32>,
      %mul3A_508 = arith.constant -1640531535 : i32
      %mul3A_509 = vector.broadcast %mul3A_508 : i32 to vector<16xi32>
      %mul3A_510 = arith.muli %get3A_498, %mul3A_509 : vector<16xi32>
      %convert_element_type3A_511 = arith.sitofp %mul3A_510 : vector<16xi32> to vector<16xf32>
      %mul3A_512 = arith.mulf %convert_element_type3A_511, %gather3A_507 : vector<16xf32>
      %convert_element_type3A_513 = arith.fptosi %mul3A_512 : vector<16xf32> to vector<16xi32>
      %mul3A_514 = arith.muli %convert_element_type3A_513, %gather3A_506 : vector<16xi32>
      %sub3A_515 = arith.subi %mul3A_510, %mul3A_514 : vector<16xi32>
      %lt3A_516 = arith.constant 0 : i32
      %lt3A_517 = vector.broadcast %lt3A_516 : i32 to vector<16xi32>
      %lt3A_518 = arith.cmpi slt, %sub3A_515, %lt3A_517 : vector<16xi32>
      %add3A_519 = arith.addi %sub3A_515, %gather3A_506 : vector<16xi32>
      %select_n3A_520 = arith.select %lt3A_518, %add3A_519, %sub3A_515 : vector<16xi1>, vector<16xi32>
      %lt3A_521 = arith.constant 0 : i32
      %lt3A_522 = vector.broadcast %lt3A_521 : i32 to vector<16xi32>
      %lt3A_523 = arith.cmpi slt, %select_n3A_520, %lt3A_522 : vector<16xi32>
      %add3A_524 = arith.addi %select_n3A_520, %gather3A_506 : vector<16xi32>
      %select_n3A_525 = arith.select %lt3A_523, %add3A_524, %select_n3A_520 : vector<16xi1>, vector<16xi32>
      %ge3A_526 = arith.cmpi sge, %select_n3A_525, %gather3A_506 : vector<16xi32>
      %sub3A_527 = arith.subi %select_n3A_525, %gather3A_506 : vector<16xi32>
      %select_n3A_528 = arith.select %ge3A_526, %sub3A_527, %select_n3A_525 : vector<16xi1>, vector<16xi32>
      %ge3A_529 = arith.cmpi sge, %select_n3A_528, %gather3A_506 : vector<16xi32>
      %sub3A_530 = arith.subi %select_n3A_528, %gather3A_506 : vector<16xi32>
      %select_n3A_531 = arith.select %ge3A_529, %sub3A_530, %select_n3A_528 : vector<16xi1>, vector<16xi32>
      %add3A_532 = arith.addi %gather3A_505, %select_n3A_531 : vector<16xi32>
      %swap3A_533 = arith.constant 1 : i32
      %swap3A_534 = arith.index_cast %swap3A_533 : i32 to index
      %swap3A_535 = arith.constant 48 : index
      %swap3A_536 = tpu.vector_load %arg10[%swap3A_534, %swap3A_535] {strides = array<i32>} : memref<8x64xi32, #tpu.memory_space<vmem>>, vector<16xi32>,
      tpu.vector_store %arg10[%swap3A_534, %swap3A_535], %add3A_532 {strides = array<i32>} : memref<8x64xi32, #tpu.memory_space<vmem>>, vector<16xi32>,
      %gt3A_537 = arith.constant 0 : i32
      %gt3A_538 = arith.cmpi sgt, %scan3A_166, %gt3A_537 : i32
      %convert_element_type3A_539 = arith.extui %gt3A_538 : i1 to i32
      %cond3A_540 = arith.constant 0 : i32
      %cond3A_541 = arith.cmpi ne, %convert_element_type3A_539, %cond3A_540 : i32
      scf.if %cond3A_541 {
        %dma_wait3A_1780 = arith.constant 5 : i32
        %dma_wait3A_1781 = arith.constant 0 : i32
        %dma_wait3A_1782 = tpu.memref_slice %arg10[%dma_wait3A_1780, %dma_wait3A_1781] : memref<8x64xi32, #tpu.memory_space<vmem>> -> memref<1x64xi32, #tpu.memory_space<vmem>>
        %dma_wait3A_1783 = tpu.memref_squeeze %dma_wait3A_1782 : memref<1x64xi32, #tpu.memory_space<vmem>> -> memref<64xi32, #tpu.memory_space<vmem>>
        %dma_wait3A_1784 = arith.constant 0 : i32
        %dma_wait3A_1785 = arith.constant 0 : i32
        %dma_wait3A_1786 = tpu.memref_slice %arg4[%dma_wait3A_1784, %dma_wait3A_1785] : memref<2600000x128xf32, #tpu.memory_space<hbm>> -> memref<2600000x128xf32, #tpu.memory_space<hbm>>
        tpu.wait_indirect_dma semaphore(%arg27 : memref<!tpu.dma_semaphore, #tpu.memory_space<semaphore_mem>>) src(%dma_wait3A_1786 : memref<2600000x128xf32, #tpu.memory_space<hbm>>) dst(%arg19 : memref<64x128xf32, #tpu.memory_space<vmem>>)
        %sub3A_1787 = arith.constant 4 : i32
        %sub3A_1788 = arith.subi %add3A_360, %sub3A_1787 : i32
        %mul3A_1789 = arith.constant 64 : i32
        %mul3A_1790 = arith.muli %sub3A_1788, %mul3A_1789 : i32
        %add3A_1791 = arith.addi %mul3A_2, %mul3A_1790 : i32
        %dma_start3A_1792 = arith.constant 0 : i32
        %dma_start3A_1793 = tpu.memref_slice %arg7[%add3A_1791, %dma_start3A_1792] : memref<425984x128xf32, #tpu.memory_space<hbm>> -> memref<64x128xf32, #tpu.memory_space<hbm>>
        %dma_start3A_1794 = arith.constant 0 : i32
        %dma_start3A_1795 = tpu.memref_slice %arg7[%add3A_1791, %dma_start3A_1794] : memref<425984x128xf32, #tpu.memory_space<hbm>> -> memref<64x128xf32, #tpu.memory_space<hbm>>
        tpu.enqueue_dma source(%arg19 : memref<64x128xf32, #tpu.memory_space<vmem>>) target(%dma_start3A_1795 : memref<64x128xf32, #tpu.memory_space<hbm>>) target_semaphore(%arg35 : memref<!tpu.dma_semaphore, #tpu.memory_space<semaphore_mem>>)
      } else {
      }
      %gt3A_542 = arith.constant 0 : i32
      %gt3A_543 = arith.cmpi sgt, %scan3A_166, %gt3A_542 : i32
      %convert_element_type3A_544 = arith.extui %gt3A_543 : i1 to i32
      %cond3A_545 = arith.constant 0 : i32
      %cond3A_546 = arith.cmpi ne, %convert_element_type3A_544, %cond3A_545 : i32
      scf.if %cond3A_546 {
        %sub3A_1780 = arith.constant 8 : i32
        %sub3A_1781 = arith.subi %add3A_360, %sub3A_1780 : i32
        %mul3A_1782 = arith.constant 64 : i32
        %mul3A_1783 = arith.muli %sub3A_1781, %mul3A_1782 : i32
        %add3A_1784 = arith.addi %mul3A_2, %mul3A_1783 : i32
        %dma_wait3A_1785 = arith.constant 0 : i32
        %dma_wait3A_1786 = tpu.memref_slice %arg7[%add3A_1784, %dma_wait3A_1785] : memref<425984x128xf32, #tpu.memory_space<hbm>> -> memref<64x128xf32, #tpu.memory_space<hbm>>
        %dma_wait3A_1787 = arith.constant 0 : i32
        %dma_wait3A_1788 = tpu.memref_slice %arg7[%add3A_1784, %dma_wait3A_1787] : memref<425984x128xf32, #tpu.memory_space<hbm>> -> memref<64x128xf32, #tpu.memory_space<hbm>>
        tpu.wait_dma2 semaphore(%arg31 : memref<!tpu.dma_semaphore, #tpu.memory_space<semaphore_mem>>) src(%arg15 : memref<64x128xf32, #tpu.memory_space<vmem>>) dst(%dma_wait3A_1788 : memref<64x128xf32, #tpu.memory_space<hbm>>)
      } else {
      }
      %dma_start3A_547 = arith.constant 1 : i32
      %dma_start3A_548 = arith.constant 0 : i32
      %dma_start3A_549 = tpu.memref_slice %arg10[%dma_start3A_547, %dma_start3A_548] : memref<8x64xi32, #tpu.memory_space<vmem>> -> memref<1x64xi32, #tpu.memory_space<vmem>>
      %dma_start3A_550 = tpu.memref_squeeze %dma_start3A_549 : memref<1x64xi32, #tpu.memory_space<vmem>> -> memref<64xi32, #tpu.memory_space<vmem>>
      %dma_start3A_551 = arith.constant 0 : i32
      %dma_start3A_552 = arith.constant 0 : i32
      %dma_start3A_553 = tpu.memref_slice %arg4[%dma_start3A_551, %dma_start3A_552] : memref<2600000x128xf32, #tpu.memory_space<hbm>> -> memref<2600000x128xf32, #tpu.memory_space<hbm>>
      tpu.enqueue_indirect_dma source(%dma_start3A_553 : memref<2600000x128xf32, #tpu.memory_space<hbm>>) target(%arg15 : memref<64x128xf32, #tpu.memory_space<vmem>>) offsets(%dma_start3A_550 : memref<64xi32, #tpu.memory_space<vmem>>) semaphore(%arg23 : memref<!tpu.dma_semaphore, #tpu.memory_space<semaphore_mem>>)
      %mul3A_554 = arith.constant 8 : i32
      %mul3A_555 = arith.muli %scan3A_166, %mul3A_554 : i32
      %add3A_556 = arith.constant 2 : i32
      %add3A_557 = arith.addi %mul3A_555, %add3A_556 : i32
      %mul3A_558 = arith.constant 64 : i32
      %mul3A_559 = arith.muli %add3A_557, %mul3A_558 : i32
      %add3A_560 = arith.constant 0 : i32
      %add3A_561 = arith.addi %mul3A_559, %add3A_560 : i32
      %get3A_562 = arith.index_cast %add3A_561 : i32 to index
      %get3A_563 = tpu.vector_load %arg8[%get3A_562] {strides = array<i32>} : memref<13312xi32, #tpu.memory_space<vmem>>, vector<16xi32>,
      %mul3A_564 = arith.constant 64 : i32
      %mul3A_565 = arith.muli %add3A_557, %mul3A_564 : i32
      %add3A_566 = arith.constant 0 : i32
      %add3A_567 = arith.addi %mul3A_565, %add3A_566 : i32
      %get3A_568 = arith.index_cast %add3A_567 : i32 to index
      %get3A_569 = tpu.vector_load %arg9[%get3A_568] {strides = array<i32>} : memref<13312xi32, #tpu.memory_space<vmem>>, vector<16xi32>,
      %gather3A_570 = tpu.vector_load_idx %arg11[%get3A_569] : memref<128xi32, #tpu.memory_space<vmem>>[vector<16xi32>], vector<16xi32>,
      %gather3A_571 = tpu.vector_load_idx %arg12[%get3A_569] : memref<128xi32, #tpu.memory_space<vmem>>[vector<16xi32>], vector<16xi32>,
      %gather3A_572 = tpu.vector_load_idx %arg13[%get3A_569] : memref<128xf32, #tpu.memory_space<vmem>>[vector<16xi32>], vector<16xf32>,
      %mul3A_573 = arith.constant -1640531535 : i32
      %mul3A_574 = vector.broadcast %mul3A_573 : i32 to vector<16xi32>
      %mul3A_575 = arith.muli %get3A_563, %mul3A_574 : vector<16xi32>
      %convert_element_type3A_576 = arith.sitofp %mul3A_575 : vector<16xi32> to vector<16xf32>
      %mul3A_577 = arith.mulf %convert_element_type3A_576, %gather3A_572 : vector<16xf32>
      %convert_element_type3A_578 = arith.fptosi %mul3A_577 : vector<16xf32> to vector<16xi32>
      %mul3A_579 = arith.muli %convert_element_type3A_578, %gather3A_571 : vector<16xi32>
      %sub3A_580 = arith.subi %mul3A_575, %mul3A_579 : vector<16xi32>
      %lt3A_581 = arith.constant 0 : i32
      %lt3A_582 = vector.broadcast %lt3A_581 : i32 to vector<16xi32>
      %lt3A_583 = arith.cmpi slt, %sub3A_580, %lt3A_582 : vector<16xi32>
      %add3A_584 = arith.addi %sub3A_580, %gather3A_571 : vector<16xi32>
      %select_n3A_585 = arith.select %lt3A_583, %add3A_584, %sub3A_580 : vector<16xi1>, vector<16xi32>
      %lt3A_586 = arith.constant 0 : i32
      %lt3A_587 = vector.broadcast %lt3A_586 : i32 to vector<16xi32>
      %lt3A_588 = arith.cmpi slt, %select_n3A_585, %lt3A_587 : vector<16xi32>
      %add3A_589 = arith.addi %select_n3A_585, %gather3A_571 : vector<16xi32>
      %select_n3A_590 = arith.select %lt3A_588, %add3A_589, %select_n3A_585 : vector<16xi1>, vector<16xi32>
      %ge3A_591 = arith.cmpi sge, %select_n3A_590, %gather3A_571 : vector<16xi32>
      %sub3A_592 = arith.subi %select_n3A_590, %gather3A_571 : vector<16xi32>
      %select_n3A_593 = arith.select %ge3A_591, %sub3A_592, %select_n3A_590 : vector<16xi1>, vector<16xi32>
      %ge3A_594 = arith.cmpi sge, %select_n3A_593, %gather3A_571 : vector<16xi32>
      %sub3A_595 = arith.subi %select_n3A_593, %gather3A_571 : vector<16xi32>
      %select_n3A_596 = arith.select %ge3A_594, %sub3A_595, %select_n3A_593 : vector<16xi1>, vector<16xi32>
      %add3A_597 = arith.addi %gather3A_570, %select_n3A_596 : vector<16xi32>
      %swap3A_598 = arith.constant 2 : i32
      %swap3A_599 = arith.index_cast %swap3A_598 : i32 to index
      %swap3A_600 = arith.constant 0 : index
      %swap3A_601 = tpu.vector_load %arg10[%swap3A_599, %swap3A_600] {strides = array<i32>} : memref<8x64xi32, #tpu.memory_space<vmem>>, vector<16xi32>,
      tpu.vector_store %arg10[%swap3A_599, %swap3A_600], %add3A_597 {strides = array<i32>} : memref<8x64xi32, #tpu.memory_space<vmem>>, vector<16xi32>,
      %mul3A_602 = arith.constant 64 : i32
      %mul3A_603 = arith.muli %add3A_557, %mul3A_602 : i32
      %add3A_604 = arith.constant 16 : i32
      %add3A_605 = arith.addi %mul3A_603, %add3A_604 : i32
      %get3A_606 = arith.index_cast %add3A_605 : i32 to index
      %get3A_607 = tpu.vector_load %arg8[%get3A_606] {strides = array<i32>} : memref<13312xi32, #tpu.memory_space<vmem>>, vector<16xi32>,
      %mul3A_608 = arith.constant 64 : i32
      %mul3A_609 = arith.muli %add3A_557, %mul3A_608 : i32
      %add3A_610 = arith.constant 16 : i32
      %add3A_611 = arith.addi %mul3A_609, %add3A_610 : i32
      %get3A_612 = arith.index_cast %add3A_611 : i32 to index
      %get3A_613 = tpu.vector_load %arg9[%get3A_612] {strides = array<i32>} : memref<13312xi32, #tpu.memory_space<vmem>>, vector<16xi32>,
      %gather3A_614 = tpu.vector_load_idx %arg11[%get3A_613] : memref<128xi32, #tpu.memory_space<vmem>>[vector<16xi32>], vector<16xi32>,
      %gather3A_615 = tpu.vector_load_idx %arg12[%get3A_613] : memref<128xi32, #tpu.memory_space<vmem>>[vector<16xi32>], vector<16xi32>,
      %gather3A_616 = tpu.vector_load_idx %arg13[%get3A_613] : memref<128xf32, #tpu.memory_space<vmem>>[vector<16xi32>], vector<16xf32>,
      %mul3A_617 = arith.constant -1640531535 : i32
      %mul3A_618 = vector.broadcast %mul3A_617 : i32 to vector<16xi32>
      %mul3A_619 = arith.muli %get3A_607, %mul3A_618 : vector<16xi32>
      %convert_element_type3A_620 = arith.sitofp %mul3A_619 : vector<16xi32> to vector<16xf32>
      %mul3A_621 = arith.mulf %convert_element_type3A_620, %gather3A_616 : vector<16xf32>
      %convert_element_type3A_622 = arith.fptosi %mul3A_621 : vector<16xf32> to vector<16xi32>
      %mul3A_623 = arith.muli %convert_element_type3A_622, %gather3A_615 : vector<16xi32>
      %sub3A_624 = arith.subi %mul3A_619, %mul3A_623 : vector<16xi32>
      %lt3A_625 = arith.constant 0 : i32
      %lt3A_626 = vector.broadcast %lt3A_625 : i32 to vector<16xi32>
      %lt3A_627 = arith.cmpi slt, %sub3A_624, %lt3A_626 : vector<16xi32>
      %add3A_628 = arith.addi %sub3A_624, %gather3A_615 : vector<16xi32>
      %select_n3A_629 = arith.select %lt3A_627, %add3A_628, %sub3A_624 : vector<16xi1>, vector<16xi32>
      %lt3A_630 = arith.constant 0 : i32
      %lt3A_631 = vector.broadcast %lt3A_630 : i32 to vector<16xi32>
      %lt3A_632 = arith.cmpi slt, %select_n3A_629, %lt3A_631 : vector<16xi32>
      %add3A_633 = arith.addi %select_n3A_629, %gather3A_615 : vector<16xi32>
      %select_n3A_634 = arith.select %lt3A_632, %add3A_633, %select_n3A_629 : vector<16xi1>, vector<16xi32>
      %ge3A_635 = arith.cmpi sge, %select_n3A_634, %gather3A_615 : vector<16xi32>
      %sub3A_636 = arith.subi %select_n3A_634, %gather3A_615 : vector<16xi32>
      %select_n3A_637 = arith.select %ge3A_635, %sub3A_636, %select_n3A_634 : vector<16xi1>, vector<16xi32>
      %ge3A_638 = arith.cmpi sge, %select_n3A_637, %gather3A_615 : vector<16xi32>
      %sub3A_639 = arith.subi %select_n3A_637, %gather3A_615 : vector<16xi32>
      %select_n3A_640 = arith.select %ge3A_638, %sub3A_639, %select_n3A_637 : vector<16xi1>, vector<16xi32>
      %add3A_641 = arith.addi %gather3A_614, %select_n3A_640 : vector<16xi32>
      %swap3A_642 = arith.constant 2 : i32
      %swap3A_643 = arith.index_cast %swap3A_642 : i32 to index
      %swap3A_644 = arith.constant 16 : index
      %swap3A_645 = tpu.vector_load %arg10[%swap3A_643, %swap3A_644] {strides = array<i32>} : memref<8x64xi32, #tpu.memory_space<vmem>>, vector<16xi32>,
      tpu.vector_store %arg10[%swap3A_643, %swap3A_644], %add3A_641 {strides = array<i32>} : memref<8x64xi32, #tpu.memory_space<vmem>>, vector<16xi32>,
      %mul3A_646 = arith.constant 64 : i32
      %mul3A_647 = arith.muli %add3A_557, %mul3A_646 : i32
      %add3A_648 = arith.constant 32 : i32
      %add3A_649 = arith.addi %mul3A_647, %add3A_648 : i32
      %get3A_650 = arith.index_cast %add3A_649 : i32 to index
      %get3A_651 = tpu.vector_load %arg8[%get3A_650] {strides = array<i32>} : memref<13312xi32, #tpu.memory_space<vmem>>, vector<16xi32>,
      %mul3A_652 = arith.constant 64 : i32
      %mul3A_653 = arith.muli %add3A_557, %mul3A_652 : i32
      %add3A_654 = arith.constant 32 : i32
      %add3A_655 = arith.addi %mul3A_653, %add3A_654 : i32
      %get3A_656 = arith.index_cast %add3A_655 : i32 to index
      %get3A_657 = tpu.vector_load %arg9[%get3A_656] {strides = array<i32>} : memref<13312xi32, #tpu.memory_space<vmem>>, vector<16xi32>,
      %gather3A_658 = tpu.vector_load_idx %arg11[%get3A_657] : memref<128xi32, #tpu.memory_space<vmem>>[vector<16xi32>], vector<16xi32>,
      %gather3A_659 = tpu.vector_load_idx %arg12[%get3A_657] : memref<128xi32, #tpu.memory_space<vmem>>[vector<16xi32>], vector<16xi32>,
      %gather3A_660 = tpu.vector_load_idx %arg13[%get3A_657] : memref<128xf32, #tpu.memory_space<vmem>>[vector<16xi32>], vector<16xf32>,
      %mul3A_661 = arith.constant -1640531535 : i32
      %mul3A_662 = vector.broadcast %mul3A_661 : i32 to vector<16xi32>
      %mul3A_663 = arith.muli %get3A_651, %mul3A_662 : vector<16xi32>
      %convert_element_type3A_664 = arith.sitofp %mul3A_663 : vector<16xi32> to vector<16xf32>
      %mul3A_665 = arith.mulf %convert_element_type3A_664, %gather3A_660 : vector<16xf32>
      %convert_element_type3A_666 = arith.fptosi %mul3A_665 : vector<16xf32> to vector<16xi32>
      %mul3A_667 = arith.muli %convert_element_type3A_666, %gather3A_659 : vector<16xi32>
      %sub3A_668 = arith.subi %mul3A_663, %mul3A_667 : vector<16xi32>
      %lt3A_669 = arith.constant 0 : i32
      %lt3A_670 = vector.broadcast %lt3A_669 : i32 to vector<16xi32>
      %lt3A_671 = arith.cmpi slt, %sub3A_668, %lt3A_670 : vector<16xi32>
      %add3A_672 = arith.addi %sub3A_668, %gather3A_659 : vector<16xi32>
      %select_n3A_673 = arith.select %lt3A_671, %add3A_672, %sub3A_668 : vector<16xi1>, vector<16xi32>
      %lt3A_674 = arith.constant 0 : i32
      %lt3A_675 = vector.broadcast %lt3A_674 : i32 to vector<16xi32>
      %lt3A_676 = arith.cmpi slt, %select_n3A_673, %lt3A_675 : vector<16xi32>
      %add3A_677 = arith.addi %select_n3A_673, %gather3A_659 : vector<16xi32>
      %select_n3A_678 = arith.select %lt3A_676, %add3A_677, %select_n3A_673 : vector<16xi1>, vector<16xi32>
      %ge3A_679 = arith.cmpi sge, %select_n3A_678, %gather3A_659 : vector<16xi32>
      %sub3A_680 = arith.subi %select_n3A_678, %gather3A_659 : vector<16xi32>
      %select_n3A_681 = arith.select %ge3A_679, %sub3A_680, %select_n3A_678 : vector<16xi1>, vector<16xi32>
      %ge3A_682 = arith.cmpi sge, %select_n3A_681, %gather3A_659 : vector<16xi32>
      %sub3A_683 = arith.subi %select_n3A_681, %gather3A_659 : vector<16xi32>
      %select_n3A_684 = arith.select %ge3A_682, %sub3A_683, %select_n3A_681 : vector<16xi1>, vector<16xi32>
      %add3A_685 = arith.addi %gather3A_658, %select_n3A_684 : vector<16xi32>
      %swap3A_686 = arith.constant 2 : i32
      %swap3A_687 = arith.index_cast %swap3A_686 : i32 to index
      %swap3A_688 = arith.constant 32 : index
      %swap3A_689 = tpu.vector_load %arg10[%swap3A_687, %swap3A_688] {strides = array<i32>} : memref<8x64xi32, #tpu.memory_space<vmem>>, vector<16xi32>,
      tpu.vector_store %arg10[%swap3A_687, %swap3A_688], %add3A_685 {strides = array<i32>} : memref<8x64xi32, #tpu.memory_space<vmem>>, vector<16xi32>,
      %mul3A_690 = arith.constant 64 : i32
      %mul3A_691 = arith.muli %add3A_557, %mul3A_690 : i32
      %add3A_692 = arith.constant 48 : i32
      %add3A_693 = arith.addi %mul3A_691, %add3A_692 : i32
      %get3A_694 = arith.index_cast %add3A_693 : i32 to index
      %get3A_695 = tpu.vector_load %arg8[%get3A_694] {strides = array<i32>} : memref<13312xi32, #tpu.memory_space<vmem>>, vector<16xi32>,
      %mul3A_696 = arith.constant 64 : i32
      %mul3A_697 = arith.muli %add3A_557, %mul3A_696 : i32
      %add3A_698 = arith.constant 48 : i32
      %add3A_699 = arith.addi %mul3A_697, %add3A_698 : i32
      %get3A_700 = arith.index_cast %add3A_699 : i32 to index
      %get3A_701 = tpu.vector_load %arg9[%get3A_700] {strides = array<i32>} : memref<13312xi32, #tpu.memory_space<vmem>>, vector<16xi32>,
      %gather3A_702 = tpu.vector_load_idx %arg11[%get3A_701] : memref<128xi32, #tpu.memory_space<vmem>>[vector<16xi32>], vector<16xi32>,
      %gather3A_703 = tpu.vector_load_idx %arg12[%get3A_701] : memref<128xi32, #tpu.memory_space<vmem>>[vector<16xi32>], vector<16xi32>,
      %gather3A_704 = tpu.vector_load_idx %arg13[%get3A_701] : memref<128xf32, #tpu.memory_space<vmem>>[vector<16xi32>], vector<16xf32>,
      %mul3A_705 = arith.constant -1640531535 : i32
      %mul3A_706 = vector.broadcast %mul3A_705 : i32 to vector<16xi32>
      %mul3A_707 = arith.muli %get3A_695, %mul3A_706 : vector<16xi32>
      %convert_element_type3A_708 = arith.sitofp %mul3A_707 : vector<16xi32> to vector<16xf32>
      %mul3A_709 = arith.mulf %convert_element_type3A_708, %gather3A_704 : vector<16xf32>
      %convert_element_type3A_710 = arith.fptosi %mul3A_709 : vector<16xf32> to vector<16xi32>
      %mul3A_711 = arith.muli %convert_element_type3A_710, %gather3A_703 : vector<16xi32>
      %sub3A_712 = arith.subi %mul3A_707, %mul3A_711 : vector<16xi32>
      %lt3A_713 = arith.constant 0 : i32
      %lt3A_714 = vector.broadcast %lt3A_713 : i32 to vector<16xi32>
      %lt3A_715 = arith.cmpi slt, %sub3A_712, %lt3A_714 : vector<16xi32>
      %add3A_716 = arith.addi %sub3A_712, %gather3A_703 : vector<16xi32>
      %select_n3A_717 = arith.select %lt3A_715, %add3A_716, %sub3A_712 : vector<16xi1>, vector<16xi32>
      %lt3A_718 = arith.constant 0 : i32
      %lt3A_719 = vector.broadcast %lt3A_718 : i32 to vector<16xi32>
      %lt3A_720 = arith.cmpi slt, %select_n3A_717, %lt3A_719 : vector<16xi32>
      %add3A_721 = arith.addi %select_n3A_717, %gather3A_703 : vector<16xi32>
      %select_n3A_722 = arith.select %lt3A_720, %add3A_721, %select_n3A_717 : vector<16xi1>, vector<16xi32>
      %ge3A_723 = arith.cmpi sge, %select_n3A_722, %gather3A_703 : vector<16xi32>
      %sub3A_724 = arith.subi %select_n3A_722, %gather3A_703 : vector<16xi32>
      %select_n3A_725 = arith.select %ge3A_723, %sub3A_724, %select_n3A_722 : vector<16xi1>, vector<16xi32>
      %ge3A_726 = arith.cmpi sge, %select_n3A_725, %gather3A_703 : vector<16xi32>
      %sub3A_727 = arith.subi %select_n3A_725, %gather3A_703 : vector<16xi32>
      %select_n3A_728 = arith.select %ge3A_726, %sub3A_727, %select_n3A_725 : vector<16xi1>, vector<16xi32>
      %add3A_729 = arith.addi %gather3A_702, %select_n3A_728 : vector<16xi32>
      %swap3A_730 = arith.constant 2 : i32
      %swap3A_731 = arith.index_cast %swap3A_730 : i32 to index
      %swap3A_732 = arith.constant 48 : index
      %swap3A_733 = tpu.vector_load %arg10[%swap3A_731, %swap3A_732] {strides = array<i32>} : memref<8x64xi32, #tpu.memory_space<vmem>>, vector<16xi32>,
      tpu.vector_store %arg10[%swap3A_731, %swap3A_732], %add3A_729 {strides = array<i32>} : memref<8x64xi32, #tpu.memory_space<vmem>>, vector<16xi32>,
      %gt3A_734 = arith.constant 0 : i32
      %gt3A_735 = arith.cmpi sgt, %scan3A_166, %gt3A_734 : i32
      %convert_element_type3A_736 = arith.extui %gt3A_735 : i1 to i32
      %cond3A_737 = arith.constant 0 : i32
      %cond3A_738 = arith.cmpi ne, %convert_element_type3A_736, %cond3A_737 : i32
      scf.if %cond3A_738 {
        %dma_wait3A_1780 = arith.constant 6 : i32
        %dma_wait3A_1781 = arith.constant 0 : i32
        %dma_wait3A_1782 = tpu.memref_slice %arg10[%dma_wait3A_1780, %dma_wait3A_1781] : memref<8x64xi32, #tpu.memory_space<vmem>> -> memref<1x64xi32, #tpu.memory_space<vmem>>
        %dma_wait3A_1783 = tpu.memref_squeeze %dma_wait3A_1782 : memref<1x64xi32, #tpu.memory_space<vmem>> -> memref<64xi32, #tpu.memory_space<vmem>>
        %dma_wait3A_1784 = arith.constant 0 : i32
        %dma_wait3A_1785 = arith.constant 0 : i32
        %dma_wait3A_1786 = tpu.memref_slice %arg4[%dma_wait3A_1784, %dma_wait3A_1785] : memref<2600000x128xf32, #tpu.memory_space<hbm>> -> memref<2600000x128xf32, #tpu.memory_space<hbm>>
        tpu.wait_indirect_dma semaphore(%arg28 : memref<!tpu.dma_semaphore, #tpu.memory_space<semaphore_mem>>) src(%dma_wait3A_1786 : memref<2600000x128xf32, #tpu.memory_space<hbm>>) dst(%arg20 : memref<64x128xf32, #tpu.memory_space<vmem>>)
        %sub3A_1787 = arith.constant 4 : i32
        %sub3A_1788 = arith.subi %add3A_557, %sub3A_1787 : i32
        %mul3A_1789 = arith.constant 64 : i32
        %mul3A_1790 = arith.muli %sub3A_1788, %mul3A_1789 : i32
        %add3A_1791 = arith.addi %mul3A_2, %mul3A_1790 : i32
        %dma_start3A_1792 = arith.constant 0 : i32
        %dma_start3A_1793 = tpu.memref_slice %arg7[%add3A_1791, %dma_start3A_1792] : memref<425984x128xf32, #tpu.memory_space<hbm>> -> memref<64x128xf32, #tpu.memory_space<hbm>>
        %dma_start3A_1794 = arith.constant 0 : i32
        %dma_start3A_1795 = tpu.memref_slice %arg7[%add3A_1791, %dma_start3A_1794] : memref<425984x128xf32, #tpu.memory_space<hbm>> -> memref<64x128xf32, #tpu.memory_space<hbm>>
        tpu.enqueue_dma source(%arg20 : memref<64x128xf32, #tpu.memory_space<vmem>>) target(%dma_start3A_1795 : memref<64x128xf32, #tpu.memory_space<hbm>>) target_semaphore(%arg36 : memref<!tpu.dma_semaphore, #tpu.memory_space<semaphore_mem>>)
      } else {
      }
      %gt3A_739 = arith.constant 0 : i32
      %gt3A_740 = arith.cmpi sgt, %scan3A_166, %gt3A_739 : i32
      %convert_element_type3A_741 = arith.extui %gt3A_740 : i1 to i32
      %cond3A_742 = arith.constant 0 : i32
      %cond3A_743 = arith.cmpi ne, %convert_element_type3A_741, %cond3A_742 : i32
      scf.if %cond3A_743 {
        %sub3A_1780 = arith.constant 8 : i32
        %sub3A_1781 = arith.subi %add3A_557, %sub3A_1780 : i32
        %mul3A_1782 = arith.constant 64 : i32
        %mul3A_1783 = arith.muli %sub3A_1781, %mul3A_1782 : i32
        %add3A_1784 = arith.addi %mul3A_2, %mul3A_1783 : i32
        %dma_wait3A_1785 = arith.constant 0 : i32
        %dma_wait3A_1786 = tpu.memref_slice %arg7[%add3A_1784, %dma_wait3A_1785] : memref<425984x128xf32, #tpu.memory_space<hbm>> -> memref<64x128xf32, #tpu.memory_space<hbm>>
        %dma_wait3A_1787 = arith.constant 0 : i32
        %dma_wait3A_1788 = tpu.memref_slice %arg7[%add3A_1784, %dma_wait3A_1787] : memref<425984x128xf32, #tpu.memory_space<hbm>> -> memref<64x128xf32, #tpu.memory_space<hbm>>
        tpu.wait_dma2 semaphore(%arg32 : memref<!tpu.dma_semaphore, #tpu.memory_space<semaphore_mem>>) src(%arg16 : memref<64x128xf32, #tpu.memory_space<vmem>>) dst(%dma_wait3A_1788 : memref<64x128xf32, #tpu.memory_space<hbm>>)
      } else {
      }
      %dma_start3A_744 = arith.constant 2 : i32
      %dma_start3A_745 = arith.constant 0 : i32
      %dma_start3A_746 = tpu.memref_slice %arg10[%dma_start3A_744, %dma_start3A_745] : memref<8x64xi32, #tpu.memory_space<vmem>> -> memref<1x64xi32, #tpu.memory_space<vmem>>
      %dma_start3A_747 = tpu.memref_squeeze %dma_start3A_746 : memref<1x64xi32, #tpu.memory_space<vmem>> -> memref<64xi32, #tpu.memory_space<vmem>>
      %dma_start3A_748 = arith.constant 0 : i32
      %dma_start3A_749 = arith.constant 0 : i32
      %dma_start3A_750 = tpu.memref_slice %arg4[%dma_start3A_748, %dma_start3A_749] : memref<2600000x128xf32, #tpu.memory_space<hbm>> -> memref<2600000x128xf32, #tpu.memory_space<hbm>>
      tpu.enqueue_indirect_dma source(%dma_start3A_750 : memref<2600000x128xf32, #tpu.memory_space<hbm>>) target(%arg16 : memref<64x128xf32, #tpu.memory_space<vmem>>) offsets(%dma_start3A_747 : memref<64xi32, #tpu.memory_space<vmem>>) semaphore(%arg24 : memref<!tpu.dma_semaphore, #tpu.memory_space<semaphore_mem>>)
      %mul3A_751 = arith.constant 8 : i32
      %mul3A_752 = arith.muli %scan3A_166, %mul3A_751 : i32
      %add3A_753 = arith.constant 3 : i32
      %add3A_754 = arith.addi %mul3A_752, %add3A_753 : i32
      %mul3A_755 = arith.constant 64 : i32
      %mul3A_756 = arith.muli %add3A_754, %mul3A_755 : i32
      %add3A_757 = arith.constant 0 : i32
      %add3A_758 = arith.addi %mul3A_756, %add3A_757 : i32
      %get3A_759 = arith.index_cast %add3A_758 : i32 to index
      %get3A_760 = tpu.vector_load %arg8[%get3A_759] {strides = array<i32>} : memref<13312xi32, #tpu.memory_space<vmem>>, vector<16xi32>,
      %mul3A_761 = arith.constant 64 : i32
      %mul3A_762 = arith.muli %add3A_754, %mul3A_761 : i32
      %add3A_763 = arith.constant 0 : i32
      %add3A_764 = arith.addi %mul3A_762, %add3A_763 : i32
      %get3A_765 = arith.index_cast %add3A_764 : i32 to index
      %get3A_766 = tpu.vector_load %arg9[%get3A_765] {strides = array<i32>} : memref<13312xi32, #tpu.memory_space<vmem>>, vector<16xi32>,
      %gather3A_767 = tpu.vector_load_idx %arg11[%get3A_766] : memref<128xi32, #tpu.memory_space<vmem>>[vector<16xi32>], vector<16xi32>,
      %gather3A_768 = tpu.vector_load_idx %arg12[%get3A_766] : memref<128xi32, #tpu.memory_space<vmem>>[vector<16xi32>], vector<16xi32>,
      %gather3A_769 = tpu.vector_load_idx %arg13[%get3A_766] : memref<128xf32, #tpu.memory_space<vmem>>[vector<16xi32>], vector<16xf32>,
      %mul3A_770 = arith.constant -1640531535 : i32
      %mul3A_771 = vector.broadcast %mul3A_770 : i32 to vector<16xi32>
      %mul3A_772 = arith.muli %get3A_760, %mul3A_771 : vector<16xi32>
      %convert_element_type3A_773 = arith.sitofp %mul3A_772 : vector<16xi32> to vector<16xf32>
      %mul3A_774 = arith.mulf %convert_element_type3A_773, %gather3A_769 : vector<16xf32>
      %convert_element_type3A_775 = arith.fptosi %mul3A_774 : vector<16xf32> to vector<16xi32>
      %mul3A_776 = arith.muli %convert_element_type3A_775, %gather3A_768 : vector<16xi32>
      %sub3A_777 = arith.subi %mul3A_772, %mul3A_776 : vector<16xi32>
      %lt3A_778 = arith.constant 0 : i32
      %lt3A_779 = vector.broadcast %lt3A_778 : i32 to vector<16xi32>
      %lt3A_780 = arith.cmpi slt, %sub3A_777, %lt3A_779 : vector<16xi32>
      %add3A_781 = arith.addi %sub3A_777, %gather3A_768 : vector<16xi32>
      %select_n3A_782 = arith.select %lt3A_780, %add3A_781, %sub3A_777 : vector<16xi1>, vector<16xi32>
      %lt3A_783 = arith.constant 0 : i32
      %lt3A_784 = vector.broadcast %lt3A_783 : i32 to vector<16xi32>
      %lt3A_785 = arith.cmpi slt, %select_n3A_782, %lt3A_784 : vector<16xi32>
      %add3A_786 = arith.addi %select_n3A_782, %gather3A_768 : vector<16xi32>
      %select_n3A_787 = arith.select %lt3A_785, %add3A_786, %select_n3A_782 : vector<16xi1>, vector<16xi32>
      %ge3A_788 = arith.cmpi sge, %select_n3A_787, %gather3A_768 : vector<16xi32>
      %sub3A_789 = arith.subi %select_n3A_787, %gather3A_768 : vector<16xi32>
      %select_n3A_790 = arith.select %ge3A_788, %sub3A_789, %select_n3A_787 : vector<16xi1>, vector<16xi32>
      %ge3A_791 = arith.cmpi sge, %select_n3A_790, %gather3A_768 : vector<16xi32>
      %sub3A_792 = arith.subi %select_n3A_790, %gather3A_768 : vector<16xi32>
      %select_n3A_793 = arith.select %ge3A_791, %sub3A_792, %select_n3A_790 : vector<16xi1>, vector<16xi32>
      %add3A_794 = arith.addi %gather3A_767, %select_n3A_793 : vector<16xi32>
      %swap3A_795 = arith.constant 3 : i32
      %swap3A_796 = arith.index_cast %swap3A_795 : i32 to index
      %swap3A_797 = arith.constant 0 : index
      %swap3A_798 = tpu.vector_load %arg10[%swap3A_796, %swap3A_797] {strides = array<i32>} : memref<8x64xi32, #tpu.memory_space<vmem>>, vector<16xi32>,
      tpu.vector_store %arg10[%swap3A_796, %swap3A_797], %add3A_794 {strides = array<i32>} : memref<8x64xi32, #tpu.memory_space<vmem>>, vector<16xi32>,
      %mul3A_799 = arith.constant 64 : i32
      %mul3A_800 = arith.muli %add3A_754, %mul3A_799 : i32
      %add3A_801 = arith.constant 16 : i32
      %add3A_802 = arith.addi %mul3A_800, %add3A_801 : i32
      %get3A_803 = arith.index_cast %add3A_802 : i32 to index
      %get3A_804 = tpu.vector_load %arg8[%get3A_803] {strides = array<i32>} : memref<13312xi32, #tpu.memory_space<vmem>>, vector<16xi32>,
      %mul3A_805 = arith.constant 64 : i32
      %mul3A_806 = arith.muli %add3A_754, %mul3A_805 : i32
      %add3A_807 = arith.constant 16 : i32
      %add3A_808 = arith.addi %mul3A_806, %add3A_807 : i32
      %get3A_809 = arith.index_cast %add3A_808 : i32 to index
      %get3A_810 = tpu.vector_load %arg9[%get3A_809] {strides = array<i32>} : memref<13312xi32, #tpu.memory_space<vmem>>, vector<16xi32>,
      %gather3A_811 = tpu.vector_load_idx %arg11[%get3A_810] : memref<128xi32, #tpu.memory_space<vmem>>[vector<16xi32>], vector<16xi32>,
      %gather3A_812 = tpu.vector_load_idx %arg12[%get3A_810] : memref<128xi32, #tpu.memory_space<vmem>>[vector<16xi32>], vector<16xi32>,
      %gather3A_813 = tpu.vector_load_idx %arg13[%get3A_810] : memref<128xf32, #tpu.memory_space<vmem>>[vector<16xi32>], vector<16xf32>,
      %mul3A_814 = arith.constant -1640531535 : i32
      %mul3A_815 = vector.broadcast %mul3A_814 : i32 to vector<16xi32>
      %mul3A_816 = arith.muli %get3A_804, %mul3A_815 : vector<16xi32>
      %convert_element_type3A_817 = arith.sitofp %mul3A_816 : vector<16xi32> to vector<16xf32>
      %mul3A_818 = arith.mulf %convert_element_type3A_817, %gather3A_813 : vector<16xf32>
      %convert_element_type3A_819 = arith.fptosi %mul3A_818 : vector<16xf32> to vector<16xi32>
      %mul3A_820 = arith.muli %convert_element_type3A_819, %gather3A_812 : vector<16xi32>
      %sub3A_821 = arith.subi %mul3A_816, %mul3A_820 : vector<16xi32>
      %lt3A_822 = arith.constant 0 : i32
      %lt3A_823 = vector.broadcast %lt3A_822 : i32 to vector<16xi32>
      %lt3A_824 = arith.cmpi slt, %sub3A_821, %lt3A_823 : vector<16xi32>
      %add3A_825 = arith.addi %sub3A_821, %gather3A_812 : vector<16xi32>
      %select_n3A_826 = arith.select %lt3A_824, %add3A_825, %sub3A_821 : vector<16xi1>, vector<16xi32>
      %lt3A_827 = arith.constant 0 : i32
      %lt3A_828 = vector.broadcast %lt3A_827 : i32 to vector<16xi32>
      %lt3A_829 = arith.cmpi slt, %select_n3A_826, %lt3A_828 : vector<16xi32>
      %add3A_830 = arith.addi %select_n3A_826, %gather3A_812 : vector<16xi32>
      %select_n3A_831 = arith.select %lt3A_829, %add3A_830, %select_n3A_826 : vector<16xi1>, vector<16xi32>
      %ge3A_832 = arith.cmpi sge, %select_n3A_831, %gather3A_812 : vector<16xi32>
      %sub3A_833 = arith.subi %select_n3A_831, %gather3A_812 : vector<16xi32>
      %select_n3A_834 = arith.select %ge3A_832, %sub3A_833, %select_n3A_831 : vector<16xi1>, vector<16xi32>
      %ge3A_835 = arith.cmpi sge, %select_n3A_834, %gather3A_812 : vector<16xi32>
      %sub3A_836 = arith.subi %select_n3A_834, %gather3A_812 : vector<16xi32>
      %select_n3A_837 = arith.select %ge3A_835, %sub3A_836, %select_n3A_834 : vector<16xi1>, vector<16xi32>
      %add3A_838 = arith.addi %gather3A_811, %select_n3A_837 : vector<16xi32>
      %swap3A_839 = arith.constant 3 : i32
      %swap3A_840 = arith.index_cast %swap3A_839 : i32 to index
      %swap3A_841 = arith.constant 16 : index
      %swap3A_842 = tpu.vector_load %arg10[%swap3A_840, %swap3A_841] {strides = array<i32>} : memref<8x64xi32, #tpu.memory_space<vmem>>, vector<16xi32>,
      tpu.vector_store %arg10[%swap3A_840, %swap3A_841], %add3A_838 {strides = array<i32>} : memref<8x64xi32, #tpu.memory_space<vmem>>, vector<16xi32>,
      %mul3A_843 = arith.constant 64 : i32
      %mul3A_844 = arith.muli %add3A_754, %mul3A_843 : i32
      %add3A_845 = arith.constant 32 : i32
      %add3A_846 = arith.addi %mul3A_844, %add3A_845 : i32
      %get3A_847 = arith.index_cast %add3A_846 : i32 to index
      %get3A_848 = tpu.vector_load %arg8[%get3A_847] {strides = array<i32>} : memref<13312xi32, #tpu.memory_space<vmem>>, vector<16xi32>,
      %mul3A_849 = arith.constant 64 : i32
      %mul3A_850 = arith.muli %add3A_754, %mul3A_849 : i32
      %add3A_851 = arith.constant 32 : i32
      %add3A_852 = arith.addi %mul3A_850, %add3A_851 : i32
      %get3A_853 = arith.index_cast %add3A_852 : i32 to index
      %get3A_854 = tpu.vector_load %arg9[%get3A_853] {strides = array<i32>} : memref<13312xi32, #tpu.memory_space<vmem>>, vector<16xi32>,
      %gather3A_855 = tpu.vector_load_idx %arg11[%get3A_854] : memref<128xi32, #tpu.memory_space<vmem>>[vector<16xi32>], vector<16xi32>,
      %gather3A_856 = tpu.vector_load_idx %arg12[%get3A_854] : memref<128xi32, #tpu.memory_space<vmem>>[vector<16xi32>], vector<16xi32>,
      %gather3A_857 = tpu.vector_load_idx %arg13[%get3A_854] : memref<128xf32, #tpu.memory_space<vmem>>[vector<16xi32>], vector<16xf32>,
      %mul3A_858 = arith.constant -1640531535 : i32
      %mul3A_859 = vector.broadcast %mul3A_858 : i32 to vector<16xi32>
      %mul3A_860 = arith.muli %get3A_848, %mul3A_859 : vector<16xi32>
      %convert_element_type3A_861 = arith.sitofp %mul3A_860 : vector<16xi32> to vector<16xf32>
      %mul3A_862 = arith.mulf %convert_element_type3A_861, %gather3A_857 : vector<16xf32>
      %convert_element_type3A_863 = arith.fptosi %mul3A_862 : vector<16xf32> to vector<16xi32>
      %mul3A_864 = arith.muli %convert_element_type3A_863, %gather3A_856 : vector<16xi32>
      %sub3A_865 = arith.subi %mul3A_860, %mul3A_864 : vector<16xi32>
      %lt3A_866 = arith.constant 0 : i32
      %lt3A_867 = vector.broadcast %lt3A_866 : i32 to vector<16xi32>
      %lt3A_868 = arith.cmpi slt, %sub3A_865, %lt3A_867 : vector<16xi32>
      %add3A_869 = arith.addi %sub3A_865, %gather3A_856 : vector<16xi32>
      %select_n3A_870 = arith.select %lt3A_868, %add3A_869, %sub3A_865 : vector<16xi1>, vector<16xi32>
      %lt3A_871 = arith.constant 0 : i32
      %lt3A_872 = vector.broadcast %lt3A_871 : i32 to vector<16xi32>
      %lt3A_873 = arith.cmpi slt, %select_n3A_870, %lt3A_872 : vector<16xi32>
      %add3A_874 = arith.addi %select_n3A_870, %gather3A_856 : vector<16xi32>
      %select_n3A_875 = arith.select %lt3A_873, %add3A_874, %select_n3A_870 : vector<16xi1>, vector<16xi32>
      %ge3A_876 = arith.cmpi sge, %select_n3A_875, %gather3A_856 : vector<16xi32>
      %sub3A_877 = arith.subi %select_n3A_875, %gather3A_856 : vector<16xi32>
      %select_n3A_878 = arith.select %ge3A_876, %sub3A_877, %select_n3A_875 : vector<16xi1>, vector<16xi32>
      %ge3A_879 = arith.cmpi sge, %select_n3A_878, %gather3A_856 : vector<16xi32>
      %sub3A_880 = arith.subi %select_n3A_878, %gather3A_856 : vector<16xi32>
      %select_n3A_881 = arith.select %ge3A_879, %sub3A_880, %select_n3A_878 : vector<16xi1>, vector<16xi32>
      %add3A_882 = arith.addi %gather3A_855, %select_n3A_881 : vector<16xi32>
      %swap3A_883 = arith.constant 3 : i32
      %swap3A_884 = arith.index_cast %swap3A_883 : i32 to index
      %swap3A_885 = arith.constant 32 : index
      %swap3A_886 = tpu.vector_load %arg10[%swap3A_884, %swap3A_885] {strides = array<i32>} : memref<8x64xi32, #tpu.memory_space<vmem>>, vector<16xi32>,
      tpu.vector_store %arg10[%swap3A_884, %swap3A_885], %add3A_882 {strides = array<i32>} : memref<8x64xi32, #tpu.memory_space<vmem>>, vector<16xi32>,
      %mul3A_887 = arith.constant 64 : i32
      %mul3A_888 = arith.muli %add3A_754, %mul3A_887 : i32
      %add3A_889 = arith.constant 48 : i32
      %add3A_890 = arith.addi %mul3A_888, %add3A_889 : i32
      %get3A_891 = arith.index_cast %add3A_890 : i32 to index
      %get3A_892 = tpu.vector_load %arg8[%get3A_891] {strides = array<i32>} : memref<13312xi32, #tpu.memory_space<vmem>>, vector<16xi32>,
      %mul3A_893 = arith.constant 64 : i32
      %mul3A_894 = arith.muli %add3A_754, %mul3A_893 : i32
      %add3A_895 = arith.constant 48 : i32
      %add3A_896 = arith.addi %mul3A_894, %add3A_895 : i32
      %get3A_897 = arith.index_cast %add3A_896 : i32 to index
      %get3A_898 = tpu.vector_load %arg9[%get3A_897] {strides = array<i32>} : memref<13312xi32, #tpu.memory_space<vmem>>, vector<16xi32>,
      %gather3A_899 = tpu.vector_load_idx %arg11[%get3A_898] : memref<128xi32, #tpu.memory_space<vmem>>[vector<16xi32>], vector<16xi32>,
      %gather3A_900 = tpu.vector_load_idx %arg12[%get3A_898] : memref<128xi32, #tpu.memory_space<vmem>>[vector<16xi32>], vector<16xi32>,
      %gather3A_901 = tpu.vector_load_idx %arg13[%get3A_898] : memref<128xf32, #tpu.memory_space<vmem>>[vector<16xi32>], vector<16xf32>,
      %mul3A_902 = arith.constant -1640531535 : i32
      %mul3A_903 = vector.broadcast %mul3A_902 : i32 to vector<16xi32>
      %mul3A_904 = arith.muli %get3A_892, %mul3A_903 : vector<16xi32>
      %convert_element_type3A_905 = arith.sitofp %mul3A_904 : vector<16xi32> to vector<16xf32>
      %mul3A_906 = arith.mulf %convert_element_type3A_905, %gather3A_901 : vector<16xf32>
      %convert_element_type3A_907 = arith.fptosi %mul3A_906 : vector<16xf32> to vector<16xi32>
      %mul3A_908 = arith.muli %convert_element_type3A_907, %gather3A_900 : vector<16xi32>
      %sub3A_909 = arith.subi %mul3A_904, %mul3A_908 : vector<16xi32>
      %lt3A_910 = arith.constant 0 : i32
      %lt3A_911 = vector.broadcast %lt3A_910 : i32 to vector<16xi32>
      %lt3A_912 = arith.cmpi slt, %sub3A_909, %lt3A_911 : vector<16xi32>
      %add3A_913 = arith.addi %sub3A_909, %gather3A_900 : vector<16xi32>
      %select_n3A_914 = arith.select %lt3A_912, %add3A_913, %sub3A_909 : vector<16xi1>, vector<16xi32>
      %lt3A_915 = arith.constant 0 : i32
      %lt3A_916 = vector.broadcast %lt3A_915 : i32 to vector<16xi32>
      %lt3A_917 = arith.cmpi slt, %select_n3A_914, %lt3A_916 : vector<16xi32>
      %add3A_918 = arith.addi %select_n3A_914, %gather3A_900 : vector<16xi32>
      %select_n3A_919 = arith.select %lt3A_917, %add3A_918, %select_n3A_914 : vector<16xi1>, vector<16xi32>
      %ge3A_920 = arith.cmpi sge, %select_n3A_919, %gather3A_900 : vector<16xi32>
      %sub3A_921 = arith.subi %select_n3A_919, %gather3A_900 : vector<16xi32>
      %select_n3A_922 = arith.select %ge3A_920, %sub3A_921, %select_n3A_919 : vector<16xi1>, vector<16xi32>
      %ge3A_923 = arith.cmpi sge, %select_n3A_922, %gather3A_900 : vector<16xi32>
      %sub3A_924 = arith.subi %select_n3A_922, %gather3A_900 : vector<16xi32>
      %select_n3A_925 = arith.select %ge3A_923, %sub3A_924, %select_n3A_922 : vector<16xi1>, vector<16xi32>
      %add3A_926 = arith.addi %gather3A_899, %select_n3A_925 : vector<16xi32>
      %swap3A_927 = arith.constant 3 : i32
      %swap3A_928 = arith.index_cast %swap3A_927 : i32 to index
      %swap3A_929 = arith.constant 48 : index
      %swap3A_930 = tpu.vector_load %arg10[%swap3A_928, %swap3A_929] {strides = array<i32>} : memref<8x64xi32, #tpu.memory_space<vmem>>, vector<16xi32>,
      tpu.vector_store %arg10[%swap3A_928, %swap3A_929], %add3A_926 {strides = array<i32>} : memref<8x64xi32, #tpu.memory_space<vmem>>, vector<16xi32>,
      %gt3A_931 = arith.constant 0 : i32
      %gt3A_932 = arith.cmpi sgt, %scan3A_166, %gt3A_931 : i32
      %convert_element_type3A_933 = arith.extui %gt3A_932 : i1 to i32
      %cond3A_934 = arith.constant 0 : i32
      %cond3A_935 = arith.cmpi ne, %convert_element_type3A_933, %cond3A_934 : i32
      scf.if %cond3A_935 {
        %dma_wait3A_1780 = arith.constant 7 : i32
        %dma_wait3A_1781 = arith.constant 0 : i32
        %dma_wait3A_1782 = tpu.memref_slice %arg10[%dma_wait3A_1780, %dma_wait3A_1781] : memref<8x64xi32, #tpu.memory_space<vmem>> -> memref<1x64xi32, #tpu.memory_space<vmem>>
        %dma_wait3A_1783 = tpu.memref_squeeze %dma_wait3A_1782 : memref<1x64xi32, #tpu.memory_space<vmem>> -> memref<64xi32, #tpu.memory_space<vmem>>
        %dma_wait3A_1784 = arith.constant 0 : i32
        %dma_wait3A_1785 = arith.constant 0 : i32
        %dma_wait3A_1786 = tpu.memref_slice %arg4[%dma_wait3A_1784, %dma_wait3A_1785] : memref<2600000x128xf32, #tpu.memory_space<hbm>> -> memref<2600000x128xf32, #tpu.memory_space<hbm>>
        tpu.wait_indirect_dma semaphore(%arg29 : memref<!tpu.dma_semaphore, #tpu.memory_space<semaphore_mem>>) src(%dma_wait3A_1786 : memref<2600000x128xf32, #tpu.memory_space<hbm>>) dst(%arg21 : memref<64x128xf32, #tpu.memory_space<vmem>>)
        %sub3A_1787 = arith.constant 4 : i32
        %sub3A_1788 = arith.subi %add3A_754, %sub3A_1787 : i32
        %mul3A_1789 = arith.constant 64 : i32
        %mul3A_1790 = arith.muli %sub3A_1788, %mul3A_1789 : i32
        %add3A_1791 = arith.addi %mul3A_2, %mul3A_1790 : i32
        %dma_start3A_1792 = arith.constant 0 : i32
        %dma_start3A_1793 = tpu.memref_slice %arg7[%add3A_1791, %dma_start3A_1792] : memref<425984x128xf32, #tpu.memory_space<hbm>> -> memref<64x128xf32, #tpu.memory_space<hbm>>
        %dma_start3A_1794 = arith.constant 0 : i32
        %dma_start3A_1795 = tpu.memref_slice %arg7[%add3A_1791, %dma_start3A_1794] : memref<425984x128xf32, #tpu.memory_space<hbm>> -> memref<64x128xf32, #tpu.memory_space<hbm>>
        tpu.enqueue_dma source(%arg21 : memref<64x128xf32, #tpu.memory_space<vmem>>) target(%dma_start3A_1795 : memref<64x128xf32, #tpu.memory_space<hbm>>) target_semaphore(%arg37 : memref<!tpu.dma_semaphore, #tpu.memory_space<semaphore_mem>>)
      } else {
      }
      %gt3A_936 = arith.constant 0 : i32
      %gt3A_937 = arith.cmpi sgt, %scan3A_166, %gt3A_936 : i32
      %convert_element_type3A_938 = arith.extui %gt3A_937 : i1 to i32
      %cond3A_939 = arith.constant 0 : i32
      %cond3A_940 = arith.cmpi ne, %convert_element_type3A_938, %cond3A_939 : i32
      scf.if %cond3A_940 {
        %sub3A_1780 = arith.constant 8 : i32
        %sub3A_1781 = arith.subi %add3A_754, %sub3A_1780 : i32
        %mul3A_1782 = arith.constant 64 : i32
        %mul3A_1783 = arith.muli %sub3A_1781, %mul3A_1782 : i32
        %add3A_1784 = arith.addi %mul3A_2, %mul3A_1783 : i32
        %dma_wait3A_1785 = arith.constant 0 : i32
        %dma_wait3A_1786 = tpu.memref_slice %arg7[%add3A_1784, %dma_wait3A_1785] : memref<425984x128xf32, #tpu.memory_space<hbm>> -> memref<64x128xf32, #tpu.memory_space<hbm>>
        %dma_wait3A_1787 = arith.constant 0 : i32
        %dma_wait3A_1788 = tpu.memref_slice %arg7[%add3A_1784, %dma_wait3A_1787] : memref<425984x128xf32, #tpu.memory_space<hbm>> -> memref<64x128xf32, #tpu.memory_space<hbm>>
        tpu.wait_dma2 semaphore(%arg33 : memref<!tpu.dma_semaphore, #tpu.memory_space<semaphore_mem>>) src(%arg17 : memref<64x128xf32, #tpu.memory_space<vmem>>) dst(%dma_wait3A_1788 : memref<64x128xf32, #tpu.memory_space<hbm>>)
      } else {
      }
      %dma_start3A_941 = arith.constant 3 : i32
      %dma_start3A_942 = arith.constant 0 : i32
      %dma_start3A_943 = tpu.memref_slice %arg10[%dma_start3A_941, %dma_start3A_942] : memref<8x64xi32, #tpu.memory_space<vmem>> -> memref<1x64xi32, #tpu.memory_space<vmem>>
      %dma_start3A_944 = tpu.memref_squeeze %dma_start3A_943 : memref<1x64xi32, #tpu.memory_space<vmem>> -> memref<64xi32, #tpu.memory_space<vmem>>
      %dma_start3A_945 = arith.constant 0 : i32
      %dma_start3A_946 = arith.constant 0 : i32
      %dma_start3A_947 = tpu.memref_slice %arg4[%dma_start3A_945, %dma_start3A_946] : memref<2600000x128xf32, #tpu.memory_space<hbm>> -> memref<2600000x128xf32, #tpu.memory_space<hbm>>
      tpu.enqueue_indirect_dma source(%dma_start3A_947 : memref<2600000x128xf32, #tpu.memory_space<hbm>>) target(%arg17 : memref<64x128xf32, #tpu.memory_space<vmem>>) offsets(%dma_start3A_944 : memref<64xi32, #tpu.memory_space<vmem>>) semaphore(%arg25 : memref<!tpu.dma_semaphore, #tpu.memory_space<semaphore_mem>>)
      %mul3A_948 = arith.constant 8 : i32
      %mul3A_949 = arith.muli %scan3A_166, %mul3A_948 : i32
      %add3A_950 = arith.constant 4 : i32
      %add3A_951 = arith.addi %mul3A_949, %add3A_950 : i32
      %mul3A_952 = arith.constant 64 : i32
      %mul3A_953 = arith.muli %add3A_951, %mul3A_952 : i32
      %add3A_954 = arith.constant 0 : i32
      %add3A_955 = arith.addi %mul3A_953, %add3A_954 : i32
      %get3A_956 = arith.index_cast %add3A_955 : i32 to index
      %get3A_957 = tpu.vector_load %arg8[%get3A_956] {strides = array<i32>} : memref<13312xi32, #tpu.memory_space<vmem>>, vector<16xi32>,
      %mul3A_958 = arith.constant 64 : i32
      %mul3A_959 = arith.muli %add3A_951, %mul3A_958 : i32
      %add3A_960 = arith.constant 0 : i32
      %add3A_961 = arith.addi %mul3A_959, %add3A_960 : i32
      %get3A_962 = arith.index_cast %add3A_961 : i32 to index
      %get3A_963 = tpu.vector_load %arg9[%get3A_962] {strides = array<i32>} : memref<13312xi32, #tpu.memory_space<vmem>>, vector<16xi32>,
      %gather3A_964 = tpu.vector_load_idx %arg11[%get3A_963] : memref<128xi32, #tpu.memory_space<vmem>>[vector<16xi32>], vector<16xi32>,
      %gather3A_965 = tpu.vector_load_idx %arg12[%get3A_963] : memref<128xi32, #tpu.memory_space<vmem>>[vector<16xi32>], vector<16xi32>,
      %gather3A_966 = tpu.vector_load_idx %arg13[%get3A_963] : memref<128xf32, #tpu.memory_space<vmem>>[vector<16xi32>], vector<16xf32>,
      %mul3A_967 = arith.constant -1640531535 : i32
      %mul3A_968 = vector.broadcast %mul3A_967 : i32 to vector<16xi32>
      %mul3A_969 = arith.muli %get3A_957, %mul3A_968 : vector<16xi32>
      %convert_element_type3A_970 = arith.sitofp %mul3A_969 : vector<16xi32> to vector<16xf32>
      %mul3A_971 = arith.mulf %convert_element_type3A_970, %gather3A_966 : vector<16xf32>
      %convert_element_type3A_972 = arith.fptosi %mul3A_971 : vector<16xf32> to vector<16xi32>
      %mul3A_973 = arith.muli %convert_element_type3A_972, %gather3A_965 : vector<16xi32>
      %sub3A_974 = arith.subi %mul3A_969, %mul3A_973 : vector<16xi32>
      %lt3A_975 = arith.constant 0 : i32
      %lt3A_976 = vector.broadcast %lt3A_975 : i32 to vector<16xi32>
      %lt3A_977 = arith.cmpi slt, %sub3A_974, %lt3A_976 : vector<16xi32>
      %add3A_978 = arith.addi %sub3A_974, %gather3A_965 : vector<16xi32>
      %select_n3A_979 = arith.select %lt3A_977, %add3A_978, %sub3A_974 : vector<16xi1>, vector<16xi32>
      %lt3A_980 = arith.constant 0 : i32
      %lt3A_981 = vector.broadcast %lt3A_980 : i32 to vector<16xi32>
      %lt3A_982 = arith.cmpi slt, %select_n3A_979, %lt3A_981 : vector<16xi32>
      %add3A_983 = arith.addi %select_n3A_979, %gather3A_965 : vector<16xi32>
      %select_n3A_984 = arith.select %lt3A_982, %add3A_983, %select_n3A_979 : vector<16xi1>, vector<16xi32>
      %ge3A_985 = arith.cmpi sge, %select_n3A_984, %gather3A_965 : vector<16xi32>
      %sub3A_986 = arith.subi %select_n3A_984, %gather3A_965 : vector<16xi32>
      %select_n3A_987 = arith.select %ge3A_985, %sub3A_986, %select_n3A_984 : vector<16xi1>, vector<16xi32>
      %ge3A_988 = arith.cmpi sge, %select_n3A_987, %gather3A_965 : vector<16xi32>
      %sub3A_989 = arith.subi %select_n3A_987, %gather3A_965 : vector<16xi32>
      %select_n3A_990 = arith.select %ge3A_988, %sub3A_989, %select_n3A_987 : vector<16xi1>, vector<16xi32>
      %add3A_991 = arith.addi %gather3A_964, %select_n3A_990 : vector<16xi32>
      %swap3A_992 = arith.constant 4 : i32
      %swap3A_993 = arith.index_cast %swap3A_992 : i32 to index
      %swap3A_994 = arith.constant 0 : index
      %swap3A_995 = tpu.vector_load %arg10[%swap3A_993, %swap3A_994] {strides = array<i32>} : memref<8x64xi32, #tpu.memory_space<vmem>>, vector<16xi32>,
      tpu.vector_store %arg10[%swap3A_993, %swap3A_994], %add3A_991 {strides = array<i32>} : memref<8x64xi32, #tpu.memory_space<vmem>>, vector<16xi32>,
      %mul3A_996 = arith.constant 64 : i32
      %mul3A_997 = arith.muli %add3A_951, %mul3A_996 : i32
      %add3A_998 = arith.constant 16 : i32
      %add3A_999 = arith.addi %mul3A_997, %add3A_998 : i32
      %get3A_1000 = arith.index_cast %add3A_999 : i32 to index
      %get3A_1001 = tpu.vector_load %arg8[%get3A_1000] {strides = array<i32>} : memref<13312xi32, #tpu.memory_space<vmem>>, vector<16xi32>,
      %mul3A_1002 = arith.constant 64 : i32
      %mul3A_1003 = arith.muli %add3A_951, %mul3A_1002 : i32
      %add3A_1004 = arith.constant 16 : i32
      %add3A_1005 = arith.addi %mul3A_1003, %add3A_1004 : i32
      %get3A_1006 = arith.index_cast %add3A_1005 : i32 to index
      %get3A_1007 = tpu.vector_load %arg9[%get3A_1006] {strides = array<i32>} : memref<13312xi32, #tpu.memory_space<vmem>>, vector<16xi32>,
      %gather3A_1008 = tpu.vector_load_idx %arg11[%get3A_1007] : memref<128xi32, #tpu.memory_space<vmem>>[vector<16xi32>], vector<16xi32>,
      %gather3A_1009 = tpu.vector_load_idx %arg12[%get3A_1007] : memref<128xi32, #tpu.memory_space<vmem>>[vector<16xi32>], vector<16xi32>,
      %gather3A_1010 = tpu.vector_load_idx %arg13[%get3A_1007] : memref<128xf32, #tpu.memory_space<vmem>>[vector<16xi32>], vector<16xf32>,
      %mul3A_1011 = arith.constant -1640531535 : i32
      %mul3A_1012 = vector.broadcast %mul3A_1011 : i32 to vector<16xi32>
      %mul3A_1013 = arith.muli %get3A_1001, %mul3A_1012 : vector<16xi32>
      %convert_element_type3A_1014 = arith.sitofp %mul3A_1013 : vector<16xi32> to vector<16xf32>
      %mul3A_1015 = arith.mulf %convert_element_type3A_1014, %gather3A_1010 : vector<16xf32>
      %convert_element_type3A_1016 = arith.fptosi %mul3A_1015 : vector<16xf32> to vector<16xi32>
      %mul3A_1017 = arith.muli %convert_element_type3A_1016, %gather3A_1009 : vector<16xi32>
      %sub3A_1018 = arith.subi %mul3A_1013, %mul3A_1017 : vector<16xi32>
      %lt3A_1019 = arith.constant 0 : i32
      %lt3A_1020 = vector.broadcast %lt3A_1019 : i32 to vector<16xi32>
      %lt3A_1021 = arith.cmpi slt, %sub3A_1018, %lt3A_1020 : vector<16xi32>
      %add3A_1022 = arith.addi %sub3A_1018, %gather3A_1009 : vector<16xi32>
      %select_n3A_1023 = arith.select %lt3A_1021, %add3A_1022, %sub3A_1018 : vector<16xi1>, vector<16xi32>
      %lt3A_1024 = arith.constant 0 : i32
      %lt3A_1025 = vector.broadcast %lt3A_1024 : i32 to vector<16xi32>
      %lt3A_1026 = arith.cmpi slt, %select_n3A_1023, %lt3A_1025 : vector<16xi32>
      %add3A_1027 = arith.addi %select_n3A_1023, %gather3A_1009 : vector<16xi32>
      %select_n3A_1028 = arith.select %lt3A_1026, %add3A_1027, %select_n3A_1023 : vector<16xi1>, vector<16xi32>
      %ge3A_1029 = arith.cmpi sge, %select_n3A_1028, %gather3A_1009 : vector<16xi32>
      %sub3A_1030 = arith.subi %select_n3A_1028, %gather3A_1009 : vector<16xi32>
      %select_n3A_1031 = arith.select %ge3A_1029, %sub3A_1030, %select_n3A_1028 : vector<16xi1>, vector<16xi32>
      %ge3A_1032 = arith.cmpi sge, %select_n3A_1031, %gather3A_1009 : vector<16xi32>
      %sub3A_1033 = arith.subi %select_n3A_1031, %gather3A_1009 : vector<16xi32>
      %select_n3A_1034 = arith.select %ge3A_1032, %sub3A_1033, %select_n3A_1031 : vector<16xi1>, vector<16xi32>
      %add3A_1035 = arith.addi %gather3A_1008, %select_n3A_1034 : vector<16xi32>
      %swap3A_1036 = arith.constant 4 : i32
      %swap3A_1037 = arith.index_cast %swap3A_1036 : i32 to index
      %swap3A_1038 = arith.constant 16 : index
      %swap3A_1039 = tpu.vector_load %arg10[%swap3A_1037, %swap3A_1038] {strides = array<i32>} : memref<8x64xi32, #tpu.memory_space<vmem>>, vector<16xi32>,
      tpu.vector_store %arg10[%swap3A_1037, %swap3A_1038], %add3A_1035 {strides = array<i32>} : memref<8x64xi32, #tpu.memory_space<vmem>>, vector<16xi32>,
      %mul3A_1040 = arith.constant 64 : i32
      %mul3A_1041 = arith.muli %add3A_951, %mul3A_1040 : i32
      %add3A_1042 = arith.constant 32 : i32
      %add3A_1043 = arith.addi %mul3A_1041, %add3A_1042 : i32
      %get3A_1044 = arith.index_cast %add3A_1043 : i32 to index
      %get3A_1045 = tpu.vector_load %arg8[%get3A_1044] {strides = array<i32>} : memref<13312xi32, #tpu.memory_space<vmem>>, vector<16xi32>,
      %mul3A_1046 = arith.constant 64 : i32
      %mul3A_1047 = arith.muli %add3A_951, %mul3A_1046 : i32
      %add3A_1048 = arith.constant 32 : i32
      %add3A_1049 = arith.addi %mul3A_1047, %add3A_1048 : i32
      %get3A_1050 = arith.index_cast %add3A_1049 : i32 to index
      %get3A_1051 = tpu.vector_load %arg9[%get3A_1050] {strides = array<i32>} : memref<13312xi32, #tpu.memory_space<vmem>>, vector<16xi32>,
      %gather3A_1052 = tpu.vector_load_idx %arg11[%get3A_1051] : memref<128xi32, #tpu.memory_space<vmem>>[vector<16xi32>], vector<16xi32>,
      %gather3A_1053 = tpu.vector_load_idx %arg12[%get3A_1051] : memref<128xi32, #tpu.memory_space<vmem>>[vector<16xi32>], vector<16xi32>,
      %gather3A_1054 = tpu.vector_load_idx %arg13[%get3A_1051] : memref<128xf32, #tpu.memory_space<vmem>>[vector<16xi32>], vector<16xf32>,
      %mul3A_1055 = arith.constant -1640531535 : i32
      %mul3A_1056 = vector.broadcast %mul3A_1055 : i32 to vector<16xi32>
      %mul3A_1057 = arith.muli %get3A_1045, %mul3A_1056 : vector<16xi32>
      %convert_element_type3A_1058 = arith.sitofp %mul3A_1057 : vector<16xi32> to vector<16xf32>
      %mul3A_1059 = arith.mulf %convert_element_type3A_1058, %gather3A_1054 : vector<16xf32>
      %convert_element_type3A_1060 = arith.fptosi %mul3A_1059 : vector<16xf32> to vector<16xi32>
      %mul3A_1061 = arith.muli %convert_element_type3A_1060, %gather3A_1053 : vector<16xi32>
      %sub3A_1062 = arith.subi %mul3A_1057, %mul3A_1061 : vector<16xi32>
      %lt3A_1063 = arith.constant 0 : i32
      %lt3A_1064 = vector.broadcast %lt3A_1063 : i32 to vector<16xi32>
      %lt3A_1065 = arith.cmpi slt, %sub3A_1062, %lt3A_1064 : vector<16xi32>
      %add3A_1066 = arith.addi %sub3A_1062, %gather3A_1053 : vector<16xi32>
      %select_n3A_1067 = arith.select %lt3A_1065, %add3A_1066, %sub3A_1062 : vector<16xi1>, vector<16xi32>
      %lt3A_1068 = arith.constant 0 : i32
      %lt3A_1069 = vector.broadcast %lt3A_1068 : i32 to vector<16xi32>
      %lt3A_1070 = arith.cmpi slt, %select_n3A_1067, %lt3A_1069 : vector<16xi32>
      %add3A_1071 = arith.addi %select_n3A_1067, %gather3A_1053 : vector<16xi32>
      %select_n3A_1072 = arith.select %lt3A_1070, %add3A_1071, %select_n3A_1067 : vector<16xi1>, vector<16xi32>
      %ge3A_1073 = arith.cmpi sge, %select_n3A_1072, %gather3A_1053 : vector<16xi32>
      %sub3A_1074 = arith.subi %select_n3A_1072, %gather3A_1053 : vector<16xi32>
      %select_n3A_1075 = arith.select %ge3A_1073, %sub3A_1074, %select_n3A_1072 : vector<16xi1>, vector<16xi32>
      %ge3A_1076 = arith.cmpi sge, %select_n3A_1075, %gather3A_1053 : vector<16xi32>
      %sub3A_1077 = arith.subi %select_n3A_1075, %gather3A_1053 : vector<16xi32>
      %select_n3A_1078 = arith.select %ge3A_1076, %sub3A_1077, %select_n3A_1075 : vector<16xi1>, vector<16xi32>
      %add3A_1079 = arith.addi %gather3A_1052, %select_n3A_1078 : vector<16xi32>
      %swap3A_1080 = arith.constant 4 : i32
      %swap3A_1081 = arith.index_cast %swap3A_1080 : i32 to index
      %swap3A_1082 = arith.constant 32 : index
      %swap3A_1083 = tpu.vector_load %arg10[%swap3A_1081, %swap3A_1082] {strides = array<i32>} : memref<8x64xi32, #tpu.memory_space<vmem>>, vector<16xi32>,
      tpu.vector_store %arg10[%swap3A_1081, %swap3A_1082], %add3A_1079 {strides = array<i32>} : memref<8x64xi32, #tpu.memory_space<vmem>>, vector<16xi32>,
      %mul3A_1084 = arith.constant 64 : i32
      %mul3A_1085 = arith.muli %add3A_951, %mul3A_1084 : i32
      %add3A_1086 = arith.constant 48 : i32
      %add3A_1087 = arith.addi %mul3A_1085, %add3A_1086 : i32
      %get3A_1088 = arith.index_cast %add3A_1087 : i32 to index
      %get3A_1089 = tpu.vector_load %arg8[%get3A_1088] {strides = array<i32>} : memref<13312xi32, #tpu.memory_space<vmem>>, vector<16xi32>,
      %mul3A_1090 = arith.constant 64 : i32
      %mul3A_1091 = arith.muli %add3A_951, %mul3A_1090 : i32
      %add3A_1092 = arith.constant 48 : i32
      %add3A_1093 = arith.addi %mul3A_1091, %add3A_1092 : i32
      %get3A_1094 = arith.index_cast %add3A_1093 : i32 to index
      %get3A_1095 = tpu.vector_load %arg9[%get3A_1094] {strides = array<i32>} : memref<13312xi32, #tpu.memory_space<vmem>>, vector<16xi32>,
      %gather3A_1096 = tpu.vector_load_idx %arg11[%get3A_1095] : memref<128xi32, #tpu.memory_space<vmem>>[vector<16xi32>], vector<16xi32>,
      %gather3A_1097 = tpu.vector_load_idx %arg12[%get3A_1095] : memref<128xi32, #tpu.memory_space<vmem>>[vector<16xi32>], vector<16xi32>,
      %gather3A_1098 = tpu.vector_load_idx %arg13[%get3A_1095] : memref<128xf32, #tpu.memory_space<vmem>>[vector<16xi32>], vector<16xf32>,
      %mul3A_1099 = arith.constant -1640531535 : i32
      %mul3A_1100 = vector.broadcast %mul3A_1099 : i32 to vector<16xi32>
      %mul3A_1101 = arith.muli %get3A_1089, %mul3A_1100 : vector<16xi32>
      %convert_element_type3A_1102 = arith.sitofp %mul3A_1101 : vector<16xi32> to vector<16xf32>
      %mul3A_1103 = arith.mulf %convert_element_type3A_1102, %gather3A_1098 : vector<16xf32>
      %convert_element_type3A_1104 = arith.fptosi %mul3A_1103 : vector<16xf32> to vector<16xi32>
      %mul3A_1105 = arith.muli %convert_element_type3A_1104, %gather3A_1097 : vector<16xi32>
      %sub3A_1106 = arith.subi %mul3A_1101, %mul3A_1105 : vector<16xi32>
      %lt3A_1107 = arith.constant 0 : i32
      %lt3A_1108 = vector.broadcast %lt3A_1107 : i32 to vector<16xi32>
      %lt3A_1109 = arith.cmpi slt, %sub3A_1106, %lt3A_1108 : vector<16xi32>
      %add3A_1110 = arith.addi %sub3A_1106, %gather3A_1097 : vector<16xi32>
      %select_n3A_1111 = arith.select %lt3A_1109, %add3A_1110, %sub3A_1106 : vector<16xi1>, vector<16xi32>
      %lt3A_1112 = arith.constant 0 : i32
      %lt3A_1113 = vector.broadcast %lt3A_1112 : i32 to vector<16xi32>
      %lt3A_1114 = arith.cmpi slt, %select_n3A_1111, %lt3A_1113 : vector<16xi32>
      %add3A_1115 = arith.addi %select_n3A_1111, %gather3A_1097 : vector<16xi32>
      %select_n3A_1116 = arith.select %lt3A_1114, %add3A_1115, %select_n3A_1111 : vector<16xi1>, vector<16xi32>
      %ge3A_1117 = arith.cmpi sge, %select_n3A_1116, %gather3A_1097 : vector<16xi32>
      %sub3A_1118 = arith.subi %select_n3A_1116, %gather3A_1097 : vector<16xi32>
      %select_n3A_1119 = arith.select %ge3A_1117, %sub3A_1118, %select_n3A_1116 : vector<16xi1>, vector<16xi32>
      %ge3A_1120 = arith.cmpi sge, %select_n3A_1119, %gather3A_1097 : vector<16xi32>
      %sub3A_1121 = arith.subi %select_n3A_1119, %gather3A_1097 : vector<16xi32>
      %select_n3A_1122 = arith.select %ge3A_1120, %sub3A_1121, %select_n3A_1119 : vector<16xi1>, vector<16xi32>
      %add3A_1123 = arith.addi %gather3A_1096, %select_n3A_1122 : vector<16xi32>
      %swap3A_1124 = arith.constant 4 : i32
      %swap3A_1125 = arith.index_cast %swap3A_1124 : i32 to index
      %swap3A_1126 = arith.constant 48 : index
      %swap3A_1127 = tpu.vector_load %arg10[%swap3A_1125, %swap3A_1126] {strides = array<i32>} : memref<8x64xi32, #tpu.memory_space<vmem>>, vector<16xi32>,
      tpu.vector_store %arg10[%swap3A_1125, %swap3A_1126], %add3A_1123 {strides = array<i32>} : memref<8x64xi32, #tpu.memory_space<vmem>>, vector<16xi32>,
      %dma_wait3A_1128 = arith.constant 0 : i32
      %dma_wait3A_1129 = arith.constant 0 : i32
      %dma_wait3A_1130 = tpu.memref_slice %arg10[%dma_wait3A_1128, %dma_wait3A_1129] : memref<8x64xi32, #tpu.memory_space<vmem>> -> memref<1x64xi32, #tpu.memory_space<vmem>>
      %dma_wait3A_1131 = tpu.memref_squeeze %dma_wait3A_1130 : memref<1x64xi32, #tpu.memory_space<vmem>> -> memref<64xi32, #tpu.memory_space<vmem>>
      %dma_wait3A_1132 = arith.constant 0 : i32
      %dma_wait3A_1133 = arith.constant 0 : i32
      %dma_wait3A_1134 = tpu.memref_slice %arg4[%dma_wait3A_1132, %dma_wait3A_1133] : memref<2600000x128xf32, #tpu.memory_space<hbm>> -> memref<2600000x128xf32, #tpu.memory_space<hbm>>
      tpu.wait_indirect_dma semaphore(%arg22 : memref<!tpu.dma_semaphore, #tpu.memory_space<semaphore_mem>>) src(%dma_wait3A_1134 : memref<2600000x128xf32, #tpu.memory_space<hbm>>) dst(%arg14 : memref<64x128xf32, #tpu.memory_space<vmem>>)
      %sub3A_1135 = arith.constant 4 : i32
      %sub3A_1136 = arith.subi %add3A_951, %sub3A_1135 : i32
      %mul3A_1137 = arith.constant 64 : i32
      %mul3A_1138 = arith.muli %sub3A_1136, %mul3A_1137 : i32
      %add3A_1139 = arith.addi %mul3A_2, %mul3A_1138 : i32
      %dma_start3A_1140 = arith.constant 0 : i32
      %dma_start3A_1141 = tpu.memref_slice %arg7[%add3A_1139, %dma_start3A_1140] : memref<425984x128xf32, #tpu.memory_space<hbm>> -> memref<64x128xf32, #tpu.memory_space<hbm>>
      %dma_start3A_1142 = arith.constant 0 : i32
      %dma_start3A_1143 = tpu.memref_slice %arg7[%add3A_1139, %dma_start3A_1142] : memref<425984x128xf32, #tpu.memory_space<hbm>> -> memref<64x128xf32, #tpu.memory_space<hbm>>
      tpu.enqueue_dma source(%arg14 : memref<64x128xf32, #tpu.memory_space<vmem>>) target(%dma_start3A_1143 : memref<64x128xf32, #tpu.memory_space<hbm>>) target_semaphore(%arg30 : memref<!tpu.dma_semaphore, #tpu.memory_space<semaphore_mem>>)
      %gt3A_1144 = arith.constant 0 : i32
      %gt3A_1145 = arith.cmpi sgt, %scan3A_166, %gt3A_1144 : i32
      %convert_element_type3A_1146 = arith.extui %gt3A_1145 : i1 to i32
      %cond3A_1147 = arith.constant 0 : i32
      %cond3A_1148 = arith.cmpi ne, %convert_element_type3A_1146, %cond3A_1147 : i32
      scf.if %cond3A_1148 {
        %sub3A_1780 = arith.constant 8 : i32
        %sub3A_1781 = arith.subi %add3A_951, %sub3A_1780 : i32
        %mul3A_1782 = arith.constant 64 : i32
        %mul3A_1783 = arith.muli %sub3A_1781, %mul3A_1782 : i32
        %add3A_1784 = arith.addi %mul3A_2, %mul3A_1783 : i32
        %dma_wait3A_1785 = arith.constant 0 : i32
        %dma_wait3A_1786 = tpu.memref_slice %arg7[%add3A_1784, %dma_wait3A_1785] : memref<425984x128xf32, #tpu.memory_space<hbm>> -> memref<64x128xf32, #tpu.memory_space<hbm>>
        %dma_wait3A_1787 = arith.constant 0 : i32
        %dma_wait3A_1788 = tpu.memref_slice %arg7[%add3A_1784, %dma_wait3A_1787] : memref<425984x128xf32, #tpu.memory_space<hbm>> -> memref<64x128xf32, #tpu.memory_space<hbm>>
        tpu.wait_dma2 semaphore(%arg34 : memref<!tpu.dma_semaphore, #tpu.memory_space<semaphore_mem>>) src(%arg18 : memref<64x128xf32, #tpu.memory_space<vmem>>) dst(%dma_wait3A_1788 : memref<64x128xf32, #tpu.memory_space<hbm>>)
      } else {
      }
      %dma_start3A_1149 = arith.constant 4 : i32
      %dma_start3A_1150 = arith.constant 0 : i32
      %dma_start3A_1151 = tpu.memref_slice %arg10[%dma_start3A_1149, %dma_start3A_1150] : memref<8x64xi32, #tpu.memory_space<vmem>> -> memref<1x64xi32, #tpu.memory_space<vmem>>
      %dma_start3A_1152 = tpu.memref_squeeze %dma_start3A_1151 : memref<1x64xi32, #tpu.memory_space<vmem>> -> memref<64xi32, #tpu.memory_space<vmem>>
      %dma_start3A_1153 = arith.constant 0 : i32
      %dma_start3A_1154 = arith.constant 0 : i32
      %dma_start3A_1155 = tpu.memref_slice %arg4[%dma_start3A_1153, %dma_start3A_1154] : memref<2600000x128xf32, #tpu.memory_space<hbm>> -> memref<2600000x128xf32, #tpu.memory_space<hbm>>
      tpu.enqueue_indirect_dma source(%dma_start3A_1155 : memref<2600000x128xf32, #tpu.memory_space<hbm>>) target(%arg18 : memref<64x128xf32, #tpu.memory_space<vmem>>) offsets(%dma_start3A_1152 : memref<64xi32, #tpu.memory_space<vmem>>) semaphore(%arg26 : memref<!tpu.dma_semaphore, #tpu.memory_space<semaphore_mem>>)
      %mul3A_1156 = arith.constant 8 : i32
      %mul3A_1157 = arith.muli %scan3A_166, %mul3A_1156 : i32
      %add3A_1158 = arith.constant 5 : i32
      %add3A_1159 = arith.addi %mul3A_1157, %add3A_1158 : i32
      %mul3A_1160 = arith.constant 64 : i32
      %mul3A_1161 = arith.muli %add3A_1159, %mul3A_1160 : i32
      %add3A_1162 = arith.constant 0 : i32
      %add3A_1163 = arith.addi %mul3A_1161, %add3A_1162 : i32
      %get3A_1164 = arith.index_cast %add3A_1163 : i32 to index
      %get3A_1165 = tpu.vector_load %arg8[%get3A_1164] {strides = array<i32>} : memref<13312xi32, #tpu.memory_space<vmem>>, vector<16xi32>,
      %mul3A_1166 = arith.constant 64 : i32
      %mul3A_1167 = arith.muli %add3A_1159, %mul3A_1166 : i32
      %add3A_1168 = arith.constant 0 : i32
      %add3A_1169 = arith.addi %mul3A_1167, %add3A_1168 : i32
      %get3A_1170 = arith.index_cast %add3A_1169 : i32 to index
      %get3A_1171 = tpu.vector_load %arg9[%get3A_1170] {strides = array<i32>} : memref<13312xi32, #tpu.memory_space<vmem>>, vector<16xi32>,
      %gather3A_1172 = tpu.vector_load_idx %arg11[%get3A_1171] : memref<128xi32, #tpu.memory_space<vmem>>[vector<16xi32>], vector<16xi32>,
      %gather3A_1173 = tpu.vector_load_idx %arg12[%get3A_1171] : memref<128xi32, #tpu.memory_space<vmem>>[vector<16xi32>], vector<16xi32>,
      %gather3A_1174 = tpu.vector_load_idx %arg13[%get3A_1171] : memref<128xf32, #tpu.memory_space<vmem>>[vector<16xi32>], vector<16xf32>,
      %mul3A_1175 = arith.constant -1640531535 : i32
      %mul3A_1176 = vector.broadcast %mul3A_1175 : i32 to vector<16xi32>
      %mul3A_1177 = arith.muli %get3A_1165, %mul3A_1176 : vector<16xi32>
      %convert_element_type3A_1178 = arith.sitofp %mul3A_1177 : vector<16xi32> to vector<16xf32>
      %mul3A_1179 = arith.mulf %convert_element_type3A_1178, %gather3A_1174 : vector<16xf32>
      %convert_element_type3A_1180 = arith.fptosi %mul3A_1179 : vector<16xf32> to vector<16xi32>
      %mul3A_1181 = arith.muli %convert_element_type3A_1180, %gather3A_1173 : vector<16xi32>
      %sub3A_1182 = arith.subi %mul3A_1177, %mul3A_1181 : vector<16xi32>
      %lt3A_1183 = arith.constant 0 : i32
      %lt3A_1184 = vector.broadcast %lt3A_1183 : i32 to vector<16xi32>
      %lt3A_1185 = arith.cmpi slt, %sub3A_1182, %lt3A_1184 : vector<16xi32>
      %add3A_1186 = arith.addi %sub3A_1182, %gather3A_1173 : vector<16xi32>
      %select_n3A_1187 = arith.select %lt3A_1185, %add3A_1186, %sub3A_1182 : vector<16xi1>, vector<16xi32>
      %lt3A_1188 = arith.constant 0 : i32
      %lt3A_1189 = vector.broadcast %lt3A_1188 : i32 to vector<16xi32>
      %lt3A_1190 = arith.cmpi slt, %select_n3A_1187, %lt3A_1189 : vector<16xi32>
      %add3A_1191 = arith.addi %select_n3A_1187, %gather3A_1173 : vector<16xi32>
      %select_n3A_1192 = arith.select %lt3A_1190, %add3A_1191, %select_n3A_1187 : vector<16xi1>, vector<16xi32>
      %ge3A_1193 = arith.cmpi sge, %select_n3A_1192, %gather3A_1173 : vector<16xi32>
      %sub3A_1194 = arith.subi %select_n3A_1192, %gather3A_1173 : vector<16xi32>
      %select_n3A_1195 = arith.select %ge3A_1193, %sub3A_1194, %select_n3A_1192 : vector<16xi1>, vector<16xi32>
      %ge3A_1196 = arith.cmpi sge, %select_n3A_1195, %gather3A_1173 : vector<16xi32>
      %sub3A_1197 = arith.subi %select_n3A_1195, %gather3A_1173 : vector<16xi32>
      %select_n3A_1198 = arith.select %ge3A_1196, %sub3A_1197, %select_n3A_1195 : vector<16xi1>, vector<16xi32>
      %add3A_1199 = arith.addi %gather3A_1172, %select_n3A_1198 : vector<16xi32>
      %swap3A_1200 = arith.constant 5 : i32
      %swap3A_1201 = arith.index_cast %swap3A_1200 : i32 to index
      %swap3A_1202 = arith.constant 0 : index
      %swap3A_1203 = tpu.vector_load %arg10[%swap3A_1201, %swap3A_1202] {strides = array<i32>} : memref<8x64xi32, #tpu.memory_space<vmem>>, vector<16xi32>,
      tpu.vector_store %arg10[%swap3A_1201, %swap3A_1202], %add3A_1199 {strides = array<i32>} : memref<8x64xi32, #tpu.memory_space<vmem>>, vector<16xi32>,
      %mul3A_1204 = arith.constant 64 : i32
      %mul3A_1205 = arith.muli %add3A_1159, %mul3A_1204 : i32
      %add3A_1206 = arith.constant 16 : i32
      %add3A_1207 = arith.addi %mul3A_1205, %add3A_1206 : i32
      %get3A_1208 = arith.index_cast %add3A_1207 : i32 to index
      %get3A_1209 = tpu.vector_load %arg8[%get3A_1208] {strides = array<i32>} : memref<13312xi32, #tpu.memory_space<vmem>>, vector<16xi32>,
      %mul3A_1210 = arith.constant 64 : i32
      %mul3A_1211 = arith.muli %add3A_1159, %mul3A_1210 : i32
      %add3A_1212 = arith.constant 16 : i32
      %add3A_1213 = arith.addi %mul3A_1211, %add3A_1212 : i32
      %get3A_1214 = arith.index_cast %add3A_1213 : i32 to index
      %get3A_1215 = tpu.vector_load %arg9[%get3A_1214] {strides = array<i32>} : memref<13312xi32, #tpu.memory_space<vmem>>, vector<16xi32>,
      %gather3A_1216 = tpu.vector_load_idx %arg11[%get3A_1215] : memref<128xi32, #tpu.memory_space<vmem>>[vector<16xi32>], vector<16xi32>,
      %gather3A_1217 = tpu.vector_load_idx %arg12[%get3A_1215] : memref<128xi32, #tpu.memory_space<vmem>>[vector<16xi32>], vector<16xi32>,
      %gather3A_1218 = tpu.vector_load_idx %arg13[%get3A_1215] : memref<128xf32, #tpu.memory_space<vmem>>[vector<16xi32>], vector<16xf32>,
      %mul3A_1219 = arith.constant -1640531535 : i32
      %mul3A_1220 = vector.broadcast %mul3A_1219 : i32 to vector<16xi32>
      %mul3A_1221 = arith.muli %get3A_1209, %mul3A_1220 : vector<16xi32>
      %convert_element_type3A_1222 = arith.sitofp %mul3A_1221 : vector<16xi32> to vector<16xf32>
      %mul3A_1223 = arith.mulf %convert_element_type3A_1222, %gather3A_1218 : vector<16xf32>
      %convert_element_type3A_1224 = arith.fptosi %mul3A_1223 : vector<16xf32> to vector<16xi32>
      %mul3A_1225 = arith.muli %convert_element_type3A_1224, %gather3A_1217 : vector<16xi32>
      %sub3A_1226 = arith.subi %mul3A_1221, %mul3A_1225 : vector<16xi32>
      %lt3A_1227 = arith.constant 0 : i32
      %lt3A_1228 = vector.broadcast %lt3A_1227 : i32 to vector<16xi32>
      %lt3A_1229 = arith.cmpi slt, %sub3A_1226, %lt3A_1228 : vector<16xi32>
      %add3A_1230 = arith.addi %sub3A_1226, %gather3A_1217 : vector<16xi32>
      %select_n3A_1231 = arith.select %lt3A_1229, %add3A_1230, %sub3A_1226 : vector<16xi1>, vector<16xi32>
      %lt3A_1232 = arith.constant 0 : i32
      %lt3A_1233 = vector.broadcast %lt3A_1232 : i32 to vector<16xi32>
      %lt3A_1234 = arith.cmpi slt, %select_n3A_1231, %lt3A_1233 : vector<16xi32>
      %add3A_1235 = arith.addi %select_n3A_1231, %gather3A_1217 : vector<16xi32>
      %select_n3A_1236 = arith.select %lt3A_1234, %add3A_1235, %select_n3A_1231 : vector<16xi1>, vector<16xi32>
      %ge3A_1237 = arith.cmpi sge, %select_n3A_1236, %gather3A_1217 : vector<16xi32>
      %sub3A_1238 = arith.subi %select_n3A_1236, %gather3A_1217 : vector<16xi32>
      %select_n3A_1239 = arith.select %ge3A_1237, %sub3A_1238, %select_n3A_1236 : vector<16xi1>, vector<16xi32>
      %ge3A_1240 = arith.cmpi sge, %select_n3A_1239, %gather3A_1217 : vector<16xi32>
      %sub3A_1241 = arith.subi %select_n3A_1239, %gather3A_1217 : vector<16xi32>
      %select_n3A_1242 = arith.select %ge3A_1240, %sub3A_1241, %select_n3A_1239 : vector<16xi1>, vector<16xi32>
      %add3A_1243 = arith.addi %gather3A_1216, %select_n3A_1242 : vector<16xi32>
      %swap3A_1244 = arith.constant 5 : i32
      %swap3A_1245 = arith.index_cast %swap3A_1244 : i32 to index
      %swap3A_1246 = arith.constant 16 : index
      %swap3A_1247 = tpu.vector_load %arg10[%swap3A_1245, %swap3A_1246] {strides = array<i32>} : memref<8x64xi32, #tpu.memory_space<vmem>>, vector<16xi32>,
      tpu.vector_store %arg10[%swap3A_1245, %swap3A_1246], %add3A_1243 {strides = array<i32>} : memref<8x64xi32, #tpu.memory_space<vmem>>, vector<16xi32>,
      %mul3A_1248 = arith.constant 64 : i32
      %mul3A_1249 = arith.muli %add3A_1159, %mul3A_1248 : i32
      %add3A_1250 = arith.constant 32 : i32
      %add3A_1251 = arith.addi %mul3A_1249, %add3A_1250 : i32
      %get3A_1252 = arith.index_cast %add3A_1251 : i32 to index
      %get3A_1253 = tpu.vector_load %arg8[%get3A_1252] {strides = array<i32>} : memref<13312xi32, #tpu.memory_space<vmem>>, vector<16xi32>,
      %mul3A_1254 = arith.constant 64 : i32
      %mul3A_1255 = arith.muli %add3A_1159, %mul3A_1254 : i32
      %add3A_1256 = arith.constant 32 : i32
      %add3A_1257 = arith.addi %mul3A_1255, %add3A_1256 : i32
      %get3A_1258 = arith.index_cast %add3A_1257 : i32 to index
      %get3A_1259 = tpu.vector_load %arg9[%get3A_1258] {strides = array<i32>} : memref<13312xi32, #tpu.memory_space<vmem>>, vector<16xi32>,
      %gather3A_1260 = tpu.vector_load_idx %arg11[%get3A_1259] : memref<128xi32, #tpu.memory_space<vmem>>[vector<16xi32>], vector<16xi32>,
      %gather3A_1261 = tpu.vector_load_idx %arg12[%get3A_1259] : memref<128xi32, #tpu.memory_space<vmem>>[vector<16xi32>], vector<16xi32>,
      %gather3A_1262 = tpu.vector_load_idx %arg13[%get3A_1259] : memref<128xf32, #tpu.memory_space<vmem>>[vector<16xi32>], vector<16xf32>,
      %mul3A_1263 = arith.constant -1640531535 : i32
      %mul3A_1264 = vector.broadcast %mul3A_1263 : i32 to vector<16xi32>
      %mul3A_1265 = arith.muli %get3A_1253, %mul3A_1264 : vector<16xi32>
      %convert_element_type3A_1266 = arith.sitofp %mul3A_1265 : vector<16xi32> to vector<16xf32>
      %mul3A_1267 = arith.mulf %convert_element_type3A_1266, %gather3A_1262 : vector<16xf32>
      %convert_element_type3A_1268 = arith.fptosi %mul3A_1267 : vector<16xf32> to vector<16xi32>
      %mul3A_1269 = arith.muli %convert_element_type3A_1268, %gather3A_1261 : vector<16xi32>
      %sub3A_1270 = arith.subi %mul3A_1265, %mul3A_1269 : vector<16xi32>
      %lt3A_1271 = arith.constant 0 : i32
      %lt3A_1272 = vector.broadcast %lt3A_1271 : i32 to vector<16xi32>
      %lt3A_1273 = arith.cmpi slt, %sub3A_1270, %lt3A_1272 : vector<16xi32>
      %add3A_1274 = arith.addi %sub3A_1270, %gather3A_1261 : vector<16xi32>
      %select_n3A_1275 = arith.select %lt3A_1273, %add3A_1274, %sub3A_1270 : vector<16xi1>, vector<16xi32>
      %lt3A_1276 = arith.constant 0 : i32
      %lt3A_1277 = vector.broadcast %lt3A_1276 : i32 to vector<16xi32>
      %lt3A_1278 = arith.cmpi slt, %select_n3A_1275, %lt3A_1277 : vector<16xi32>
      %add3A_1279 = arith.addi %select_n3A_1275, %gather3A_1261 : vector<16xi32>
      %select_n3A_1280 = arith.select %lt3A_1278, %add3A_1279, %select_n3A_1275 : vector<16xi1>, vector<16xi32>
      %ge3A_1281 = arith.cmpi sge, %select_n3A_1280, %gather3A_1261 : vector<16xi32>
      %sub3A_1282 = arith.subi %select_n3A_1280, %gather3A_1261 : vector<16xi32>
      %select_n3A_1283 = arith.select %ge3A_1281, %sub3A_1282, %select_n3A_1280 : vector<16xi1>, vector<16xi32>
      %ge3A_1284 = arith.cmpi sge, %select_n3A_1283, %gather3A_1261 : vector<16xi32>
      %sub3A_1285 = arith.subi %select_n3A_1283, %gather3A_1261 : vector<16xi32>
      %select_n3A_1286 = arith.select %ge3A_1284, %sub3A_1285, %select_n3A_1283 : vector<16xi1>, vector<16xi32>
      %add3A_1287 = arith.addi %gather3A_1260, %select_n3A_1286 : vector<16xi32>
      %swap3A_1288 = arith.constant 5 : i32
      %swap3A_1289 = arith.index_cast %swap3A_1288 : i32 to index
      %swap3A_1290 = arith.constant 32 : index
      %swap3A_1291 = tpu.vector_load %arg10[%swap3A_1289, %swap3A_1290] {strides = array<i32>} : memref<8x64xi32, #tpu.memory_space<vmem>>, vector<16xi32>,
      tpu.vector_store %arg10[%swap3A_1289, %swap3A_1290], %add3A_1287 {strides = array<i32>} : memref<8x64xi32, #tpu.memory_space<vmem>>, vector<16xi32>,
      %mul3A_1292 = arith.constant 64 : i32
      %mul3A_1293 = arith.muli %add3A_1159, %mul3A_1292 : i32
      %add3A_1294 = arith.constant 48 : i32
      %add3A_1295 = arith.addi %mul3A_1293, %add3A_1294 : i32
      %get3A_1296 = arith.index_cast %add3A_1295 : i32 to index
      %get3A_1297 = tpu.vector_load %arg8[%get3A_1296] {strides = array<i32>} : memref<13312xi32, #tpu.memory_space<vmem>>, vector<16xi32>,
      %mul3A_1298 = arith.constant 64 : i32
      %mul3A_1299 = arith.muli %add3A_1159, %mul3A_1298 : i32
      %add3A_1300 = arith.constant 48 : i32
      %add3A_1301 = arith.addi %mul3A_1299, %add3A_1300 : i32
      %get3A_1302 = arith.index_cast %add3A_1301 : i32 to index
      %get3A_1303 = tpu.vector_load %arg9[%get3A_1302] {strides = array<i32>} : memref<13312xi32, #tpu.memory_space<vmem>>, vector<16xi32>,
      %gather3A_1304 = tpu.vector_load_idx %arg11[%get3A_1303] : memref<128xi32, #tpu.memory_space<vmem>>[vector<16xi32>], vector<16xi32>,
      %gather3A_1305 = tpu.vector_load_idx %arg12[%get3A_1303] : memref<128xi32, #tpu.memory_space<vmem>>[vector<16xi32>], vector<16xi32>,
      %gather3A_1306 = tpu.vector_load_idx %arg13[%get3A_1303] : memref<128xf32, #tpu.memory_space<vmem>>[vector<16xi32>], vector<16xf32>,
      %mul3A_1307 = arith.constant -1640531535 : i32
      %mul3A_1308 = vector.broadcast %mul3A_1307 : i32 to vector<16xi32>
      %mul3A_1309 = arith.muli %get3A_1297, %mul3A_1308 : vector<16xi32>
      %convert_element_type3A_1310 = arith.sitofp %mul3A_1309 : vector<16xi32> to vector<16xf32>
      %mul3A_1311 = arith.mulf %convert_element_type3A_1310, %gather3A_1306 : vector<16xf32>
      %convert_element_type3A_1312 = arith.fptosi %mul3A_1311 : vector<16xf32> to vector<16xi32>
      %mul3A_1313 = arith.muli %convert_element_type3A_1312, %gather3A_1305 : vector<16xi32>
      %sub3A_1314 = arith.subi %mul3A_1309, %mul3A_1313 : vector<16xi32>
      %lt3A_1315 = arith.constant 0 : i32
      %lt3A_1316 = vector.broadcast %lt3A_1315 : i32 to vector<16xi32>
      %lt3A_1317 = arith.cmpi slt, %sub3A_1314, %lt3A_1316 : vector<16xi32>
      %add3A_1318 = arith.addi %sub3A_1314, %gather3A_1305 : vector<16xi32>
      %select_n3A_1319 = arith.select %lt3A_1317, %add3A_1318, %sub3A_1314 : vector<16xi1>, vector<16xi32>
      %lt3A_1320 = arith.constant 0 : i32
      %lt3A_1321 = vector.broadcast %lt3A_1320 : i32 to vector<16xi32>
      %lt3A_1322 = arith.cmpi slt, %select_n3A_1319, %lt3A_1321 : vector<16xi32>
      %add3A_1323 = arith.addi %select_n3A_1319, %gather3A_1305 : vector<16xi32>
      %select_n3A_1324 = arith.select %lt3A_1322, %add3A_1323, %select_n3A_1319 : vector<16xi1>, vector<16xi32>
      %ge3A_1325 = arith.cmpi sge, %select_n3A_1324, %gather3A_1305 : vector<16xi32>
      %sub3A_1326 = arith.subi %select_n3A_1324, %gather3A_1305 : vector<16xi32>
      %select_n3A_1327 = arith.select %ge3A_1325, %sub3A_1326, %select_n3A_1324 : vector<16xi1>, vector<16xi32>
      %ge3A_1328 = arith.cmpi sge, %select_n3A_1327, %gather3A_1305 : vector<16xi32>
      %sub3A_1329 = arith.subi %select_n3A_1327, %gather3A_1305 : vector<16xi32>
      %select_n3A_1330 = arith.select %ge3A_1328, %sub3A_1329, %select_n3A_1327 : vector<16xi1>, vector<16xi32>
      %add3A_1331 = arith.addi %gather3A_1304, %select_n3A_1330 : vector<16xi32>
      %swap3A_1332 = arith.constant 5 : i32
      %swap3A_1333 = arith.index_cast %swap3A_1332 : i32 to index
      %swap3A_1334 = arith.constant 48 : index
      %swap3A_1335 = tpu.vector_load %arg10[%swap3A_1333, %swap3A_1334] {strides = array<i32>} : memref<8x64xi32, #tpu.memory_space<vmem>>, vector<16xi32>,
      tpu.vector_store %arg10[%swap3A_1333, %swap3A_1334], %add3A_1331 {strides = array<i32>} : memref<8x64xi32, #tpu.memory_space<vmem>>, vector<16xi32>,
      %dma_wait3A_1336 = arith.constant 1 : i32
      %dma_wait3A_1337 = arith.constant 0 : i32
      %dma_wait3A_1338 = tpu.memref_slice %arg10[%dma_wait3A_1336, %dma_wait3A_1337] : memref<8x64xi32, #tpu.memory_space<vmem>> -> memref<1x64xi32, #tpu.memory_space<vmem>>
      %dma_wait3A_1339 = tpu.memref_squeeze %dma_wait3A_1338 : memref<1x64xi32, #tpu.memory_space<vmem>> -> memref<64xi32, #tpu.memory_space<vmem>>
      %dma_wait3A_1340 = arith.constant 0 : i32
      %dma_wait3A_1341 = arith.constant 0 : i32
      %dma_wait3A_1342 = tpu.memref_slice %arg4[%dma_wait3A_1340, %dma_wait3A_1341] : memref<2600000x128xf32, #tpu.memory_space<hbm>> -> memref<2600000x128xf32, #tpu.memory_space<hbm>>
      tpu.wait_indirect_dma semaphore(%arg23 : memref<!tpu.dma_semaphore, #tpu.memory_space<semaphore_mem>>) src(%dma_wait3A_1342 : memref<2600000x128xf32, #tpu.memory_space<hbm>>) dst(%arg15 : memref<64x128xf32, #tpu.memory_space<vmem>>)
      %sub3A_1343 = arith.constant 4 : i32
      %sub3A_1344 = arith.subi %add3A_1159, %sub3A_1343 : i32
      %mul3A_1345 = arith.constant 64 : i32
      %mul3A_1346 = arith.muli %sub3A_1344, %mul3A_1345 : i32
      %add3A_1347 = arith.addi %mul3A_2, %mul3A_1346 : i32
      %dma_start3A_1348 = arith.constant 0 : i32
      %dma_start3A_1349 = tpu.memref_slice %arg7[%add3A_1347, %dma_start3A_1348] : memref<425984x128xf32, #tpu.memory_space<hbm>> -> memref<64x128xf32, #tpu.memory_space<hbm>>
      %dma_start3A_1350 = arith.constant 0 : i32
      %dma_start3A_1351 = tpu.memref_slice %arg7[%add3A_1347, %dma_start3A_1350] : memref<425984x128xf32, #tpu.memory_space<hbm>> -> memref<64x128xf32, #tpu.memory_space<hbm>>
      tpu.enqueue_dma source(%arg15 : memref<64x128xf32, #tpu.memory_space<vmem>>) target(%dma_start3A_1351 : memref<64x128xf32, #tpu.memory_space<hbm>>) target_semaphore(%arg31 : memref<!tpu.dma_semaphore, #tpu.memory_space<semaphore_mem>>)
      %gt3A_1352 = arith.constant 0 : i32
      %gt3A_1353 = arith.cmpi sgt, %scan3A_166, %gt3A_1352 : i32
      %convert_element_type3A_1354 = arith.extui %gt3A_1353 : i1 to i32
      %cond3A_1355 = arith.constant 0 : i32
      %cond3A_1356 = arith.cmpi ne, %convert_element_type3A_1354, %cond3A_1355 : i32
      scf.if %cond3A_1356 {
        %sub3A_1780 = arith.constant 8 : i32
        %sub3A_1781 = arith.subi %add3A_1159, %sub3A_1780 : i32
        %mul3A_1782 = arith.constant 64 : i32
        %mul3A_1783 = arith.muli %sub3A_1781, %mul3A_1782 : i32
        %add3A_1784 = arith.addi %mul3A_2, %mul3A_1783 : i32
        %dma_wait3A_1785 = arith.constant 0 : i32
        %dma_wait3A_1786 = tpu.memref_slice %arg7[%add3A_1784, %dma_wait3A_1785] : memref<425984x128xf32, #tpu.memory_space<hbm>> -> memref<64x128xf32, #tpu.memory_space<hbm>>
        %dma_wait3A_1787 = arith.constant 0 : i32
        %dma_wait3A_1788 = tpu.memref_slice %arg7[%add3A_1784, %dma_wait3A_1787] : memref<425984x128xf32, #tpu.memory_space<hbm>> -> memref<64x128xf32, #tpu.memory_space<hbm>>
        tpu.wait_dma2 semaphore(%arg35 : memref<!tpu.dma_semaphore, #tpu.memory_space<semaphore_mem>>) src(%arg19 : memref<64x128xf32, #tpu.memory_space<vmem>>) dst(%dma_wait3A_1788 : memref<64x128xf32, #tpu.memory_space<hbm>>)
      } else {
      }
      %dma_start3A_1357 = arith.constant 5 : i32
      %dma_start3A_1358 = arith.constant 0 : i32
      %dma_start3A_1359 = tpu.memref_slice %arg10[%dma_start3A_1357, %dma_start3A_1358] : memref<8x64xi32, #tpu.memory_space<vmem>> -> memref<1x64xi32, #tpu.memory_space<vmem>>
      %dma_start3A_1360 = tpu.memref_squeeze %dma_start3A_1359 : memref<1x64xi32, #tpu.memory_space<vmem>> -> memref<64xi32, #tpu.memory_space<vmem>>
      %dma_start3A_1361 = arith.constant 0 : i32
      %dma_start3A_1362 = arith.constant 0 : i32
      %dma_start3A_1363 = tpu.memref_slice %arg4[%dma_start3A_1361, %dma_start3A_1362] : memref<2600000x128xf32, #tpu.memory_space<hbm>> -> memref<2600000x128xf32, #tpu.memory_space<hbm>>
      tpu.enqueue_indirect_dma source(%dma_start3A_1363 : memref<2600000x128xf32, #tpu.memory_space<hbm>>) target(%arg19 : memref<64x128xf32, #tpu.memory_space<vmem>>) offsets(%dma_start3A_1360 : memref<64xi32, #tpu.memory_space<vmem>>) semaphore(%arg27 : memref<!tpu.dma_semaphore, #tpu.memory_space<semaphore_mem>>)
      %mul3A_1364 = arith.constant 8 : i32
      %mul3A_1365 = arith.muli %scan3A_166, %mul3A_1364 : i32
      %add3A_1366 = arith.constant 6 : i32
      %add3A_1367 = arith.addi %mul3A_1365, %add3A_1366 : i32
      %mul3A_1368 = arith.constant 64 : i32
      %mul3A_1369 = arith.muli %add3A_1367, %mul3A_1368 : i32
      %add3A_1370 = arith.constant 0 : i32
      %add3A_1371 = arith.addi %mul3A_1369, %add3A_1370 : i32
      %get3A_1372 = arith.index_cast %add3A_1371 : i32 to index
      %get3A_1373 = tpu.vector_load %arg8[%get3A_1372] {strides = array<i32>} : memref<13312xi32, #tpu.memory_space<vmem>>, vector<16xi32>,
      %mul3A_1374 = arith.constant 64 : i32
      %mul3A_1375 = arith.muli %add3A_1367, %mul3A_1374 : i32
      %add3A_1376 = arith.constant 0 : i32
      %add3A_1377 = arith.addi %mul3A_1375, %add3A_1376 : i32
      %get3A_1378 = arith.index_cast %add3A_1377 : i32 to index
      %get3A_1379 = tpu.vector_load %arg9[%get3A_1378] {strides = array<i32>} : memref<13312xi32, #tpu.memory_space<vmem>>, vector<16xi32>,
      %gather3A_1380 = tpu.vector_load_idx %arg11[%get3A_1379] : memref<128xi32, #tpu.memory_space<vmem>>[vector<16xi32>], vector<16xi32>,
      %gather3A_1381 = tpu.vector_load_idx %arg12[%get3A_1379] : memref<128xi32, #tpu.memory_space<vmem>>[vector<16xi32>], vector<16xi32>,
      %gather3A_1382 = tpu.vector_load_idx %arg13[%get3A_1379] : memref<128xf32, #tpu.memory_space<vmem>>[vector<16xi32>], vector<16xf32>,
      %mul3A_1383 = arith.constant -1640531535 : i32
      %mul3A_1384 = vector.broadcast %mul3A_1383 : i32 to vector<16xi32>
      %mul3A_1385 = arith.muli %get3A_1373, %mul3A_1384 : vector<16xi32>
      %convert_element_type3A_1386 = arith.sitofp %mul3A_1385 : vector<16xi32> to vector<16xf32>
      %mul3A_1387 = arith.mulf %convert_element_type3A_1386, %gather3A_1382 : vector<16xf32>
      %convert_element_type3A_1388 = arith.fptosi %mul3A_1387 : vector<16xf32> to vector<16xi32>
      %mul3A_1389 = arith.muli %convert_element_type3A_1388, %gather3A_1381 : vector<16xi32>
      %sub3A_1390 = arith.subi %mul3A_1385, %mul3A_1389 : vector<16xi32>
      %lt3A_1391 = arith.constant 0 : i32
      %lt3A_1392 = vector.broadcast %lt3A_1391 : i32 to vector<16xi32>
      %lt3A_1393 = arith.cmpi slt, %sub3A_1390, %lt3A_1392 : vector<16xi32>
      %add3A_1394 = arith.addi %sub3A_1390, %gather3A_1381 : vector<16xi32>
      %select_n3A_1395 = arith.select %lt3A_1393, %add3A_1394, %sub3A_1390 : vector<16xi1>, vector<16xi32>
      %lt3A_1396 = arith.constant 0 : i32
      %lt3A_1397 = vector.broadcast %lt3A_1396 : i32 to vector<16xi32>
      %lt3A_1398 = arith.cmpi slt, %select_n3A_1395, %lt3A_1397 : vector<16xi32>
      %add3A_1399 = arith.addi %select_n3A_1395, %gather3A_1381 : vector<16xi32>
      %select_n3A_1400 = arith.select %lt3A_1398, %add3A_1399, %select_n3A_1395 : vector<16xi1>, vector<16xi32>
      %ge3A_1401 = arith.cmpi sge, %select_n3A_1400, %gather3A_1381 : vector<16xi32>
      %sub3A_1402 = arith.subi %select_n3A_1400, %gather3A_1381 : vector<16xi32>
      %select_n3A_1403 = arith.select %ge3A_1401, %sub3A_1402, %select_n3A_1400 : vector<16xi1>, vector<16xi32>
      %ge3A_1404 = arith.cmpi sge, %select_n3A_1403, %gather3A_1381 : vector<16xi32>
      %sub3A_1405 = arith.subi %select_n3A_1403, %gather3A_1381 : vector<16xi32>
      %select_n3A_1406 = arith.select %ge3A_1404, %sub3A_1405, %select_n3A_1403 : vector<16xi1>, vector<16xi32>
      %add3A_1407 = arith.addi %gather3A_1380, %select_n3A_1406 : vector<16xi32>
      %swap3A_1408 = arith.constant 6 : i32
      %swap3A_1409 = arith.index_cast %swap3A_1408 : i32 to index
      %swap3A_1410 = arith.constant 0 : index
      %swap3A_1411 = tpu.vector_load %arg10[%swap3A_1409, %swap3A_1410] {strides = array<i32>} : memref<8x64xi32, #tpu.memory_space<vmem>>, vector<16xi32>,
      tpu.vector_store %arg10[%swap3A_1409, %swap3A_1410], %add3A_1407 {strides = array<i32>} : memref<8x64xi32, #tpu.memory_space<vmem>>, vector<16xi32>,
      %mul3A_1412 = arith.constant 64 : i32
      %mul3A_1413 = arith.muli %add3A_1367, %mul3A_1412 : i32
      %add3A_1414 = arith.constant 16 : i32
      %add3A_1415 = arith.addi %mul3A_1413, %add3A_1414 : i32
      %get3A_1416 = arith.index_cast %add3A_1415 : i32 to index
      %get3A_1417 = tpu.vector_load %arg8[%get3A_1416] {strides = array<i32>} : memref<13312xi32, #tpu.memory_space<vmem>>, vector<16xi32>,
      %mul3A_1418 = arith.constant 64 : i32
      %mul3A_1419 = arith.muli %add3A_1367, %mul3A_1418 : i32
      %add3A_1420 = arith.constant 16 : i32
      %add3A_1421 = arith.addi %mul3A_1419, %add3A_1420 : i32
      %get3A_1422 = arith.index_cast %add3A_1421 : i32 to index
      %get3A_1423 = tpu.vector_load %arg9[%get3A_1422] {strides = array<i32>} : memref<13312xi32, #tpu.memory_space<vmem>>, vector<16xi32>,
      %gather3A_1424 = tpu.vector_load_idx %arg11[%get3A_1423] : memref<128xi32, #tpu.memory_space<vmem>>[vector<16xi32>], vector<16xi32>,
      %gather3A_1425 = tpu.vector_load_idx %arg12[%get3A_1423] : memref<128xi32, #tpu.memory_space<vmem>>[vector<16xi32>], vector<16xi32>,
      %gather3A_1426 = tpu.vector_load_idx %arg13[%get3A_1423] : memref<128xf32, #tpu.memory_space<vmem>>[vector<16xi32>], vector<16xf32>,
      %mul3A_1427 = arith.constant -1640531535 : i32
      %mul3A_1428 = vector.broadcast %mul3A_1427 : i32 to vector<16xi32>
      %mul3A_1429 = arith.muli %get3A_1417, %mul3A_1428 : vector<16xi32>
      %convert_element_type3A_1430 = arith.sitofp %mul3A_1429 : vector<16xi32> to vector<16xf32>
      %mul3A_1431 = arith.mulf %convert_element_type3A_1430, %gather3A_1426 : vector<16xf32>
      %convert_element_type3A_1432 = arith.fptosi %mul3A_1431 : vector<16xf32> to vector<16xi32>
      %mul3A_1433 = arith.muli %convert_element_type3A_1432, %gather3A_1425 : vector<16xi32>
      %sub3A_1434 = arith.subi %mul3A_1429, %mul3A_1433 : vector<16xi32>
      %lt3A_1435 = arith.constant 0 : i32
      %lt3A_1436 = vector.broadcast %lt3A_1435 : i32 to vector<16xi32>
      %lt3A_1437 = arith.cmpi slt, %sub3A_1434, %lt3A_1436 : vector<16xi32>
      %add3A_1438 = arith.addi %sub3A_1434, %gather3A_1425 : vector<16xi32>
      %select_n3A_1439 = arith.select %lt3A_1437, %add3A_1438, %sub3A_1434 : vector<16xi1>, vector<16xi32>
      %lt3A_1440 = arith.constant 0 : i32
      %lt3A_1441 = vector.broadcast %lt3A_1440 : i32 to vector<16xi32>
      %lt3A_1442 = arith.cmpi slt, %select_n3A_1439, %lt3A_1441 : vector<16xi32>
      %add3A_1443 = arith.addi %select_n3A_1439, %gather3A_1425 : vector<16xi32>
      %select_n3A_1444 = arith.select %lt3A_1442, %add3A_1443, %select_n3A_1439 : vector<16xi1>, vector<16xi32>
      %ge3A_1445 = arith.cmpi sge, %select_n3A_1444, %gather3A_1425 : vector<16xi32>
      %sub3A_1446 = arith.subi %select_n3A_1444, %gather3A_1425 : vector<16xi32>
      %select_n3A_1447 = arith.select %ge3A_1445, %sub3A_1446, %select_n3A_1444 : vector<16xi1>, vector<16xi32>
      %ge3A_1448 = arith.cmpi sge, %select_n3A_1447, %gather3A_1425 : vector<16xi32>
      %sub3A_1449 = arith.subi %select_n3A_1447, %gather3A_1425 : vector<16xi32>
      %select_n3A_1450 = arith.select %ge3A_1448, %sub3A_1449, %select_n3A_1447 : vector<16xi1>, vector<16xi32>
      %add3A_1451 = arith.addi %gather3A_1424, %select_n3A_1450 : vector<16xi32>
      %swap3A_1452 = arith.constant 6 : i32
      %swap3A_1453 = arith.index_cast %swap3A_1452 : i32 to index
      %swap3A_1454 = arith.constant 16 : index
      %swap3A_1455 = tpu.vector_load %arg10[%swap3A_1453, %swap3A_1454] {strides = array<i32>} : memref<8x64xi32, #tpu.memory_space<vmem>>, vector<16xi32>,
      tpu.vector_store %arg10[%swap3A_1453, %swap3A_1454], %add3A_1451 {strides = array<i32>} : memref<8x64xi32, #tpu.memory_space<vmem>>, vector<16xi32>,
      %mul3A_1456 = arith.constant 64 : i32
      %mul3A_1457 = arith.muli %add3A_1367, %mul3A_1456 : i32
      %add3A_1458 = arith.constant 32 : i32
      %add3A_1459 = arith.addi %mul3A_1457, %add3A_1458 : i32
      %get3A_1460 = arith.index_cast %add3A_1459 : i32 to index
      %get3A_1461 = tpu.vector_load %arg8[%get3A_1460] {strides = array<i32>} : memref<13312xi32, #tpu.memory_space<vmem>>, vector<16xi32>,
      %mul3A_1462 = arith.constant 64 : i32
      %mul3A_1463 = arith.muli %add3A_1367, %mul3A_1462 : i32
      %add3A_1464 = arith.constant 32 : i32
      %add3A_1465 = arith.addi %mul3A_1463, %add3A_1464 : i32
      %get3A_1466 = arith.index_cast %add3A_1465 : i32 to index
      %get3A_1467 = tpu.vector_load %arg9[%get3A_1466] {strides = array<i32>} : memref<13312xi32, #tpu.memory_space<vmem>>, vector<16xi32>,
      %gather3A_1468 = tpu.vector_load_idx %arg11[%get3A_1467] : memref<128xi32, #tpu.memory_space<vmem>>[vector<16xi32>], vector<16xi32>,
      %gather3A_1469 = tpu.vector_load_idx %arg12[%get3A_1467] : memref<128xi32, #tpu.memory_space<vmem>>[vector<16xi32>], vector<16xi32>,
      %gather3A_1470 = tpu.vector_load_idx %arg13[%get3A_1467] : memref<128xf32, #tpu.memory_space<vmem>>[vector<16xi32>], vector<16xf32>,
      %mul3A_1471 = arith.constant -1640531535 : i32
      %mul3A_1472 = vector.broadcast %mul3A_1471 : i32 to vector<16xi32>
      %mul3A_1473 = arith.muli %get3A_1461, %mul3A_1472 : vector<16xi32>
      %convert_element_type3A_1474 = arith.sitofp %mul3A_1473 : vector<16xi32> to vector<16xf32>
      %mul3A_1475 = arith.mulf %convert_element_type3A_1474, %gather3A_1470 : vector<16xf32>
      %convert_element_type3A_1476 = arith.fptosi %mul3A_1475 : vector<16xf32> to vector<16xi32>
      %mul3A_1477 = arith.muli %convert_element_type3A_1476, %gather3A_1469 : vector<16xi32>
      %sub3A_1478 = arith.subi %mul3A_1473, %mul3A_1477 : vector<16xi32>
      %lt3A_1479 = arith.constant 0 : i32
      %lt3A_1480 = vector.broadcast %lt3A_1479 : i32 to vector<16xi32>
      %lt3A_1481 = arith.cmpi slt, %sub3A_1478, %lt3A_1480 : vector<16xi32>
      %add3A_1482 = arith.addi %sub3A_1478, %gather3A_1469 : vector<16xi32>
      %select_n3A_1483 = arith.select %lt3A_1481, %add3A_1482, %sub3A_1478 : vector<16xi1>, vector<16xi32>
      %lt3A_1484 = arith.constant 0 : i32
      %lt3A_1485 = vector.broadcast %lt3A_1484 : i32 to vector<16xi32>
      %lt3A_1486 = arith.cmpi slt, %select_n3A_1483, %lt3A_1485 : vector<16xi32>
      %add3A_1487 = arith.addi %select_n3A_1483, %gather3A_1469 : vector<16xi32>
      %select_n3A_1488 = arith.select %lt3A_1486, %add3A_1487, %select_n3A_1483 : vector<16xi1>, vector<16xi32>
      %ge3A_1489 = arith.cmpi sge, %select_n3A_1488, %gather3A_1469 : vector<16xi32>
      %sub3A_1490 = arith.subi %select_n3A_1488, %gather3A_1469 : vector<16xi32>
      %select_n3A_1491 = arith.select %ge3A_1489, %sub3A_1490, %select_n3A_1488 : vector<16xi1>, vector<16xi32>
      %ge3A_1492 = arith.cmpi sge, %select_n3A_1491, %gather3A_1469 : vector<16xi32>
      %sub3A_1493 = arith.subi %select_n3A_1491, %gather3A_1469 : vector<16xi32>
      %select_n3A_1494 = arith.select %ge3A_1492, %sub3A_1493, %select_n3A_1491 : vector<16xi1>, vector<16xi32>
      %add3A_1495 = arith.addi %gather3A_1468, %select_n3A_1494 : vector<16xi32>
      %swap3A_1496 = arith.constant 6 : i32
      %swap3A_1497 = arith.index_cast %swap3A_1496 : i32 to index
      %swap3A_1498 = arith.constant 32 : index
      %swap3A_1499 = tpu.vector_load %arg10[%swap3A_1497, %swap3A_1498] {strides = array<i32>} : memref<8x64xi32, #tpu.memory_space<vmem>>, vector<16xi32>,
      tpu.vector_store %arg10[%swap3A_1497, %swap3A_1498], %add3A_1495 {strides = array<i32>} : memref<8x64xi32, #tpu.memory_space<vmem>>, vector<16xi32>,
      %mul3A_1500 = arith.constant 64 : i32
      %mul3A_1501 = arith.muli %add3A_1367, %mul3A_1500 : i32
      %add3A_1502 = arith.constant 48 : i32
      %add3A_1503 = arith.addi %mul3A_1501, %add3A_1502 : i32
      %get3A_1504 = arith.index_cast %add3A_1503 : i32 to index
      %get3A_1505 = tpu.vector_load %arg8[%get3A_1504] {strides = array<i32>} : memref<13312xi32, #tpu.memory_space<vmem>>, vector<16xi32>,
      %mul3A_1506 = arith.constant 64 : i32
      %mul3A_1507 = arith.muli %add3A_1367, %mul3A_1506 : i32
      %add3A_1508 = arith.constant 48 : i32
      %add3A_1509 = arith.addi %mul3A_1507, %add3A_1508 : i32
      %get3A_1510 = arith.index_cast %add3A_1509 : i32 to index
      %get3A_1511 = tpu.vector_load %arg9[%get3A_1510] {strides = array<i32>} : memref<13312xi32, #tpu.memory_space<vmem>>, vector<16xi32>,
      %gather3A_1512 = tpu.vector_load_idx %arg11[%get3A_1511] : memref<128xi32, #tpu.memory_space<vmem>>[vector<16xi32>], vector<16xi32>,
      %gather3A_1513 = tpu.vector_load_idx %arg12[%get3A_1511] : memref<128xi32, #tpu.memory_space<vmem>>[vector<16xi32>], vector<16xi32>,
      %gather3A_1514 = tpu.vector_load_idx %arg13[%get3A_1511] : memref<128xf32, #tpu.memory_space<vmem>>[vector<16xi32>], vector<16xf32>,
      %mul3A_1515 = arith.constant -1640531535 : i32
      %mul3A_1516 = vector.broadcast %mul3A_1515 : i32 to vector<16xi32>
      %mul3A_1517 = arith.muli %get3A_1505, %mul3A_1516 : vector<16xi32>
      %convert_element_type3A_1518 = arith.sitofp %mul3A_1517 : vector<16xi32> to vector<16xf32>
      %mul3A_1519 = arith.mulf %convert_element_type3A_1518, %gather3A_1514 : vector<16xf32>
      %convert_element_type3A_1520 = arith.fptosi %mul3A_1519 : vector<16xf32> to vector<16xi32>
      %mul3A_1521 = arith.muli %convert_element_type3A_1520, %gather3A_1513 : vector<16xi32>
      %sub3A_1522 = arith.subi %mul3A_1517, %mul3A_1521 : vector<16xi32>
      %lt3A_1523 = arith.constant 0 : i32
      %lt3A_1524 = vector.broadcast %lt3A_1523 : i32 to vector<16xi32>
      %lt3A_1525 = arith.cmpi slt, %sub3A_1522, %lt3A_1524 : vector<16xi32>
      %add3A_1526 = arith.addi %sub3A_1522, %gather3A_1513 : vector<16xi32>
      %select_n3A_1527 = arith.select %lt3A_1525, %add3A_1526, %sub3A_1522 : vector<16xi1>, vector<16xi32>
      %lt3A_1528 = arith.constant 0 : i32
      %lt3A_1529 = vector.broadcast %lt3A_1528 : i32 to vector<16xi32>
      %lt3A_1530 = arith.cmpi slt, %select_n3A_1527, %lt3A_1529 : vector<16xi32>
      %add3A_1531 = arith.addi %select_n3A_1527, %gather3A_1513 : vector<16xi32>
      %select_n3A_1532 = arith.select %lt3A_1530, %add3A_1531, %select_n3A_1527 : vector<16xi1>, vector<16xi32>
      %ge3A_1533 = arith.cmpi sge, %select_n3A_1532, %gather3A_1513 : vector<16xi32>
      %sub3A_1534 = arith.subi %select_n3A_1532, %gather3A_1513 : vector<16xi32>
      %select_n3A_1535 = arith.select %ge3A_1533, %sub3A_1534, %select_n3A_1532 : vector<16xi1>, vector<16xi32>
      %ge3A_1536 = arith.cmpi sge, %select_n3A_1535, %gather3A_1513 : vector<16xi32>
      %sub3A_1537 = arith.subi %select_n3A_1535, %gather3A_1513 : vector<16xi32>
      %select_n3A_1538 = arith.select %ge3A_1536, %sub3A_1537, %select_n3A_1535 : vector<16xi1>, vector<16xi32>
      %add3A_1539 = arith.addi %gather3A_1512, %select_n3A_1538 : vector<16xi32>
      %swap3A_1540 = arith.constant 6 : i32
      %swap3A_1541 = arith.index_cast %swap3A_1540 : i32 to index
      %swap3A_1542 = arith.constant 48 : index
      %swap3A_1543 = tpu.vector_load %arg10[%swap3A_1541, %swap3A_1542] {strides = array<i32>} : memref<8x64xi32, #tpu.memory_space<vmem>>, vector<16xi32>,
      tpu.vector_store %arg10[%swap3A_1541, %swap3A_1542], %add3A_1539 {strides = array<i32>} : memref<8x64xi32, #tpu.memory_space<vmem>>, vector<16xi32>,
      %dma_wait3A_1544 = arith.constant 2 : i32
      %dma_wait3A_1545 = arith.constant 0 : i32
      %dma_wait3A_1546 = tpu.memref_slice %arg10[%dma_wait3A_1544, %dma_wait3A_1545] : memref<8x64xi32, #tpu.memory_space<vmem>> -> memref<1x64xi32, #tpu.memory_space<vmem>>
      %dma_wait3A_1547 = tpu.memref_squeeze %dma_wait3A_1546 : memref<1x64xi32, #tpu.memory_space<vmem>> -> memref<64xi32, #tpu.memory_space<vmem>>
      %dma_wait3A_1548 = arith.constant 0 : i32
      %dma_wait3A_1549 = arith.constant 0 : i32
      %dma_wait3A_1550 = tpu.memref_slice %arg4[%dma_wait3A_1548, %dma_wait3A_1549] : memref<2600000x128xf32, #tpu.memory_space<hbm>> -> memref<2600000x128xf32, #tpu.memory_space<hbm>>
      tpu.wait_indirect_dma semaphore(%arg24 : memref<!tpu.dma_semaphore, #tpu.memory_space<semaphore_mem>>) src(%dma_wait3A_1550 : memref<2600000x128xf32, #tpu.memory_space<hbm>>) dst(%arg16 : memref<64x128xf32, #tpu.memory_space<vmem>>)
      %sub3A_1551 = arith.constant 4 : i32
      %sub3A_1552 = arith.subi %add3A_1367, %sub3A_1551 : i32
      %mul3A_1553 = arith.constant 64 : i32
      %mul3A_1554 = arith.muli %sub3A_1552, %mul3A_1553 : i32
      %add3A_1555 = arith.addi %mul3A_2, %mul3A_1554 : i32
      %dma_start3A_1556 = arith.constant 0 : i32
      %dma_start3A_1557 = tpu.memref_slice %arg7[%add3A_1555, %dma_start3A_1556] : memref<425984x128xf32, #tpu.memory_space<hbm>> -> memref<64x128xf32, #tpu.memory_space<hbm>>
      %dma_start3A_1558 = arith.constant 0 : i32
      %dma_start3A_1559 = tpu.memref_slice %arg7[%add3A_1555, %dma_start3A_1558] : memref<425984x128xf32, #tpu.memory_space<hbm>> -> memref<64x128xf32, #tpu.memory_space<hbm>>
      tpu.enqueue_dma source(%arg16 : memref<64x128xf32, #tpu.memory_space<vmem>>) target(%dma_start3A_1559 : memref<64x128xf32, #tpu.memory_space<hbm>>) target_semaphore(%arg32 : memref<!tpu.dma_semaphore, #tpu.memory_space<semaphore_mem>>)
      %gt3A_1560 = arith.constant 0 : i32
      %gt3A_1561 = arith.cmpi sgt, %scan3A_166, %gt3A_1560 : i32
      %convert_element_type3A_1562 = arith.extui %gt3A_1561 : i1 to i32
      %cond3A_1563 = arith.constant 0 : i32
      %cond3A_1564 = arith.cmpi ne, %convert_element_type3A_1562, %cond3A_1563 : i32
      scf.if %cond3A_1564 {
        %sub3A_1780 = arith.constant 8 : i32
        %sub3A_1781 = arith.subi %add3A_1367, %sub3A_1780 : i32
        %mul3A_1782 = arith.constant 64 : i32
        %mul3A_1783 = arith.muli %sub3A_1781, %mul3A_1782 : i32
        %add3A_1784 = arith.addi %mul3A_2, %mul3A_1783 : i32
        %dma_wait3A_1785 = arith.constant 0 : i32
        %dma_wait3A_1786 = tpu.memref_slice %arg7[%add3A_1784, %dma_wait3A_1785] : memref<425984x128xf32, #tpu.memory_space<hbm>> -> memref<64x128xf32, #tpu.memory_space<hbm>>
        %dma_wait3A_1787 = arith.constant 0 : i32
        %dma_wait3A_1788 = tpu.memref_slice %arg7[%add3A_1784, %dma_wait3A_1787] : memref<425984x128xf32, #tpu.memory_space<hbm>> -> memref<64x128xf32, #tpu.memory_space<hbm>>
        tpu.wait_dma2 semaphore(%arg36 : memref<!tpu.dma_semaphore, #tpu.memory_space<semaphore_mem>>) src(%arg20 : memref<64x128xf32, #tpu.memory_space<vmem>>) dst(%dma_wait3A_1788 : memref<64x128xf32, #tpu.memory_space<hbm>>)
      } else {
      }
      %dma_start3A_1565 = arith.constant 6 : i32
      %dma_start3A_1566 = arith.constant 0 : i32
      %dma_start3A_1567 = tpu.memref_slice %arg10[%dma_start3A_1565, %dma_start3A_1566] : memref<8x64xi32, #tpu.memory_space<vmem>> -> memref<1x64xi32, #tpu.memory_space<vmem>>
      %dma_start3A_1568 = tpu.memref_squeeze %dma_start3A_1567 : memref<1x64xi32, #tpu.memory_space<vmem>> -> memref<64xi32, #tpu.memory_space<vmem>>
      %dma_start3A_1569 = arith.constant 0 : i32
      %dma_start3A_1570 = arith.constant 0 : i32
      %dma_start3A_1571 = tpu.memref_slice %arg4[%dma_start3A_1569, %dma_start3A_1570] : memref<2600000x128xf32, #tpu.memory_space<hbm>> -> memref<2600000x128xf32, #tpu.memory_space<hbm>>
      tpu.enqueue_indirect_dma source(%dma_start3A_1571 : memref<2600000x128xf32, #tpu.memory_space<hbm>>) target(%arg20 : memref<64x128xf32, #tpu.memory_space<vmem>>) offsets(%dma_start3A_1568 : memref<64xi32, #tpu.memory_space<vmem>>) semaphore(%arg28 : memref<!tpu.dma_semaphore, #tpu.memory_space<semaphore_mem>>)
      %mul3A_1572 = arith.constant 8 : i32
      %mul3A_1573 = arith.muli %scan3A_166, %mul3A_1572 : i32
      %add3A_1574 = arith.constant 7 : i32
      %add3A_1575 = arith.addi %mul3A_1573, %add3A_1574 : i32
      %mul3A_1576 = arith.constant 64 : i32
      %mul3A_1577 = arith.muli %add3A_1575, %mul3A_1576 : i32
      %add3A_1578 = arith.constant 0 : i32
      %add3A_1579 = arith.addi %mul3A_1577, %add3A_1578 : i32
      %get3A_1580 = arith.index_cast %add3A_1579 : i32 to index
      %get3A_1581 = tpu.vector_load %arg8[%get3A_1580] {strides = array<i32>} : memref<13312xi32, #tpu.memory_space<vmem>>, vector<16xi32>,
      %mul3A_1582 = arith.constant 64 : i32
      %mul3A_1583 = arith.muli %add3A_1575, %mul3A_1582 : i32
      %add3A_1584 = arith.constant 0 : i32
      %add3A_1585 = arith.addi %mul3A_1583, %add3A_1584 : i32
      %get3A_1586 = arith.index_cast %add3A_1585 : i32 to index
      %get3A_1587 = tpu.vector_load %arg9[%get3A_1586] {strides = array<i32>} : memref<13312xi32, #tpu.memory_space<vmem>>, vector<16xi32>,
      %gather3A_1588 = tpu.vector_load_idx %arg11[%get3A_1587] : memref<128xi32, #tpu.memory_space<vmem>>[vector<16xi32>], vector<16xi32>,
      %gather3A_1589 = tpu.vector_load_idx %arg12[%get3A_1587] : memref<128xi32, #tpu.memory_space<vmem>>[vector<16xi32>], vector<16xi32>,
      %gather3A_1590 = tpu.vector_load_idx %arg13[%get3A_1587] : memref<128xf32, #tpu.memory_space<vmem>>[vector<16xi32>], vector<16xf32>,
      %mul3A_1591 = arith.constant -1640531535 : i32
      %mul3A_1592 = vector.broadcast %mul3A_1591 : i32 to vector<16xi32>
      %mul3A_1593 = arith.muli %get3A_1581, %mul3A_1592 : vector<16xi32>
      %convert_element_type3A_1594 = arith.sitofp %mul3A_1593 : vector<16xi32> to vector<16xf32>
      %mul3A_1595 = arith.mulf %convert_element_type3A_1594, %gather3A_1590 : vector<16xf32>
      %convert_element_type3A_1596 = arith.fptosi %mul3A_1595 : vector<16xf32> to vector<16xi32>
      %mul3A_1597 = arith.muli %convert_element_type3A_1596, %gather3A_1589 : vector<16xi32>
      %sub3A_1598 = arith.subi %mul3A_1593, %mul3A_1597 : vector<16xi32>
      %lt3A_1599 = arith.constant 0 : i32
      %lt3A_1600 = vector.broadcast %lt3A_1599 : i32 to vector<16xi32>
      %lt3A_1601 = arith.cmpi slt, %sub3A_1598, %lt3A_1600 : vector<16xi32>
      %add3A_1602 = arith.addi %sub3A_1598, %gather3A_1589 : vector<16xi32>
      %select_n3A_1603 = arith.select %lt3A_1601, %add3A_1602, %sub3A_1598 : vector<16xi1>, vector<16xi32>
      %lt3A_1604 = arith.constant 0 : i32
      %lt3A_1605 = vector.broadcast %lt3A_1604 : i32 to vector<16xi32>
      %lt3A_1606 = arith.cmpi slt, %select_n3A_1603, %lt3A_1605 : vector<16xi32>
      %add3A_1607 = arith.addi %select_n3A_1603, %gather3A_1589 : vector<16xi32>
      %select_n3A_1608 = arith.select %lt3A_1606, %add3A_1607, %select_n3A_1603 : vector<16xi1>, vector<16xi32>
      %ge3A_1609 = arith.cmpi sge, %select_n3A_1608, %gather3A_1589 : vector<16xi32>
      %sub3A_1610 = arith.subi %select_n3A_1608, %gather3A_1589 : vector<16xi32>
      %select_n3A_1611 = arith.select %ge3A_1609, %sub3A_1610, %select_n3A_1608 : vector<16xi1>, vector<16xi32>
      %ge3A_1612 = arith.cmpi sge, %select_n3A_1611, %gather3A_1589 : vector<16xi32>
      %sub3A_1613 = arith.subi %select_n3A_1611, %gather3A_1589 : vector<16xi32>
      %select_n3A_1614 = arith.select %ge3A_1612, %sub3A_1613, %select_n3A_1611 : vector<16xi1>, vector<16xi32>
      %add3A_1615 = arith.addi %gather3A_1588, %select_n3A_1614 : vector<16xi32>
      %swap3A_1616 = arith.constant 7 : i32
      %swap3A_1617 = arith.index_cast %swap3A_1616 : i32 to index
      %swap3A_1618 = arith.constant 0 : index
      %swap3A_1619 = tpu.vector_load %arg10[%swap3A_1617, %swap3A_1618] {strides = array<i32>} : memref<8x64xi32, #tpu.memory_space<vmem>>, vector<16xi32>,
      tpu.vector_store %arg10[%swap3A_1617, %swap3A_1618], %add3A_1615 {strides = array<i32>} : memref<8x64xi32, #tpu.memory_space<vmem>>, vector<16xi32>,
      %mul3A_1620 = arith.constant 64 : i32
      %mul3A_1621 = arith.muli %add3A_1575, %mul3A_1620 : i32
      %add3A_1622 = arith.constant 16 : i32
      %add3A_1623 = arith.addi %mul3A_1621, %add3A_1622 : i32
      %get3A_1624 = arith.index_cast %add3A_1623 : i32 to index
      %get3A_1625 = tpu.vector_load %arg8[%get3A_1624] {strides = array<i32>} : memref<13312xi32, #tpu.memory_space<vmem>>, vector<16xi32>,
      %mul3A_1626 = arith.constant 64 : i32
      %mul3A_1627 = arith.muli %add3A_1575, %mul3A_1626 : i32
      %add3A_1628 = arith.constant 16 : i32
      %add3A_1629 = arith.addi %mul3A_1627, %add3A_1628 : i32
      %get3A_1630 = arith.index_cast %add3A_1629 : i32 to index
      %get3A_1631 = tpu.vector_load %arg9[%get3A_1630] {strides = array<i32>} : memref<13312xi32, #tpu.memory_space<vmem>>, vector<16xi32>,
      %gather3A_1632 = tpu.vector_load_idx %arg11[%get3A_1631] : memref<128xi32, #tpu.memory_space<vmem>>[vector<16xi32>], vector<16xi32>,
      %gather3A_1633 = tpu.vector_load_idx %arg12[%get3A_1631] : memref<128xi32, #tpu.memory_space<vmem>>[vector<16xi32>], vector<16xi32>,
      %gather3A_1634 = tpu.vector_load_idx %arg13[%get3A_1631] : memref<128xf32, #tpu.memory_space<vmem>>[vector<16xi32>], vector<16xf32>,
      %mul3A_1635 = arith.constant -1640531535 : i32
      %mul3A_1636 = vector.broadcast %mul3A_1635 : i32 to vector<16xi32>
      %mul3A_1637 = arith.muli %get3A_1625, %mul3A_1636 : vector<16xi32>
      %convert_element_type3A_1638 = arith.sitofp %mul3A_1637 : vector<16xi32> to vector<16xf32>
      %mul3A_1639 = arith.mulf %convert_element_type3A_1638, %gather3A_1634 : vector<16xf32>
      %convert_element_type3A_1640 = arith.fptosi %mul3A_1639 : vector<16xf32> to vector<16xi32>
      %mul3A_1641 = arith.muli %convert_element_type3A_1640, %gather3A_1633 : vector<16xi32>
      %sub3A_1642 = arith.subi %mul3A_1637, %mul3A_1641 : vector<16xi32>
      %lt3A_1643 = arith.constant 0 : i32
      %lt3A_1644 = vector.broadcast %lt3A_1643 : i32 to vector<16xi32>
      %lt3A_1645 = arith.cmpi slt, %sub3A_1642, %lt3A_1644 : vector<16xi32>
      %add3A_1646 = arith.addi %sub3A_1642, %gather3A_1633 : vector<16xi32>
      %select_n3A_1647 = arith.select %lt3A_1645, %add3A_1646, %sub3A_1642 : vector<16xi1>, vector<16xi32>
      %lt3A_1648 = arith.constant 0 : i32
      %lt3A_1649 = vector.broadcast %lt3A_1648 : i32 to vector<16xi32>
      %lt3A_1650 = arith.cmpi slt, %select_n3A_1647, %lt3A_1649 : vector<16xi32>
      %add3A_1651 = arith.addi %select_n3A_1647, %gather3A_1633 : vector<16xi32>
      %select_n3A_1652 = arith.select %lt3A_1650, %add3A_1651, %select_n3A_1647 : vector<16xi1>, vector<16xi32>
      %ge3A_1653 = arith.cmpi sge, %select_n3A_1652, %gather3A_1633 : vector<16xi32>
      %sub3A_1654 = arith.subi %select_n3A_1652, %gather3A_1633 : vector<16xi32>
      %select_n3A_1655 = arith.select %ge3A_1653, %sub3A_1654, %select_n3A_1652 : vector<16xi1>, vector<16xi32>
      %ge3A_1656 = arith.cmpi sge, %select_n3A_1655, %gather3A_1633 : vector<16xi32>
      %sub3A_1657 = arith.subi %select_n3A_1655, %gather3A_1633 : vector<16xi32>
      %select_n3A_1658 = arith.select %ge3A_1656, %sub3A_1657, %select_n3A_1655 : vector<16xi1>, vector<16xi32>
      %add3A_1659 = arith.addi %gather3A_1632, %select_n3A_1658 : vector<16xi32>
      %swap3A_1660 = arith.constant 7 : i32
      %swap3A_1661 = arith.index_cast %swap3A_1660 : i32 to index
      %swap3A_1662 = arith.constant 16 : index
      %swap3A_1663 = tpu.vector_load %arg10[%swap3A_1661, %swap3A_1662] {strides = array<i32>} : memref<8x64xi32, #tpu.memory_space<vmem>>, vector<16xi32>,
      tpu.vector_store %arg10[%swap3A_1661, %swap3A_1662], %add3A_1659 {strides = array<i32>} : memref<8x64xi32, #tpu.memory_space<vmem>>, vector<16xi32>,
      %mul3A_1664 = arith.constant 64 : i32
      %mul3A_1665 = arith.muli %add3A_1575, %mul3A_1664 : i32
      %add3A_1666 = arith.constant 32 : i32
      %add3A_1667 = arith.addi %mul3A_1665, %add3A_1666 : i32
      %get3A_1668 = arith.index_cast %add3A_1667 : i32 to index
      %get3A_1669 = tpu.vector_load %arg8[%get3A_1668] {strides = array<i32>} : memref<13312xi32, #tpu.memory_space<vmem>>, vector<16xi32>,
      %mul3A_1670 = arith.constant 64 : i32
      %mul3A_1671 = arith.muli %add3A_1575, %mul3A_1670 : i32
      %add3A_1672 = arith.constant 32 : i32
      %add3A_1673 = arith.addi %mul3A_1671, %add3A_1672 : i32
      %get3A_1674 = arith.index_cast %add3A_1673 : i32 to index
      %get3A_1675 = tpu.vector_load %arg9[%get3A_1674] {strides = array<i32>} : memref<13312xi32, #tpu.memory_space<vmem>>, vector<16xi32>,
      %gather3A_1676 = tpu.vector_load_idx %arg11[%get3A_1675] : memref<128xi32, #tpu.memory_space<vmem>>[vector<16xi32>], vector<16xi32>,
      %gather3A_1677 = tpu.vector_load_idx %arg12[%get3A_1675] : memref<128xi32, #tpu.memory_space<vmem>>[vector<16xi32>], vector<16xi32>,
      %gather3A_1678 = tpu.vector_load_idx %arg13[%get3A_1675] : memref<128xf32, #tpu.memory_space<vmem>>[vector<16xi32>], vector<16xf32>,
      %mul3A_1679 = arith.constant -1640531535 : i32
      %mul3A_1680 = vector.broadcast %mul3A_1679 : i32 to vector<16xi32>
      %mul3A_1681 = arith.muli %get3A_1669, %mul3A_1680 : vector<16xi32>
      %convert_element_type3A_1682 = arith.sitofp %mul3A_1681 : vector<16xi32> to vector<16xf32>
      %mul3A_1683 = arith.mulf %convert_element_type3A_1682, %gather3A_1678 : vector<16xf32>
      %convert_element_type3A_1684 = arith.fptosi %mul3A_1683 : vector<16xf32> to vector<16xi32>
      %mul3A_1685 = arith.muli %convert_element_type3A_1684, %gather3A_1677 : vector<16xi32>
      %sub3A_1686 = arith.subi %mul3A_1681, %mul3A_1685 : vector<16xi32>
      %lt3A_1687 = arith.constant 0 : i32
      %lt3A_1688 = vector.broadcast %lt3A_1687 : i32 to vector<16xi32>
      %lt3A_1689 = arith.cmpi slt, %sub3A_1686, %lt3A_1688 : vector<16xi32>
      %add3A_1690 = arith.addi %sub3A_1686, %gather3A_1677 : vector<16xi32>
      %select_n3A_1691 = arith.select %lt3A_1689, %add3A_1690, %sub3A_1686 : vector<16xi1>, vector<16xi32>
      %lt3A_1692 = arith.constant 0 : i32
      %lt3A_1693 = vector.broadcast %lt3A_1692 : i32 to vector<16xi32>
      %lt3A_1694 = arith.cmpi slt, %select_n3A_1691, %lt3A_1693 : vector<16xi32>
      %add3A_1695 = arith.addi %select_n3A_1691, %gather3A_1677 : vector<16xi32>
      %select_n3A_1696 = arith.select %lt3A_1694, %add3A_1695, %select_n3A_1691 : vector<16xi1>, vector<16xi32>
      %ge3A_1697 = arith.cmpi sge, %select_n3A_1696, %gather3A_1677 : vector<16xi32>
      %sub3A_1698 = arith.subi %select_n3A_1696, %gather3A_1677 : vector<16xi32>
      %select_n3A_1699 = arith.select %ge3A_1697, %sub3A_1698, %select_n3A_1696 : vector<16xi1>, vector<16xi32>
      %ge3A_1700 = arith.cmpi sge, %select_n3A_1699, %gather3A_1677 : vector<16xi32>
      %sub3A_1701 = arith.subi %select_n3A_1699, %gather3A_1677 : vector<16xi32>
      %select_n3A_1702 = arith.select %ge3A_1700, %sub3A_1701, %select_n3A_1699 : vector<16xi1>, vector<16xi32>
      %add3A_1703 = arith.addi %gather3A_1676, %select_n3A_1702 : vector<16xi32>
      %swap3A_1704 = arith.constant 7 : i32
      %swap3A_1705 = arith.index_cast %swap3A_1704 : i32 to index
      %swap3A_1706 = arith.constant 32 : index
      %swap3A_1707 = tpu.vector_load %arg10[%swap3A_1705, %swap3A_1706] {strides = array<i32>} : memref<8x64xi32, #tpu.memory_space<vmem>>, vector<16xi32>,
      tpu.vector_store %arg10[%swap3A_1705, %swap3A_1706], %add3A_1703 {strides = array<i32>} : memref<8x64xi32, #tpu.memory_space<vmem>>, vector<16xi32>,
      %mul3A_1708 = arith.constant 64 : i32
      %mul3A_1709 = arith.muli %add3A_1575, %mul3A_1708 : i32
      %add3A_1710 = arith.constant 48 : i32
      %add3A_1711 = arith.addi %mul3A_1709, %add3A_1710 : i32
      %get3A_1712 = arith.index_cast %add3A_1711 : i32 to index
      %get3A_1713 = tpu.vector_load %arg8[%get3A_1712] {strides = array<i32>} : memref<13312xi32, #tpu.memory_space<vmem>>, vector<16xi32>,
      %mul3A_1714 = arith.constant 64 : i32
      %mul3A_1715 = arith.muli %add3A_1575, %mul3A_1714 : i32
      %add3A_1716 = arith.constant 48 : i32
      %add3A_1717 = arith.addi %mul3A_1715, %add3A_1716 : i32
      %get3A_1718 = arith.index_cast %add3A_1717 : i32 to index
      %get3A_1719 = tpu.vector_load %arg9[%get3A_1718] {strides = array<i32>} : memref<13312xi32, #tpu.memory_space<vmem>>, vector<16xi32>,
      %gather3A_1720 = tpu.vector_load_idx %arg11[%get3A_1719] : memref<128xi32, #tpu.memory_space<vmem>>[vector<16xi32>], vector<16xi32>,
      %gather3A_1721 = tpu.vector_load_idx %arg12[%get3A_1719] : memref<128xi32, #tpu.memory_space<vmem>>[vector<16xi32>], vector<16xi32>,
      %gather3A_1722 = tpu.vector_load_idx %arg13[%get3A_1719] : memref<128xf32, #tpu.memory_space<vmem>>[vector<16xi32>], vector<16xf32>,
      %mul3A_1723 = arith.constant -1640531535 : i32
      %mul3A_1724 = vector.broadcast %mul3A_1723 : i32 to vector<16xi32>
      %mul3A_1725 = arith.muli %get3A_1713, %mul3A_1724 : vector<16xi32>
      %convert_element_type3A_1726 = arith.sitofp %mul3A_1725 : vector<16xi32> to vector<16xf32>
      %mul3A_1727 = arith.mulf %convert_element_type3A_1726, %gather3A_1722 : vector<16xf32>
      %convert_element_type3A_1728 = arith.fptosi %mul3A_1727 : vector<16xf32> to vector<16xi32>
      %mul3A_1729 = arith.muli %convert_element_type3A_1728, %gather3A_1721 : vector<16xi32>
      %sub3A_1730 = arith.subi %mul3A_1725, %mul3A_1729 : vector<16xi32>
      %lt3A_1731 = arith.constant 0 : i32
      %lt3A_1732 = vector.broadcast %lt3A_1731 : i32 to vector<16xi32>
      %lt3A_1733 = arith.cmpi slt, %sub3A_1730, %lt3A_1732 : vector<16xi32>
      %add3A_1734 = arith.addi %sub3A_1730, %gather3A_1721 : vector<16xi32>
      %select_n3A_1735 = arith.select %lt3A_1733, %add3A_1734, %sub3A_1730 : vector<16xi1>, vector<16xi32>
      %lt3A_1736 = arith.constant 0 : i32
      %lt3A_1737 = vector.broadcast %lt3A_1736 : i32 to vector<16xi32>
      %lt3A_1738 = arith.cmpi slt, %select_n3A_1735, %lt3A_1737 : vector<16xi32>
      %add3A_1739 = arith.addi %select_n3A_1735, %gather3A_1721 : vector<16xi32>
      %select_n3A_1740 = arith.select %lt3A_1738, %add3A_1739, %select_n3A_1735 : vector<16xi1>, vector<16xi32>
      %ge3A_1741 = arith.cmpi sge, %select_n3A_1740, %gather3A_1721 : vector<16xi32>
      %sub3A_1742 = arith.subi %select_n3A_1740, %gather3A_1721 : vector<16xi32>
      %select_n3A_1743 = arith.select %ge3A_1741, %sub3A_1742, %select_n3A_1740 : vector<16xi1>, vector<16xi32>
      %ge3A_1744 = arith.cmpi sge, %select_n3A_1743, %gather3A_1721 : vector<16xi32>
      %sub3A_1745 = arith.subi %select_n3A_1743, %gather3A_1721 : vector<16xi32>
      %select_n3A_1746 = arith.select %ge3A_1744, %sub3A_1745, %select_n3A_1743 : vector<16xi1>, vector<16xi32>
      %add3A_1747 = arith.addi %gather3A_1720, %select_n3A_1746 : vector<16xi32>
      %swap3A_1748 = arith.constant 7 : i32
      %swap3A_1749 = arith.index_cast %swap3A_1748 : i32 to index
      %swap3A_1750 = arith.constant 48 : index
      %swap3A_1751 = tpu.vector_load %arg10[%swap3A_1749, %swap3A_1750] {strides = array<i32>} : memref<8x64xi32, #tpu.memory_space<vmem>>, vector<16xi32>,
      tpu.vector_store %arg10[%swap3A_1749, %swap3A_1750], %add3A_1747 {strides = array<i32>} : memref<8x64xi32, #tpu.memory_space<vmem>>, vector<16xi32>,
      %dma_wait3A_1752 = arith.constant 3 : i32
      %dma_wait3A_1753 = arith.constant 0 : i32
      %dma_wait3A_1754 = tpu.memref_slice %arg10[%dma_wait3A_1752, %dma_wait3A_1753] : memref<8x64xi32, #tpu.memory_space<vmem>> -> memref<1x64xi32, #tpu.memory_space<vmem>>
      %dma_wait3A_1755 = tpu.memref_squeeze %dma_wait3A_1754 : memref<1x64xi32, #tpu.memory_space<vmem>> -> memref<64xi32, #tpu.memory_space<vmem>>
      %dma_wait3A_1756 = arith.constant 0 : i32
      %dma_wait3A_1757 = arith.constant 0 : i32
      %dma_wait3A_1758 = tpu.memref_slice %arg4[%dma_wait3A_1756, %dma_wait3A_1757] : memref<2600000x128xf32, #tpu.memory_space<hbm>> -> memref<2600000x128xf32, #tpu.memory_space<hbm>>
      tpu.wait_indirect_dma semaphore(%arg25 : memref<!tpu.dma_semaphore, #tpu.memory_space<semaphore_mem>>) src(%dma_wait3A_1758 : memref<2600000x128xf32, #tpu.memory_space<hbm>>) dst(%arg17 : memref<64x128xf32, #tpu.memory_space<vmem>>)
      %sub3A_1759 = arith.constant 4 : i32
      %sub3A_1760 = arith.subi %add3A_1575, %sub3A_1759 : i32
      %mul3A_1761 = arith.constant 64 : i32
      %mul3A_1762 = arith.muli %sub3A_1760, %mul3A_1761 : i32
      %add3A_1763 = arith.addi %mul3A_2, %mul3A_1762 : i32
      %dma_start3A_1764 = arith.constant 0 : i32
      %dma_start3A_1765 = tpu.memref_slice %arg7[%add3A_1763, %dma_start3A_1764] : memref<425984x128xf32, #tpu.memory_space<hbm>> -> memref<64x128xf32, #tpu.memory_space<hbm>>
      %dma_start3A_1766 = arith.constant 0 : i32
      %dma_start3A_1767 = tpu.memref_slice %arg7[%add3A_1763, %dma_start3A_1766] : memref<425984x128xf32, #tpu.memory_space<hbm>> -> memref<64x128xf32, #tpu.memory_space<hbm>>
      tpu.enqueue_dma source(%arg17 : memref<64x128xf32, #tpu.memory_space<vmem>>) target(%dma_start3A_1767 : memref<64x128xf32, #tpu.memory_space<hbm>>) target_semaphore(%arg33 : memref<!tpu.dma_semaphore, #tpu.memory_space<semaphore_mem>>)
      %gt3A_1768 = arith.constant 0 : i32
      %gt3A_1769 = arith.cmpi sgt, %scan3A_166, %gt3A_1768 : i32
      %convert_element_type3A_1770 = arith.extui %gt3A_1769 : i1 to i32
      %cond3A_1771 = arith.constant 0 : i32
      %cond3A_1772 = arith.cmpi ne, %convert_element_type3A_1770, %cond3A_1771 : i32
      scf.if %cond3A_1772 {
        %sub3A_1780 = arith.constant 8 : i32
        %sub3A_1781 = arith.subi %add3A_1575, %sub3A_1780 : i32
        %mul3A_1782 = arith.constant 64 : i32
        %mul3A_1783 = arith.muli %sub3A_1781, %mul3A_1782 : i32
        %add3A_1784 = arith.addi %mul3A_2, %mul3A_1783 : i32
        %dma_wait3A_1785 = arith.constant 0 : i32
        %dma_wait3A_1786 = tpu.memref_slice %arg7[%add3A_1784, %dma_wait3A_1785] : memref<425984x128xf32, #tpu.memory_space<hbm>> -> memref<64x128xf32, #tpu.memory_space<hbm>>
        %dma_wait3A_1787 = arith.constant 0 : i32
        %dma_wait3A_1788 = tpu.memref_slice %arg7[%add3A_1784, %dma_wait3A_1787] : memref<425984x128xf32, #tpu.memory_space<hbm>> -> memref<64x128xf32, #tpu.memory_space<hbm>>
        tpu.wait_dma2 semaphore(%arg37 : memref<!tpu.dma_semaphore, #tpu.memory_space<semaphore_mem>>) src(%arg21 : memref<64x128xf32, #tpu.memory_space<vmem>>) dst(%dma_wait3A_1788 : memref<64x128xf32, #tpu.memory_space<hbm>>)
      } else {
      }
      %dma_start3A_1773 = arith.constant 7 : i32
      %dma_start3A_1774 = arith.constant 0 : i32
      %dma_start3A_1775 = tpu.memref_slice %arg10[%dma_start3A_1773, %dma_start3A_1774] : memref<8x64xi32, #tpu.memory_space<vmem>> -> memref<1x64xi32, #tpu.memory_space<vmem>>
      %dma_start3A_1776 = tpu.memref_squeeze %dma_start3A_1775 : memref<1x64xi32, #tpu.memory_space<vmem>> -> memref<64xi32, #tpu.memory_space<vmem>>
      %dma_start3A_1777 = arith.constant 0 : i32
      %dma_start3A_1778 = arith.constant 0 : i32
      %dma_start3A_1779 = tpu.memref_slice %arg4[%dma_start3A_1777, %dma_start3A_1778] : memref<2600000x128xf32, #tpu.memory_space<hbm>> -> memref<2600000x128xf32, #tpu.memory_space<hbm>>
      tpu.enqueue_indirect_dma source(%dma_start3A_1779 : memref<2600000x128xf32, #tpu.memory_space<hbm>>) target(%arg21 : memref<64x128xf32, #tpu.memory_space<vmem>>) offsets(%dma_start3A_1776 : memref<64xi32, #tpu.memory_space<vmem>>) semaphore(%arg29 : memref<!tpu.dma_semaphore, #tpu.memory_space<semaphore_mem>>)
    }
    %scan3A_67 = arith.constant 26 : i32
    %dma_wait3A = arith.constant 4 : i32
    %dma_wait3A_68 = arith.constant 0 : i32
    %dma_wait3A_69 = tpu.memref_slice %arg10[%dma_wait3A, %dma_wait3A_68] : memref<8x64xi32, #tpu.memory_space<vmem>> -> memref<1x64xi32, #tpu.memory_space<vmem>>
    %dma_wait3A_70 = tpu.memref_squeeze %dma_wait3A_69 : memref<1x64xi32, #tpu.memory_space<vmem>> -> memref<64xi32, #tpu.memory_space<vmem>>
    %dma_wait3A_71 = arith.constant 0 : i32
    %dma_wait3A_72 = arith.constant 0 : i32
    %dma_wait3A_73 = tpu.memref_slice %arg4[%dma_wait3A_71, %dma_wait3A_72] : memref<2600000x128xf32, #tpu.memory_space<hbm>> -> memref<2600000x128xf32, #tpu.memory_space<hbm>>
    tpu.wait_indirect_dma semaphore(%arg26 : memref<!tpu.dma_semaphore, #tpu.memory_space<semaphore_mem>>) src(%dma_wait3A_73 : memref<2600000x128xf32, #tpu.memory_space<hbm>>) dst(%arg18 : memref<64x128xf32, #tpu.memory_space<vmem>>)
    %add3A_74 = arith.constant 13056 : i32
    %add3A_75 = arith.addi %mul3A_2, %add3A_74 : i32
    %dma_start3A = arith.constant 0 : i32
    %dma_start3A_76 = tpu.memref_slice %arg7[%add3A_75, %dma_start3A] : memref<425984x128xf32, #tpu.memory_space<hbm>> -> memref<64x128xf32, #tpu.memory_space<hbm>>
    %dma_start3A_77 = arith.constant 0 : i32
    %dma_start3A_78 = tpu.memref_slice %arg7[%add3A_75, %dma_start3A_77] : memref<425984x128xf32, #tpu.memory_space<hbm>> -> memref<64x128xf32, #tpu.memory_space<hbm>>
    tpu.enqueue_dma source(%arg18 : memref<64x128xf32, #tpu.memory_space<vmem>>) target(%dma_start3A_78 : memref<64x128xf32, #tpu.memory_space<hbm>>) target_semaphore(%arg34 : memref<!tpu.dma_semaphore, #tpu.memory_space<semaphore_mem>>)
    %dma_wait3A_79 = arith.constant 5 : i32
    %dma_wait3A_80 = arith.constant 0 : i32
    %dma_wait3A_81 = tpu.memref_slice %arg10[%dma_wait3A_79, %dma_wait3A_80] : memref<8x64xi32, #tpu.memory_space<vmem>> -> memref<1x64xi32, #tpu.memory_space<vmem>>
    %dma_wait3A_82 = tpu.memref_squeeze %dma_wait3A_81 : memref<1x64xi32, #tpu.memory_space<vmem>> -> memref<64xi32, #tpu.memory_space<vmem>>
    %dma_wait3A_83 = arith.constant 0 : i32
    %dma_wait3A_84 = arith.constant 0 : i32
    %dma_wait3A_85 = tpu.memref_slice %arg4[%dma_wait3A_83, %dma_wait3A_84] : memref<2600000x128xf32, #tpu.memory_space<hbm>> -> memref<2600000x128xf32, #tpu.memory_space<hbm>>
    tpu.wait_indirect_dma semaphore(%arg27 : memref<!tpu.dma_semaphore, #tpu.memory_space<semaphore_mem>>) src(%dma_wait3A_85 : memref<2600000x128xf32, #tpu.memory_space<hbm>>) dst(%arg19 : memref<64x128xf32, #tpu.memory_space<vmem>>)
    %add3A_86 = arith.constant 13120 : i32
    %add3A_87 = arith.addi %mul3A_2, %add3A_86 : i32
    %dma_start3A_88 = arith.constant 0 : i32
    %dma_start3A_89 = tpu.memref_slice %arg7[%add3A_87, %dma_start3A_88] : memref<425984x128xf32, #tpu.memory_space<hbm>> -> memref<64x128xf32, #tpu.memory_space<hbm>>
    %dma_start3A_90 = arith.constant 0 : i32
    %dma_start3A_91 = tpu.memref_slice %arg7[%add3A_87, %dma_start3A_90] : memref<425984x128xf32, #tpu.memory_space<hbm>> -> memref<64x128xf32, #tpu.memory_space<hbm>>
    tpu.enqueue_dma source(%arg19 : memref<64x128xf32, #tpu.memory_space<vmem>>) target(%dma_start3A_91 : memref<64x128xf32, #tpu.memory_space<hbm>>) target_semaphore(%arg35 : memref<!tpu.dma_semaphore, #tpu.memory_space<semaphore_mem>>)
    %dma_wait3A_92 = arith.constant 6 : i32
    %dma_wait3A_93 = arith.constant 0 : i32
    %dma_wait3A_94 = tpu.memref_slice %arg10[%dma_wait3A_92, %dma_wait3A_93] : memref<8x64xi32, #tpu.memory_space<vmem>> -> memref<1x64xi32, #tpu.memory_space<vmem>>
    %dma_wait3A_95 = tpu.memref_squeeze %dma_wait3A_94 : memref<1x64xi32, #tpu.memory_space<vmem>> -> memref<64xi32, #tpu.memory_space<vmem>>
    %dma_wait3A_96 = arith.constant 0 : i32
    %dma_wait3A_97 = arith.constant 0 : i32
    %dma_wait3A_98 = tpu.memref_slice %arg4[%dma_wait3A_96, %dma_wait3A_97] : memref<2600000x128xf32, #tpu.memory_space<hbm>> -> memref<2600000x128xf32, #tpu.memory_space<hbm>>
    tpu.wait_indirect_dma semaphore(%arg28 : memref<!tpu.dma_semaphore, #tpu.memory_space<semaphore_mem>>) src(%dma_wait3A_98 : memref<2600000x128xf32, #tpu.memory_space<hbm>>) dst(%arg20 : memref<64x128xf32, #tpu.memory_space<vmem>>)
    %add3A_99 = arith.constant 13184 : i32
    %add3A_100 = arith.addi %mul3A_2, %add3A_99 : i32
    %dma_start3A_101 = arith.constant 0 : i32
    %dma_start3A_102 = tpu.memref_slice %arg7[%add3A_100, %dma_start3A_101] : memref<425984x128xf32, #tpu.memory_space<hbm>> -> memref<64x128xf32, #tpu.memory_space<hbm>>
    %dma_start3A_103 = arith.constant 0 : i32
    %dma_start3A_104 = tpu.memref_slice %arg7[%add3A_100, %dma_start3A_103] : memref<425984x128xf32, #tpu.memory_space<hbm>> -> memref<64x128xf32, #tpu.memory_space<hbm>>
    tpu.enqueue_dma source(%arg20 : memref<64x128xf32, #tpu.memory_space<vmem>>) target(%dma_start3A_104 : memref<64x128xf32, #tpu.memory_space<hbm>>) target_semaphore(%arg36 : memref<!tpu.dma_semaphore, #tpu.memory_space<semaphore_mem>>)
    %dma_wait3A_105 = arith.constant 7 : i32
    %dma_wait3A_106 = arith.constant 0 : i32
    %dma_wait3A_107 = tpu.memref_slice %arg10[%dma_wait3A_105, %dma_wait3A_106] : memref<8x64xi32, #tpu.memory_space<vmem>> -> memref<1x64xi32, #tpu.memory_space<vmem>>
    %dma_wait3A_108 = tpu.memref_squeeze %dma_wait3A_107 : memref<1x64xi32, #tpu.memory_space<vmem>> -> memref<64xi32, #tpu.memory_space<vmem>>
    %dma_wait3A_109 = arith.constant 0 : i32
    %dma_wait3A_110 = arith.constant 0 : i32
    %dma_wait3A_111 = tpu.memref_slice %arg4[%dma_wait3A_109, %dma_wait3A_110] : memref<2600000x128xf32, #tpu.memory_space<hbm>> -> memref<2600000x128xf32, #tpu.memory_space<hbm>>
    tpu.wait_indirect_dma semaphore(%arg29 : memref<!tpu.dma_semaphore, #tpu.memory_space<semaphore_mem>>) src(%dma_wait3A_111 : memref<2600000x128xf32, #tpu.memory_space<hbm>>) dst(%arg21 : memref<64x128xf32, #tpu.memory_space<vmem>>)
    %add3A_112 = arith.constant 13248 : i32
    %add3A_113 = arith.addi %mul3A_2, %add3A_112 : i32
    %dma_start3A_114 = arith.constant 0 : i32
    %dma_start3A_115 = tpu.memref_slice %arg7[%add3A_113, %dma_start3A_114] : memref<425984x128xf32, #tpu.memory_space<hbm>> -> memref<64x128xf32, #tpu.memory_space<hbm>>
    %dma_start3A_116 = arith.constant 0 : i32
    %dma_start3A_117 = tpu.memref_slice %arg7[%add3A_113, %dma_start3A_116] : memref<425984x128xf32, #tpu.memory_space<hbm>> -> memref<64x128xf32, #tpu.memory_space<hbm>>
    tpu.enqueue_dma source(%arg21 : memref<64x128xf32, #tpu.memory_space<vmem>>) target(%dma_start3A_117 : memref<64x128xf32, #tpu.memory_space<hbm>>) target_semaphore(%arg37 : memref<!tpu.dma_semaphore, #tpu.memory_space<semaphore_mem>>)
    %add3A_118 = arith.constant 12800 : i32
    %add3A_119 = arith.addi %mul3A_2, %add3A_118 : i32
    %dma_wait3A_120 = arith.constant 0 : i32
    %dma_wait3A_121 = tpu.memref_slice %arg7[%add3A_119, %dma_wait3A_120] : memref<425984x128xf32, #tpu.memory_space<hbm>> -> memref<64x128xf32, #tpu.memory_space<hbm>>
    %dma_wait3A_122 = arith.constant 0 : i32
    %dma_wait3A_123 = tpu.memref_slice %arg7[%add3A_119, %dma_wait3A_122] : memref<425984x128xf32, #tpu.memory_space<hbm>> -> memref<64x128xf32, #tpu.memory_space<hbm>>
    tpu.wait_dma2 semaphore(%arg30 : memref<!tpu.dma_semaphore, #tpu.memory_space<semaphore_mem>>) src(%arg14 : memref<64x128xf32, #tpu.memory_space<vmem>>) dst(%dma_wait3A_123 : memref<64x128xf32, #tpu.memory_space<hbm>>)
    %add3A_124 = arith.constant 12864 : i32
    %add3A_125 = arith.addi %mul3A_2, %add3A_124 : i32
    %dma_wait3A_126 = arith.constant 0 : i32
    %dma_wait3A_127 = tpu.memref_slice %arg7[%add3A_125, %dma_wait3A_126] : memref<425984x128xf32, #tpu.memory_space<hbm>> -> memref<64x128xf32, #tpu.memory_space<hbm>>
    %dma_wait3A_128 = arith.constant 0 : i32
    %dma_wait3A_129 = tpu.memref_slice %arg7[%add3A_125, %dma_wait3A_128] : memref<425984x128xf32, #tpu.memory_space<hbm>> -> memref<64x128xf32, #tpu.memory_space<hbm>>
    tpu.wait_dma2 semaphore(%arg31 : memref<!tpu.dma_semaphore, #tpu.memory_space<semaphore_mem>>) src(%arg15 : memref<64x128xf32, #tpu.memory_space<vmem>>) dst(%dma_wait3A_129 : memref<64x128xf32, #tpu.memory_space<hbm>>)
    %add3A_130 = arith.constant 12928 : i32
    %add3A_131 = arith.addi %mul3A_2, %add3A_130 : i32
    %dma_wait3A_132 = arith.constant 0 : i32
    %dma_wait3A_133 = tpu.memref_slice %arg7[%add3A_131, %dma_wait3A_132] : memref<425984x128xf32, #tpu.memory_space<hbm>> -> memref<64x128xf32, #tpu.memory_space<hbm>>
    %dma_wait3A_134 = arith.constant 0 : i32
    %dma_wait3A_135 = tpu.memref_slice %arg7[%add3A_131, %dma_wait3A_134] : memref<425984x128xf32, #tpu.memory_space<hbm>> -> memref<64x128xf32, #tpu.memory_space<hbm>>
    tpu.wait_dma2 semaphore(%arg32 : memref<!tpu.dma_semaphore, #tpu.memory_space<semaphore_mem>>) src(%arg16 : memref<64x128xf32, #tpu.memory_space<vmem>>) dst(%dma_wait3A_135 : memref<64x128xf32, #tpu.memory_space<hbm>>)
    %add3A_136 = arith.constant 12992 : i32
    %add3A_137 = arith.addi %mul3A_2, %add3A_136 : i32
    %dma_wait3A_138 = arith.constant 0 : i32
    %dma_wait3A_139 = tpu.memref_slice %arg7[%add3A_137, %dma_wait3A_138] : memref<425984x128xf32, #tpu.memory_space<hbm>> -> memref<64x128xf32, #tpu.memory_space<hbm>>
    %dma_wait3A_140 = arith.constant 0 : i32
    %dma_wait3A_141 = tpu.memref_slice %arg7[%add3A_137, %dma_wait3A_140] : memref<425984x128xf32, #tpu.memory_space<hbm>> -> memref<64x128xf32, #tpu.memory_space<hbm>>
    tpu.wait_dma2 semaphore(%arg33 : memref<!tpu.dma_semaphore, #tpu.memory_space<semaphore_mem>>) src(%arg17 : memref<64x128xf32, #tpu.memory_space<vmem>>) dst(%dma_wait3A_141 : memref<64x128xf32, #tpu.memory_space<hbm>>)
    %add3A_142 = arith.constant 13056 : i32
    %add3A_143 = arith.addi %mul3A_2, %add3A_142 : i32
    %dma_wait3A_144 = arith.constant 0 : i32
    %dma_wait3A_145 = tpu.memref_slice %arg7[%add3A_143, %dma_wait3A_144] : memref<425984x128xf32, #tpu.memory_space<hbm>> -> memref<64x128xf32, #tpu.memory_space<hbm>>
    %dma_wait3A_146 = arith.constant 0 : i32
    %dma_wait3A_147 = tpu.memref_slice %arg7[%add3A_143, %dma_wait3A_146] : memref<425984x128xf32, #tpu.memory_space<hbm>> -> memref<64x128xf32, #tpu.memory_space<hbm>>
    tpu.wait_dma2 semaphore(%arg34 : memref<!tpu.dma_semaphore, #tpu.memory_space<semaphore_mem>>) src(%arg18 : memref<64x128xf32, #tpu.memory_space<vmem>>) dst(%dma_wait3A_147 : memref<64x128xf32, #tpu.memory_space<hbm>>)
    %add3A_148 = arith.constant 13120 : i32
    %add3A_149 = arith.addi %mul3A_2, %add3A_148 : i32
    %dma_wait3A_150 = arith.constant 0 : i32
    %dma_wait3A_151 = tpu.memref_slice %arg7[%add3A_149, %dma_wait3A_150] : memref<425984x128xf32, #tpu.memory_space<hbm>> -> memref<64x128xf32, #tpu.memory_space<hbm>>
    %dma_wait3A_152 = arith.constant 0 : i32
    %dma_wait3A_153 = tpu.memref_slice %arg7[%add3A_149, %dma_wait3A_152] : memref<425984x128xf32, #tpu.memory_space<hbm>> -> memref<64x128xf32, #tpu.memory_space<hbm>>
    tpu.wait_dma2 semaphore(%arg35 : memref<!tpu.dma_semaphore, #tpu.memory_space<semaphore_mem>>) src(%arg19 : memref<64x128xf32, #tpu.memory_space<vmem>>) dst(%dma_wait3A_153 : memref<64x128xf32, #tpu.memory_space<hbm>>)
    %add3A_154 = arith.constant 13184 : i32
    %add3A_155 = arith.addi %mul3A_2, %add3A_154 : i32
    %dma_wait3A_156 = arith.constant 0 : i32
    %dma_wait3A_157 = tpu.memref_slice %arg7[%add3A_155, %dma_wait3A_156] : memref<425984x128xf32, #tpu.memory_space<hbm>> -> memref<64x128xf32, #tpu.memory_space<hbm>>
    %dma_wait3A_158 = arith.constant 0 : i32
    %dma_wait3A_159 = tpu.memref_slice %arg7[%add3A_155, %dma_wait3A_158] : memref<425984x128xf32, #tpu.memory_space<hbm>> -> memref<64x128xf32, #tpu.memory_space<hbm>>
    tpu.wait_dma2 semaphore(%arg36 : memref<!tpu.dma_semaphore, #tpu.memory_space<semaphore_mem>>) src(%arg20 : memref<64x128xf32, #tpu.memory_space<vmem>>) dst(%dma_wait3A_159 : memref<64x128xf32, #tpu.memory_space<hbm>>)
    %add3A_160 = arith.constant 13248 : i32
    %add3A_161 = arith.addi %mul3A_2, %add3A_160 : i32
    %dma_wait3A_162 = arith.constant 0 : i32
    %dma_wait3A_163 = tpu.memref_slice %arg7[%add3A_161, %dma_wait3A_162] : memref<425984x128xf32, #tpu.memory_space<hbm>> -> memref<64x128xf32, #tpu.memory_space<hbm>>
    %dma_wait3A_164 = arith.constant 0 : i32
    %dma_wait3A_165 = tpu.memref_slice %arg7[%add3A_161, %dma_wait3A_164] : memref<425984x128xf32, #tpu.memory_space<hbm>> -> memref<64x128xf32, #tpu.memory_space<hbm>>
    tpu.wait_dma2 semaphore(%arg37 : memref<!tpu.dma_semaphore, #tpu.memory_space<semaphore_mem>>) src(%arg21 : memref<64x128xf32, #tpu.memory_space<vmem>>) dst(%dma_wait3A_165 : memref<64x128xf32, #tpu.memory_space<hbm>>)
    return
  }
}

</mosaic_0001>

<sc_bundles>
// kernel: kernel.3.cloned.1.call-start
scs
__scs_entry_jumppad:
0x0: {  	(pc) =	sbr.rel $0x88, $3  }
0x1: {  	(tag) =	ssettag $0x0;
	lr =	simm.s32 $0x1  }
0x2: {  	[smem:$0x3F9C] =	sst lr;
	_ =	strace $0xD0000000  }
0x3: {  	_ = 	snop  }
0x4: {  	_ = 	snop  }
0x5: {  	_ = 	snop  }
0x6: {  	_ = 	snop  }
0x7: {  	_ = 	snop  }
__scs_overlays_trampoline_lowered:
0x8: {  	[smem:$0x3FAB] =	sst s0  }
0x9: {  	[smem:$0x3FAC] =	sst s1  }
0xa: {  	[smem:$0x3FAD] =	sst s2  }
0xb: {  	[smem:$0x3FAE] =	sst s3  }
0xc: {  	[smem:$0x3FAF] =	sst s4  }
0xd: {  	[smem:$0x3FB0] =	sst s5  }
0xe: {  	[smem:$0x3FB1] =	sst s6  }
0xf: {  	[smem:$0x3FB2] =	sst s7  }
0x10: {  	[smem:$0x3FB3] =	sst s8  }
0x11: {  	[smem:$0x3FB4] =	sst s9;
	s0 =	simm.s32 @!p0 $0x0  }
0x12: {  	s1 =	sld [smem:$0x3F9A];
	s0 =	simm.s32 @p0 $0x1  }
0x13: {  	[smem:$0x3FB5] =	sst s0;
	s0 =	simm.s32 @!p1 $0x0  }
0x14: {  	s2 =	sld [smem:$0x3F99];
	s0 =	simm.s32 @p1 $0x1  }
0x15: {  	[smem:$0x3FB6] =	sst s0;
	s0 =	simm.s32 @!p2 $0x0  }
0x16: {  	s3 =	sld [smem:$0x3FDB];
	s0 =	simm.s32 @p2 $0x1  }
0x17: {  	s4 =	simm.s32 $0x1BF5;
	[smem:$0x3FB8] =	sst s0  }
0x18: {  	s0 =	sld [smem:$0x3F9B];
	_ =	swait.ge [sflag:s4], $0x0  }
0x19: {  	s7 =	sld [smem:$0x3F9C]  }
0x1a: {  	s8 =	sadd.s32 $0xFFFFE003, lr  }
0x1b: {  	s9 =	sadd.s32 $0xFFFFFEF7, lr;
	s5 =	simm.s32 $0xFFFFFFFF;
	p2 =	slt.u32 s8, $0xFFFFF086  }
0x1c: {  	p1 =	slt.u32 s9, $0xF7A;
	s5 =	simm.s32 @!p2 $0x0  }
0x1d: {  	s5 =	simm.s32 @p1 $0x1;
	p0 =	seq.s32 s7, s2  }
0x1e: {  	s7 =	smul.u32 @!p0 $0xF7A, s2;
	p2 =	seq.s32 @!p0 s5, $0x0  }
0x1f: {  	s9 =	smul.u32 $0xF7A, s1;
	s8 =	simm.s32 @!p0 $0x1BF5;
	p2 =	por !p2, p0  }
0x20: {  	[sflag:s8] =	ssyncset.s32 @!p0 $0xFFFFF086;
	s6 =	sadd.s32 @!p0 s3, s7;
	s7 =	simm.s32 @!p0 $0x108  }
0x21: {  	s3 =	sadd.s32 s3, s9;
	s6 =	sadd.s32 @!p0 $0x88, s6;
	s7 =	simm.s32 @p2 $0x1082  }
0x22: {  	[simem:s7], [sflag:s8] =	dma.local @!p0 [hbm:s6], $0xF7A  }
0x23: {  	s9 =	sor.u32 $0xD0000000, s2;
	s6 =	simm.s32 $0x108;
	_ =	swait.ge @!p0 [sflag:s8], $0x0  }
0x24: {  	s3 =	sadd.s32 $0x88, s3;
	s6 =	simm.s32 @!p1 $0x1082;
	[sflag:s4] =	ssyncset.s32 $0xFFFFF086  }
0x25: {  	[simem:s6], [sflag:s4] =	dma.local [hbm:s3], $0xF7A  }
0x26: {  	[smem:$0x3F9C] =	sst s1;
	(tag) =	ssettag s2;
	_ =	strace s9  }
0x27: {  	s1 =	sld [smem:$0x3FAC]  }
0x28: {  	s2 =	sld [smem:$0x3FAD]  }
0x29: {  	s4 =	sld [smem:$0x3FAF]  }
0x2a: {  	p0 =	seq.s32 s5, $0x0;
	s5 =	sld [smem:$0x3FB0]  }
0x2b: {  	s6 =	sld [smem:$0x3FB1]  }
0x2c: {  	s7 =	sld [smem:$0x3FB2]  }
0x2d: {  	s3 =	simm.s32 $0x108;
	s8 =	sld [smem:$0x3FB3]  }
0x2e: {  	s3 =	simm.s32 @!p0 $0x1082;
	s9 =	sld [smem:$0x3FB4]  }
0x2f: {  	lr =	sadd.s32 s0, s3;
	s0 =	sld [smem:$0x3FAB]  }
0x30: {  	s3 =	sld [smem:$0x3FAE]  }
0x31: {  	[smem:$0x3FB7] =	sst s10  }
0x32: {  	s10 =	sld [smem:$0x3FB5];
	_ =	sdelay $0x3  }
0x33: {  	p0 =	seq.s32 s10, $0x1;
	s10 =	sld [smem:$0x3FB7];
	_ =	sdelay $0x3  }
0x34: {  	[smem:$0x3FB7] =	sst s10  }
0x35: {  	s10 =	sld [smem:$0x3FB6];
	_ =	sdelay $0x3  }
0x36: {  	p1 =	seq.s32 s10, $0x1;
	s10 =	sld [smem:$0x3FB7];
	_ =	sdelay $0x3  }
0x37: {  	[smem:$0x3FB7] =	sst s10  }
0x38: {  	s10 =	sld [smem:$0x3FB8]  }
0x39: {  	_ = 	snop;
	(pc) =	sbr.ind lr, $3  }
0x3a: {  	_ = 	snop  }
0x3b: {  	_ = 	snop  }
0x3c: {  	p2 =	seq.s32 s10, $0x1;
	s10 =	sld [smem:$0x3FB7]  }
0x3d: {  	_ =	shalt  }
0x3e: {  	_ =	shalt  }
0x3f: {  	_ =	shalt  }
0x40: {  	_ =	shalt  }
0x41: {  	_ =	shalt  }
0x42: {  	_ =	shalt  }
0x43: {  	_ =	shalt  }
0x44: {  	_ =	shalt  }
0x45: {  	_ =	shalt  }
0x46: {  	_ =	shalt  }
0x47: {  	_ =	shalt  }
0x48: {  	_ =	shalt  }
0x49: {  	_ =	shalt  }
0x4a: {  	_ =	shalt  }
0x4b: {  	_ =	shalt  }
0x4c: {  	_ =	shalt  }
0x4d: {  	_ =	shalt  }
0x4e: {  	_ =	shalt  }
0x4f: {  	_ =	shalt  }
0x50: {  	_ =	shalt  }
0x51: {  	_ =	shalt  }
0x52: {  	_ =	shalt  }
0x53: {  	_ =	shalt  }
0x54: {  	_ =	shalt  }
0x55: {  	_ =	shalt  }
0x56: {  	_ =	shalt  }
0x57: {  	_ =	shalt  }
0x58: {  	_ =	shalt  }
0x59: {  	_ =	shalt  }
0x5a: {  	_ =	shalt  }
0x5b: {  	_ =	shalt  }
0x5c: {  	_ =	shalt  }
0x5d: {  	_ =	shalt  }
0x5e: {  	_ =	shalt  }
0x5f: {  	_ =	shalt  }
0x60: {  	_ =	shalt  }
0x61: {  	_ =	shalt  }
0x62: {  	_ =	shalt  }
0x63: {  	_ =	shalt  }
0x64: {  	_ =	shalt  }
0x65: {  	_ =	shalt  }
0x66: {  	_ =	shalt  }
0x67: {  	_ =	shalt  }
0x68: {  	_ =	shalt  }
0x69: {  	_ =	shalt  }
0x6a: {  	_ =	shalt  }
0x6b: {  	_ =	shalt  }
0x6c: {  	_ =	shalt  }
0x6d: {  	_ =	shalt  }
0x6e: {  	_ =	shalt  }
0x6f: {  	_ =	shalt  }
0x70: {  	_ =	shalt  }
0x71: {  	_ =	shalt  }
0x72: {  	_ =	shalt  }
0x73: {  	_ =	shalt  }
0x74: {  	_ =	shalt  }
0x75: {  	_ =	shalt  }
0x76: {  	_ =	shalt  }
0x77: {  	_ =	shalt  }
0x78: {  	_ =	shalt  }
0x79: {  	_ =	shalt  }
0x7a: {  	_ =	shalt  }
0x7b: {  	_ =	shalt  }
0x7c: {  	_ =	shalt  }
0x7d: {  	_ =	shalt  }
0x7e: {  	_ =	shalt  }
0x7f: {  	_ =	shalt  }
0x80: {  	_ =	shalt  }
0x81: {  	_ =	shalt  }
0x82: {  	_ =	shalt  }
0x83: {  	_ =	shalt  }
0x84: {  	_ =	shalt  }
0x85: {  	_ =	shalt  }
0x86: {  	_ =	shalt  }
0x87: {  	_ =	shalt  }
.Lfunc_end0:
.L_simem_size_0:
called_computation_lowered:
.L_overlay_start_0:
0x88: {  	s2 =	sld [smem:$0x3FD9]  }
0x89: {  	s3 =	sld [smem:$0x3FFE];
	_ =	sdelay $0x1  }
0x8a: {  	s1 =	srdreg.scid  }
0x8b: {  	s0 =	sand.u32 $0x1, s1  }
0x8c: {  	s17 =	sshll.u32 s0, $0xA;
	s2 =	sadd.s32 s3, s2  }
0x8d: {  	s2 =	sadd.s32 s2, s17  }
0x8e: {  	[smem:$0x3FC3] =	sst s2  }
0x8f: {  	_ = 	snop  }
0x90: {  	s2 =	sld [smem:$0x3FC9]  }
0x91: {  	s18 =	sld [smem:$0x3FC8]  }
0x92: {  	s4 =	sld [smem:$0x3FC7]  }
0x93: {  	s5 =	sld [smem:$0x3FD0];
	(tm) =	ssettm $0x1  }
0x94: {  	s6 =	sld [smem:$0x3FFB];
	_ =	sdelay $0x3  }
0x95: {  	_ =	strace s6  }
0x96: {  	s6 =	sld [smem:$0x3FFC];
	_ =	sdelay $0x3  }
0x97: {  	_ =	strace s6  }
0x98: {  	s6 =	sld [smem:$0x3FFD];
	_ =	sdelay $0x3  }
0x99: {  	_ =	strace s6  }
0x9a: {  	_ =	strace $0x8FFFFFFF  }
0x9b: {  	s19 =	sld [smem:$0x3FDB];
	_ =	sdelay $0x1  }
0x9c: {  	s7 =	simm.s32 $_scs_section_size  }
0x9d: {  	s8 =	simm.s32 $_size__tile_overlayer_lowered;
	s9 =	simm.s32 $_tile_overlayer_lowered  }
0x9e: {  	s22 =	simm.s32 $0x1BFF;
	s21 =	sshll.u32 s9, $0x1;
	s6 =	sadd.s32 s7, s19  }
0x9f: {  	s10 =	simm.s32 $0x0;
	s20 =	sshll.u32 s8, $0x1;
	s8 =	sadd.s32 s21, s6  }
0xa0: {  	[timem:s10], [sflag:s22] =	dma.local [hbm:s8], s20  }
0xa1: {  	_ =	swait.ge [sflag:s22], s20  }
0xa2: {  	s7 =	ssub.s32 $0x0, s20;
	[sflag:s22] =	ssyncset.done $0x0  }
0xa3: {  	[sflag:s22] =	ssyncadd.s32 s7;
	_ =	sdelay $0x1  }
0xa4: {  	s23 =	simm.s32 $0x1B8B  }
0xa5: {  	_ =	swait.ge [sflag:s23], $0x1  }
0xa6: {  	[sflag:s23] =	ssyncset.done $0x0  }
0xa7: {  	s25 =	simm.s32 $0x1B8E;
	s24 =	sld [smem:$0x3FFE];
	[sflag:s23] =	ssyncadd.s32 $0xFFFFFFFF  }
0xa8: {  	s26 =	simm.s32 $execute0_lowered;
	[smem:$0x3FD2] =	sst s25  }
0xa9: {  	s8 =	sshll.u32 s26, $0x1;
	_ =	strace $0x80000046;
	[dreg:$0x1] =	wrdreg $0xFFFFFFFF  }
0xaa: {  	s28 =	simm.s32 $_size_execute0_lowered;
	s6 =	sadd.s32 s6, s8;
	[dreg:$0x0] =	wrdreg $0x0  }
0xab: {  	s8 =	sshll.u32 s28, $0x1;
	[dreg:$0x2] =	wrdreg s6  }
0xac: {  	[dreg:$0x3] =	wrdreg s8  }
0xad: {  	[dreg:$0x4] =	wrdreg $0xC0  }
0xae: {  	_ =	task [dreg:s10], $0x5FFFF  }
0xaf: {  	[dreg:$0x1] =	wrdreg $0xFFFFFFFF  }
0xb0: {  	[dreg:$0x0] =	wrdreg $0x60  }
0xb1: {  	[dreg:$0x2] =	wrdreg s2  }
0xb2: {  	[dreg:$0x3] =	wrdreg s18  }
0xb3: {  	[dreg:$0x4] =	wrdreg s4  }
0xb4: {  	[dreg:$0x5] =	wrdreg s24  }
0xb5: {  	[dreg:$0x6] =	wrdreg s5  }
0xb6: {  	[dreg:$0x7] =	wrdreg $0x9  }
0xb7: {  	_ =	task.clear_ibuf [dreg:s10], $0x8FFFF;
	_ =	strace $0x90000046  }
0xb8: {  	s29 =	simm.s32 $0x9;
	_ =	strace $0x80000048  }
0xb9: {  	_ =	swait.ge [sflag:s29], $0x1  }
0xba: {  	[sflag:s29] =	ssyncadd.s32 $0xFFFFFFFF  }
0xbb: {  	_ =	strace $0x90000048  }
0xbc: {  	_ =	sfence  }
0xbd: {  	s30 =	sld [smem:$0x0];
	_ =	sdelay $0x2  }
0xbe: {  	s31 =	sshll.u32 s1, $0xD;
	s1 =	sshrl.u32 s1, $0x2  }
0xbf: {  	s3 =	sand.u32 $0x4000, s31;
	s1 =	sadd.s32 s1, s30  }
0xc0: {  	s0 =	sor.u32 s3, s0;
	s1 =	sshll.u32 s1, $0x11  }
0xc1: {  	s0 =	sor.u32 s1, s0  }
0xc2: {  	s0 =	sadd.s32 $0x8F2B, s0  }
0xc3: {  	[sflag:s0] =	ssyncadd.remote.s32 $0x1  }
0xc4: {  	_ =	sfence.sel $0xFFFF  }
0xc5: {  	[dreg:$0x0] =	wrdreg $0xFFFFFFFF;
	(pc) =	sbr.abs _section_cstart, $3  }
0xc6: {  	[dreg:$0x1] =	wrdreg $0xFFFFFFFF  }
0xc7: {  	_ =	task.clear_ibuf [dreg:s10], $0x2FFFF;
	_ =	strace $0x9FFFFFFF  }
0xc8: {  	(tm) =	ssettm $0x7FFFFFFF  }
0xc9: {  	_ =	shalt  }
tec
execute0_lowered:
.L_overlay_start_1:
0x0: {  	(tag) =	ssettag $0x1  }
0x1: {  	s0 =	rddreg [dreg:$0x0]  }
0x2: {  	s2 =	rddreg [dreg:$0x1]  }
0x3: {  	s1 =	rddreg [dreg:$0x2]  }
0x4: {  	s4 =	rddreg [dreg:$0x3];
	s3 =	srdreg.scid  }
0x5: {  	s10 =	stileid.u32;
	s5 =	rddreg [dreg:$0x4];
	s19 =	simm.s32 $0x6800  }
0x6: {  	s20 =	simm.s32 $0x6880;
	s21 =	simm.s32 $0x6900;
	s22 =	simm.s32 $0x6980  }
0x7: {  	s23 =	simm.s32 $0x6A00;
	s24 =	simm.s32 $0x6A80;
	s25 =	simm.s32 $0x6B00  }
0x8: {  	s26 =	simm.s32 $0x6B80;
	s6 =	sand.u32 $0x1, s3;
	s3 =	simm.s32 $0x0  }
0x9: {  	s28 =	simm.s32 $0x10D80;
	s9 =	sadd.s32 $0x400, s4;
	[smem:$0x7FF] =	sst s3  }
0xa: {  	s4 =	sadd.s32 $0x600, s4;
	_ =	strace $0x80000047;
	[dreg:$0xe] =	wrdreg s9  }
0xb: {  	s29 =	simm.s32 $0x3;
	s7 =	sshll.u32 s10, $0x1;
	[dreg:$0xf] =	wrdreg s4  }
0xc: {  	s15 =	smul.u32 $0x68000, s10;
	s7 =	sor.u32 s6, s7;
	[dreg:$0x6] =	wrdreg s19  }
0xd: {  	s11 =	ssub.s32 $0x2, s6;
	s6 =	smul.u32 $0x34000, s6;
	[dreg:$0x7] =	wrdreg s20  }
0xe: {  	s30 =	simm.s32 $0x12D80;
	s8 =	smul.u32 $0x3400, s7;
	[dreg:$0x8] =	wrdreg s21  }
0xf: {  	s31 =	simm.s32 $0x4;
	s7 =	smul.u32 $0x1A0000, s7;
	[dreg:$0x9] =	wrdreg s22  }
0x10: {  	s12 =	sshrl.u32 s11, $0x1;
	s18 =	sadd.s32 s15, s5;
	[dreg:$0xa] =	wrdreg s23  }
0x11: {  	s19 =	simm.s32 $0x40;
	s20 =	simm.s32 $0x6D80;
	[dreg:$0xb] =	wrdreg s24  }
0x12: {  	s21 =	simm.s32 $0x8D80;
	s22 =	simm.s32 $0xAD80;
	[dreg:$0xc] =	wrdreg s25  }
0x13: {  	s23 =	simm.s32 $0xCD80;
	s24 =	simm.s32 $0x1;
	[dreg:$0xd] =	wrdreg s26  }
0x14: {  	s25 =	simm.s32 $0xED80;
	s26 =	simm.s32 $0x2;
	s4 =	ssub.s32 s11, s12  }
0x15: {  	s15 =	simm.s32 $0x0;
	s8 =	sshrl.u32 s8, $0x3;
	s17 =	smax.u32 s4, $0x1  }
0x16: {  	s7 =	sshrl.u32 s7, $0x3;
	s0 =	sadd.s32 s0, s8;
	[dreg:$0x16] =	wrdreg s17  }
0x17: {  	s13 =	sadd.s32 s5, s7;
	s2 =	sadd.s32 s2, s8;
	[dreg:$0x10] =	wrdreg s0  }
0x18: {  	s11 =	simm.s32 $0xE;
	[dreg:$0x11] =	wrdreg s2;
	s14 =	sadd.s32 $0x33000, s13  }
0x19: {  	s12 =	simm.s32 $0xF;
	s7 =	sadd.s32 $0x33400, s13;
	[dreg:$0x12] =	wrdreg s14  }
0x1a: {  	s17 =	simm.s32 $0x6C80;
	s16 =	sadd.s32 $0x33800, s13;
	[dreg:$0x13] =	wrdreg s7  }
0x1b: {  	s0 =	sadd.s32 $0x33C00, s13;
	s13 =	sadd.s32 s6, s18;
	[dreg:$0x14] =	wrdreg s16  }
0x1c: {  	s18 =	simm.s32 $0x6D00;
	s2 =	simm.s32 $0x14D80;
	[dreg:$0x15] =	wrdreg s0  }
0x1d: {  	s14 =	simm.s32 $0x11;
	s16 =	simm.s32 $0x6C00;
	s0 =	simm.s32 $0x10  }
.LBB2_1:
0x1e: {  	s4 =	rddreg [dreg:$0x10]  }
0x1f: {  	[tilespmem:s3], [sflag:$0x11] =	stream.linear.gather [hbm4b:s4+s3], $0x3400, $0x38;
	[tilespmem:$0x16D80] =	vst v63  }
0x20: {  	_ =	swait.ge [sflag:s14], $0x3400  }
0x21: {  	[sflag:s14] =	ssyncset.done $0x0  }
0x22: {  	s5 =	simm.s32 $0x3400;
	s8 =	rddreg [dreg:$0x11];
	[sflag:s14] =	ssyncadd.s32 $0xFFFFCC00  }
0x23: {  	[tilespmem:s5], [sflag:$0x11] =	stream.linear.gather [hbm4b:s8+s3], $0x3400, $0x38;
	[tilespmem:$0x16D80] =	vst v63  }
0x24: {  	_ =	swait.ge [sflag:s14], $0x3400  }
0x25: {  	[sflag:s14] =	ssyncset.done $0x0  }
0x26: {  	s9 =	rddreg [dreg:$0xe];
	[sflag:s14] =	ssyncadd.s32 $0xFFFFCC00  }
0x27: {  	[tilespmem:s16], [sflag:$0x11] =	stream.linear.gather [hbm4b:s9+s3], $0x80, $0x38;
	[tilespmem:$0x16D80] =	vst v63  }
0x28: {  	_ =	swait.ge [sflag:s14], $0x80  }
0x29: {  	[sflag:s14] =	ssyncset.done $0x0  }
0x2a: {  	s10 =	rddreg [dreg:$0xf];
	[sflag:s14] =	ssyncadd.s32 $0xFFFFFF80  }
0x2b: {  	[tilespmem:s17], [sflag:$0x11] =	stream.linear.gather [hbm4b:s10+s3], $0x80, $0x38;
	[tilespmem:$0x16D80] =	vst v63  }
0x2c: {  	_ =	swait.ge [sflag:s14], $0x80  }
0x2d: {  	[sflag:s14] =	ssyncset.done $0x0  }
0x2e: {  	[sflag:s14] =	ssyncadd.s32 $0xFFFFFF80  }
0x2f: {  	v0 =	vld [tilespmem:$0x6C80]  }
0x30: {  	v1 =	vld [tilespmem:$0x6C90]  }
0x31: {  	v2 =	vld [tilespmem:$0x6CA0]  }
0x32: {  	v3 =	vld [tilespmem:$0x6CB0]  }
0x33: {  	v4 =	vld [tilespmem:$0x6CC0]  }
0x34: {  	v5 =	vld [tilespmem:$0x6CD0];
	v0 =	vcvt.s32.f32 v0  }
0x35: {  	v6 =	vld [tilespmem:$0x6CE0];
	v1 =	vcvt.s32.f32 v1  }
0x36: {  	v50 =	vld [tilespmem:$0x6CF0];
	v49 =	vcvt.s32.f32 v2;
	(erf) = vrcp.f32 v0  }
0x37: {  	v51 =	vcvt.s32.f32 v3;
	(erf) = vrcp.f32 v1  }
0x38: {  	v52 =	vcvt.s32.f32 v4;
	(erf) = vrcp.f32 v49  }
0x39: {  	v53 =	vcvt.s32.f32 v5;
	(erf) = vrcp.f32 v51  }
0x3a: {  	v54 =	vcvt.s32.f32 v6;
	(erf) = vrcp.f32 v52  }
0x3b: {  	v55 =	vcvt.s32.f32 v50;
	(erf) = vrcp.f32 v53  }
0x3c: {  	(erf) = vrcp.f32 v54  }
0x3d: {  	(erf) = vrcp.f32 v55;
	_ =	sdelay $0x1  }
0x3e: {  	v56 =	vpop (erf)  }
0x3f: {  	v57 =	vpop (erf);
	[tilespmem:$0x6D00] =	vst v56  }
0x40: {  	v58 =	vpop (erf);
	[tilespmem:$0x6D10] =	vst v57  }
0x41: {  	v59 =	vpop (erf);
	[tilespmem:$0x6D20] =	vst v58  }
0x42: {  	v60 =	vpop (erf);
	[tilespmem:$0x6D30] =	vst v59  }
0x43: {  	v61 =	vpop (erf);
	[tilespmem:$0x6D40] =	vst v60  }
0x44: {  	v62 =	vpop (erf);
	[tilespmem:$0x6D50] =	vst v61  }
0x45: {  	[tilespmem:$0x6D60] =	vst v62;
	v63 =	vpop (erf)  }
0x46: {  	s6 =	simm.s32 $0x0;
	s4 =	simm.s32 $0x3500;
	s5 =	simm.s32 $0x100;
	[tilespmem:$0x6D70] =	vst v63  }
.LBB2_2:
0x47: {  	v0 =	vld [tilespmem:s4+$0xFFFFFF00];
	_ =	sdelay $0x3  }
0x48: {  	v1 =	vld [tilespmem:s5+$0xFFFFFF00];
	_ =	sdelay $0x3  }
0x49: {  	v2 =	vld.idx.msk [tilespmem:v0+s18+$0x0], $0xffff  }
0x4a: {  	v1 =	vmul.u32 $0x9E3779B1, v1;
	_ =	sdelay $0x1  }
0x4b: {  	v3 =	vcvt.s32.f32 v1;
	_ =	sdelay $0x1  }
0x4c: {  	v4 =	vld.idx.msk [tilespmem:v0+s17+$0x0], $0xffff;
	v2 =	vmul.f32 v3, v2;
	_ =	sdelay $0x1  }
0x4d: {  	v2 =	vtrunc.f32 v2  }
0x4e: {  	v2 =	vcvt.f32.s32 v2;
	_ =	sdelay $0x1  }
0x4f: {  	v2 =	vmul.u32 v2, v4;
	_ =	sdelay $0x1  }
0x50: {  	v1 =	vsub.s32 v1, v2  }
0x51: {  	v2 =	vshra.s32 v1, $0x1F  }
0x52: {  	v2 =	vand.u32 v4, v2  }
0x53: {  	v1 =	vadd.s32 v1, v2  }
0x54: {  	v2 =	vshra.s32 v1, $0x1F  }
0x55: {  	v2 =	vand.u32 v4, v2  }
0x56: {  	v0 =	vld.idx.msk [tilespmem:v0+s16+$0x0], $0xffff;
	v1 =	vadd.s32 v1, v2  }
0x57: {  	vm0 =	vlt.s32 v1, v4  }
0x58: {  	v39 =	vsel vm0, $0x0, v4  }
0x59: {  	v1 =	vsub.s32 v1, v39  }
0x5a: {  	vm13 =	vlt.s32 v1, v4  }
0x5b: {  	v0 =	vadd.s32 v0, v1;
	v40 =	vsel vm13, $0x0, v4  }
0x5c: {  	v0 =	vsub.s32 v0, v40  }
0x5d: {  	[tilespmem:$0x6800] =	vst v0  }
0x5e: {  	v0 =	vld [tilespmem:s4+$0xFFFFFF10];
	_ =	sdelay $0x3  }
0x5f: {  	v41 =	vld [tilespmem:s5+$0xFFFFFF10];
	_ =	sdelay $0x3  }
0x60: {  	v42 =	vld.idx.msk [tilespmem:v0+s18+$0x0], $0xffff  }
0x61: {  	v1 =	vmul.u32 $0x9E3779B1, v41;
	_ =	sdelay $0x1  }
0x62: {  	v43 =	vcvt.s32.f32 v1;
	_ =	sdelay $0x1  }
0x63: {  	v44 =	vld.idx.msk [tilespmem:v0+s17+$0x0], $0xffff;
	v2 =	vmul.f32 v43, v42;
	_ =	sdelay $0x1  }
0x64: {  	v2 =	vtrunc.f32 v2  }
0x65: {  	v2 =	vcvt.f32.s32 v2;
	_ =	sdelay $0x1  }
0x66: {  	v2 =	vmul.u32 v2, v44;
	_ =	sdelay $0x1  }
0x67: {  	v1 =	vsub.s32 v1, v2  }
0x68: {  	v2 =	vshra.s32 v1, $0x1F  }
0x69: {  	v2 =	vand.u32 v44, v2  }
0x6a: {  	v1 =	vadd.s32 v1, v2  }
0x6b: {  	v2 =	vshra.s32 v1, $0x1F  }
0x6c: {  	v2 =	vand.u32 v44, v2  }
0x6d: {  	v0 =	vld.idx.msk [tilespmem:v0+s16+$0x0], $0xffff;
	v1 =	vadd.s32 v1, v2  }
0x6e: {  	vm14 =	vlt.s32 v1, v44  }
0x6f: {  	v45 =	vsel vm14, $0x0, v44  }
0x70: {  	v1 =	vsub.s32 v1, v45  }
0x71: {  	vm15 =	vlt.s32 v1, v44  }
0x72: {  	v0 =	vadd.s32 v0, v1;
	v46 =	vsel vm15, $0x0, v44  }
0x73: {  	v0 =	vsub.s32 v0, v46  }
0x74: {  	[tilespmem:$0x6810] =	vst v0  }
0x75: {  	v0 =	vld [tilespmem:s4+$0xFFFFFF20];
	_ =	sdelay $0x3  }
0x76: {  	v47 =	vld [tilespmem:s5+$0xFFFFFF20];
	_ =	sdelay $0x3  }
0x77: {  	v48 =	vld.idx.msk [tilespmem:v0+s18+$0x0], $0xffff  }
0x78: {  	v1 =	vmul.u32 $0x9E3779B1, v47;
	_ =	sdelay $0x1  }
0x79: {  	v49 =	vcvt.s32.f32 v1;
	_ =	sdelay $0x1  }
0x7a: {  	v50 =	vld.idx.msk [tilespmem:v0+s17+$0x0], $0xffff;
	v2 =	vmul.f32 v49, v48;
	_ =	sdelay $0x1  }
0x7b: {  	v2 =	vtrunc.f32 v2  }
0x7c: {  	v2 =	vcvt.f32.s32 v2;
	_ =	sdelay $0x1  }
0x7d: {  	v2 =	vmul.u32 v2, v50;
	_ =	sdelay $0x1  }
0x7e: {  	v1 =	vsub.s32 v1, v2  }
0x7f: {  	v2 =	vshra.s32 v1, $0x1F  }
0x80: {  	v2 =	vand.u32 v50, v2  }
0x81: {  	v1 =	vadd.s32 v1, v2  }
0x82: {  	v2 =	vshra.s32 v1, $0x1F  }
0x83: {  	v2 =	vand.u32 v50, v2  }
0x84: {  	v0 =	vld.idx.msk [tilespmem:v0+s16+$0x0], $0xffff;
	v1 =	vadd.s32 v1, v2  }
0x85: {  	vm4 =	vlt.s32 v1, v50  }
0x86: {  	v51 =	vsel vm4, $0x0, v50  }
0x87: {  	v1 =	vsub.s32 v1, v51  }
0x88: {  	vm5 =	vlt.s32 v1, v50  }
0x89: {  	v0 =	vadd.s32 v0, v1;
	v52 =	vsel vm5, $0x0, v50  }
0x8a: {  	v0 =	vsub.s32 v0, v52  }
0x8b: {  	[tilespmem:$0x6820] =	vst v0  }
0x8c: {  	v0 =	vld [tilespmem:s4+$0xFFFFFF30];
	_ =	sdelay $0x3  }
0x8d: {  	v53 =	vld [tilespmem:s5+$0xFFFFFF30];
	_ =	sdelay $0x3  }
0x8e: {  	v54 =	vld.idx.msk [tilespmem:v0+s18+$0x0], $0xffff  }
0x8f: {  	v1 =	vmul.u32 $0x9E3779B1, v53;
	_ =	sdelay $0x1  }
0x90: {  	v55 =	vcvt.s32.f32 v1;
	_ =	sdelay $0x1  }
0x91: {  	v56 =	vld.idx.msk [tilespmem:v0+s17+$0x0], $0xffff;
	v2 =	vmul.f32 v55, v54;
	_ =	sdelay $0x1  }
0x92: {  	v2 =	vtrunc.f32 v2  }
0x93: {  	v2 =	vcvt.f32.s32 v2;
	_ =	sdelay $0x1  }
0x94: {  	v2 =	vmul.u32 v2, v56;
	_ =	sdelay $0x1  }
0x95: {  	v1 =	vsub.s32 v1, v2  }
0x96: {  	v2 =	vshra.s32 v1, $0x1F  }
0x97: {  	v2 =	vand.u32 v56, v2  }
0x98: {  	v1 =	vadd.s32 v1, v2  }
0x99: {  	v2 =	vshra.s32 v1, $0x1F  }
0x9a: {  	v2 =	vand.u32 v56, v2  }
0x9b: {  	v0 =	vld.idx.msk [tilespmem:v0+s16+$0x0], $0xffff;
	v1 =	vadd.s32 v1, v2  }
0x9c: {  	vm6 =	vlt.s32 v1, v56  }
0x9d: {  	v57 =	vsel vm6, $0x0, v56  }
0x9e: {  	v1 =	vsub.s32 v1, v57  }
0x9f: {  	vm7 =	vlt.s32 v1, v56  }
0xa0: {  	v0 =	vadd.s32 v0, v1;
	v58 =	vsel vm7, $0x0, v56  }
0xa1: {  	p0 =	seq.s32 s6, $0x0;
	v0 =	vsub.s32 v0, v58  }
0xa2: {  	s7 =	simm.s32 @!p0 $0x5;
	[tilespmem:$0x6830] =	vst v0  }
0xa3: {  	_ =	swait.ge @!p0 [sflag:s7], $0x2000  }
0xa4: {  	[sflag:s7] =	ssyncset.done @!p0 $0x0  }
0xa5: {  	[sflag:s7] =	ssyncadd.s32 @!p0 $0xFFFFE000;
	s7 =	sadd.s32 @!p0 s6, s13  }
0xa6: {  	s8 =	simm.s32 @!p0 $0x0;
	s10 =	simm.s32 @!p0 $0xED80;
	s9 =	sadd.s32 @!p0 $0xFFFFF000, s7  }
0xa7: {  	[hbm4b:s9+s8] =	stream.linear.scatter @!p0 [tilespmem:s10], [sflag:$0xD], $0x2000, $0x38;
	[tilespmem:$0x16D80] =	vst v63  }
0xa8: {  	s9 =	simm.s32 @!p0 $0x9  }
0xa9: {  	_ =	swait.ge @!p0 [sflag:s9], $0x2000  }
0xaa: {  	[sflag:s9] =	ssyncset.done @!p0 $0x0  }
0xab: {  	s10 =	rddreg [dreg:$0x6];
	[sflag:s9] =	ssyncadd.s32 @!p0 $0xFFFFE000  }
0xac: {  	[tilespmem:s20], [sflag:$0x1] =	stream.indirect.gather [hbm4b:s1+s19], $0x80, s10, s19, $0xb8;
	[tilespmem:$0x16D80] =	vst v63  }
0xad: {  	v59 =	vld [tilespmem:s4+$0xFFFFFF40];
	_ =	sdelay $0x3  }
0xae: {  	v60 =	vld [tilespmem:s5+$0xFFFFFF40];
	_ =	sdelay $0x3  }
0xaf: {  	v61 =	vld.idx.msk [tilespmem:v59+s18+$0x0], $0xffff  }
0xb0: {  	v1 =	vmul.u32 $0x9E3779B1, v60;
	_ =	sdelay $0x1  }
0xb1: {  	v62 =	vcvt.s32.f32 v1;
	_ =	sdelay $0x1  }
0xb2: {  	v63 =	vld.idx.msk [tilespmem:v59+s17+$0x0], $0xffff;
	v2 =	vmul.f32 v62, v61;
	_ =	sdelay $0x1  }
0xb3: {  	v2 =	vtrunc.f32 v2  }
0xb4: {  	v2 =	vcvt.f32.s32 v2;
	_ =	sdelay $0x1  }
0xb5: {  	v2 =	vmul.u32 v2, v63;
	_ =	sdelay $0x1  }
0xb6: {  	v1 =	vsub.s32 v1, v2  }
0xb7: {  	v2 =	vshra.s32 v1, $0x1F  }
0xb8: {  	v2 =	vand.u32 v63, v2  }
0xb9: {  	v1 =	vadd.s32 v1, v2  }
0xba: {  	v2 =	vshra.s32 v1, $0x1F  }
0xbb: {  	v2 =	vand.u32 v63, v2  }
0xbc: {  	v0 =	vld.idx.msk [tilespmem:v59+s16+$0x0], $0xffff;
	v1 =	vadd.s32 v1, v2  }
0xbd: {  	vm8 =	vlt.s32 v1, v63  }
0xbe: {  	v8 =	vsel vm8, $0x0, v63  }
0xbf: {  	v1 =	vsub.s32 v1, v8  }
0xc0: {  	vm9 =	vlt.s32 v1, v63  }
0xc1: {  	v0 =	vadd.s32 v0, v1;
	v9 =	vsel vm9, $0x0, v63  }
0xc2: {  	v0 =	vsub.s32 v0, v9  }
0xc3: {  	[tilespmem:$0x6880] =	vst v0  }
0xc4: {  	v0 =	vld [tilespmem:s4+$0xFFFFFF50];
	_ =	sdelay $0x3  }
0xc5: {  	v10 =	vld [tilespmem:s5+$0xFFFFFF50];
	_ =	sdelay $0x3  }
0xc6: {  	v11 =	vld.idx.msk [tilespmem:v0+s18+$0x0], $0xffff  }
0xc7: {  	v1 =	vmul.u32 $0x9E3779B1, v10;
	_ =	sdelay $0x1  }
0xc8: {  	v12 =	vcvt.s32.f32 v1;
	_ =	sdelay $0x1  }
0xc9: {  	v13 =	vld.idx.msk [tilespmem:v0+s17+$0x0], $0xffff;
	v2 =	vmul.f32 v12, v11;
	_ =	sdelay $0x1  }
0xca: {  	v2 =	vtrunc.f32 v2  }
0xcb: {  	v2 =	vcvt.f32.s32 v2;
	_ =	sdelay $0x1  }
0xcc: {  	v2 =	vmul.u32 v2, v13;
	_ =	sdelay $0x1  }
0xcd: {  	v1 =	vsub.s32 v1, v2  }
0xce: {  	v2 =	vshra.s32 v1, $0x1F  }
0xcf: {  	v2 =	vand.u32 v13, v2  }
0xd0: {  	v1 =	vadd.s32 v1, v2  }
0xd1: {  	v2 =	vshra.s32 v1, $0x1F  }
0xd2: {  	v2 =	vand.u32 v13, v2  }
0xd3: {  	v0 =	vld.idx.msk [tilespmem:v0+s16+$0x0], $0xffff;
	v1 =	vadd.s32 v1, v2  }
0xd4: {  	vm10 =	vlt.s32 v1, v13  }
0xd5: {  	v14 =	vsel vm10, $0x0, v13  }
0xd6: {  	v1 =	vsub.s32 v1, v14  }
0xd7: {  	vm11 =	vlt.s32 v1, v13  }
0xd8: {  	v0 =	vadd.s32 v0, v1;
	v15 =	vsel vm11, $0x0, v13  }
0xd9: {  	v0 =	vsub.s32 v0, v15  }
0xda: {  	[tilespmem:$0x6890] =	vst v0  }
0xdb: {  	v0 =	vld [tilespmem:s4+$0xFFFFFF60];
	_ =	sdelay $0x3  }
0xdc: {  	v16 =	vld [tilespmem:s5+$0xFFFFFF60];
	_ =	sdelay $0x3  }
0xdd: {  	v17 =	vld.idx.msk [tilespmem:v0+s18+$0x0], $0xffff  }
0xde: {  	v1 =	vmul.u32 $0x9E3779B1, v16;
	_ =	sdelay $0x1  }
0xdf: {  	v18 =	vcvt.s32.f32 v1;
	_ =	sdelay $0x1  }
0xe0: {  	v19 =	vld.idx.msk [tilespmem:v0+s17+$0x0], $0xffff;
	v2 =	vmul.f32 v18, v17;
	_ =	sdelay $0x1  }
0xe1: {  	v2 =	vtrunc.f32 v2  }
0xe2: {  	v2 =	vcvt.f32.s32 v2;
	_ =	sdelay $0x1  }
0xe3: {  	v2 =	vmul.u32 v2, v19;
	_ =	sdelay $0x1  }
0xe4: {  	v1 =	vsub.s32 v1, v2  }
0xe5: {  	v2 =	vshra.s32 v1, $0x1F  }
0xe6: {  	v2 =	vand.u32 v19, v2  }
0xe7: {  	v1 =	vadd.s32 v1, v2  }
0xe8: {  	v2 =	vshra.s32 v1, $0x1F  }
0xe9: {  	v2 =	vand.u32 v19, v2  }
0xea: {  	v0 =	vld.idx.msk [tilespmem:v0+s16+$0x0], $0xffff;
	v1 =	vadd.s32 v1, v2  }
0xeb: {  	vm12 =	vlt.s32 v1, v19  }
0xec: {  	v20 =	vsel vm12, $0x0, v19  }
0xed: {  	v1 =	vsub.s32 v1, v20  }
0xee: {  	vm13 =	vlt.s32 v1, v19  }
0xef: {  	v0 =	vadd.s32 v0, v1;
	v21 =	vsel vm13, $0x0, v19  }
0xf0: {  	v0 =	vsub.s32 v0, v21  }
0xf1: {  	[tilespmem:$0x68A0] =	vst v0  }
0xf2: {  	v0 =	vld [tilespmem:s4+$0xFFFFFF70];
	_ =	sdelay $0x3  }
0xf3: {  	v22 =	vld [tilespmem:s5+$0xFFFFFF70];
	_ =	sdelay $0x3  }
0xf4: {  	v23 =	vld.idx.msk [tilespmem:v0+s18+$0x0], $0xffff  }
0xf5: {  	v1 =	vmul.u32 $0x9E3779B1, v22;
	_ =	sdelay $0x1  }
0xf6: {  	v24 =	vcvt.s32.f32 v1;
	_ =	sdelay $0x1  }
0xf7: {  	v25 =	vld.idx.msk [tilespmem:v0+s17+$0x0], $0xffff;
	v2 =	vmul.f32 v24, v23;
	_ =	sdelay $0x1  }
0xf8: {  	v2 =	vtrunc.f32 v2  }
0xf9: {  	v2 =	vcvt.f32.s32 v2;
	_ =	sdelay $0x1  }
0xfa: {  	v2 =	vmul.u32 v2, v25;
	_ =	sdelay $0x1  }
0xfb: {  	v1 =	vsub.s32 v1, v2  }
0xfc: {  	v2 =	vshra.s32 v1, $0x1F  }
0xfd: {  	v2 =	vand.u32 v25, v2  }
0xfe: {  	v1 =	vadd.s32 v1, v2  }
0xff: {  	v2 =	vshra.s32 v1, $0x1F  }
0x100: {  	v2 =	vand.u32 v25, v2  }
0x101: {  	v0 =	vld.idx.msk [tilespmem:v0+s16+$0x0], $0xffff;
	v1 =	vadd.s32 v1, v2  }
0x102: {  	vm14 =	vlt.s32 v1, v25  }
0x103: {  	v26 =	vsel vm14, $0x0, v25  }
0x104: {  	v1 =	vsub.s32 v1, v26  }
0x105: {  	vm15 =	vlt.s32 v1, v25  }
0x106: {  	v0 =	vadd.s32 v0, v1;
	v27 =	vsel vm15, $0x0, v25  }
0x107: {  	v0 =	vsub.s32 v0, v27  }
0x108: {  	s9 =	simm.s32 @!p0 $0x6;
	[tilespmem:$0x68B0] =	vst v0  }
0x109: {  	_ =	swait.ge @!p0 [sflag:s9], $0x2000  }
0x10a: {  	[sflag:s9] =	ssyncset.done @!p0 $0x0  }
0x10b: {  	s10 =	simm.s32 @!p0 $0x10D80;
	[sflag:s9] =	ssyncadd.s32 @!p0 $0xFFFFE000;
	s9 =	sadd.s32 @!p0 $0xFFFFF400, s7  }
0x10c: {  	[hbm4b:s9+s8] =	stream.linear.scatter @!p0 [tilespmem:s10], [sflag:$0xE], $0x2000, $0x38;
	[tilespmem:$0x16D80] =	vst v63  }
0x10d: {  	s9 =	simm.s32 @!p0 $0xA  }
0x10e: {  	_ =	swait.ge @!p0 [sflag:s9], $0x2000  }
0x10f: {  	[sflag:s9] =	ssyncset.done @!p0 $0x0  }
0x110: {  	s10 =	rddreg [dreg:$0x7];
	[sflag:s9] =	ssyncadd.s32 @!p0 $0xFFFFE000  }
0x111: {  	[tilespmem:s21], [sflag:$0x2] =	stream.indirect.gather [hbm4b:s1+s19], $0x80, s10, s19, $0xb8;
	[tilespmem:$0x16D80] =	vst v63  }
0x112: {  	v28 =	vld [tilespmem:s4+$0xFFFFFF80];
	_ =	sdelay $0x3  }
0x113: {  	v29 =	vld [tilespmem:s5+$0xFFFFFF80];
	_ =	sdelay $0x3  }
0x114: {  	v30 =	vld.idx.msk [tilespmem:v28+s18+$0x0], $0xffff  }
0x115: {  	v1 =	vmul.u32 $0x9E3779B1, v29;
	_ =	sdelay $0x1  }
0x116: {  	v31 =	vcvt.s32.f32 v1;
	_ =	sdelay $0x1  }
0x117: {  	v32 =	vld.idx.msk [tilespmem:v28+s17+$0x0], $0xffff;
	v2 =	vmul.f32 v31, v30;
	_ =	sdelay $0x1  }
0x118: {  	v2 =	vtrunc.f32 v2  }
0x119: {  	v2 =	vcvt.f32.s32 v2;
	_ =	sdelay $0x1  }
0x11a: {  	v2 =	vmul.u32 v2, v32;
	_ =	sdelay $0x1  }
0x11b: {  	v1 =	vsub.s32 v1, v2  }
0x11c: {  	v2 =	vshra.s32 v1, $0x1F  }
0x11d: {  	v2 =	vand.u32 v32, v2  }
0x11e: {  	v1 =	vadd.s32 v1, v2  }
0x11f: {  	v2 =	vshra.s32 v1, $0x1F  }
0x120: {  	v2 =	vand.u32 v32, v2  }
0x121: {  	v0 =	vld.idx.msk [tilespmem:v28+s16+$0x0], $0xffff;
	v1 =	vadd.s32 v1, v2  }
0x122: {  	vm4 =	vlt.s32 v1, v32  }
0x123: {  	v33 =	vsel vm4, $0x0, v32  }
0x124: {  	v1 =	vsub.s32 v1, v33  }
0x125: {  	vm5 =	vlt.s32 v1, v32  }
0x126: {  	v0 =	vadd.s32 v0, v1;
	v34 =	vsel vm5, $0x0, v32  }
0x127: {  	v0 =	vsub.s32 v0, v34  }
0x128: {  	[tilespmem:$0x6900] =	vst v0  }
0x129: {  	v0 =	vld [tilespmem:s4+$0xFFFFFF90];
	_ =	sdelay $0x3  }
0x12a: {  	v35 =	vld [tilespmem:s5+$0xFFFFFF90];
	_ =	sdelay $0x3  }
0x12b: {  	v36 =	vld.idx.msk [tilespmem:v0+s18+$0x0], $0xffff  }
0x12c: {  	v1 =	vmul.u32 $0x9E3779B1, v35;
	_ =	sdelay $0x1  }
0x12d: {  	v37 =	vcvt.s32.f32 v1;
	_ =	sdelay $0x1  }
0x12e: {  	v38 =	vld.idx.msk [tilespmem:v0+s17+$0x0], $0xffff;
	v2 =	vmul.f32 v37, v36;
	_ =	sdelay $0x1  }
0x12f: {  	v2 =	vtrunc.f32 v2  }
0x130: {  	v2 =	vcvt.f32.s32 v2;
	_ =	sdelay $0x1  }
0x131: {  	v2 =	vmul.u32 v2, v38;
	_ =	sdelay $0x1  }
0x132: {  	v1 =	vsub.s32 v1, v2  }
0x133: {  	v2 =	vshra.s32 v1, $0x1F  }
0x134: {  	v2 =	vand.u32 v38, v2  }
0x135: {  	v1 =	vadd.s32 v1, v2  }
0x136: {  	v2 =	vshra.s32 v1, $0x1F  }
0x137: {  	v2 =	vand.u32 v38, v2  }
0x138: {  	v0 =	vld.idx.msk [tilespmem:v0+s16+$0x0], $0xffff;
	v1 =	vadd.s32 v1, v2  }
0x139: {  	vm6 =	vlt.s32 v1, v38  }
0x13a: {  	v39 =	vsel vm6, $0x0, v38  }
0x13b: {  	v1 =	vsub.s32 v1, v39  }
0x13c: {  	vm7 =	vlt.s32 v1, v38  }
0x13d: {  	v0 =	vadd.s32 v0, v1;
	v40 =	vsel vm7, $0x0, v38  }
0x13e: {  	v0 =	vsub.s32 v0, v40  }
0x13f: {  	[tilespmem:$0x6910] =	vst v0  }
0x140: {  	v0 =	vld [tilespmem:s4+$0xFFFFFFA0];
	_ =	sdelay $0x3  }
0x141: {  	v41 =	vld [tilespmem:s5+$0xFFFFFFA0];
	_ =	sdelay $0x3  }
0x142: {  	v42 =	vld.idx.msk [tilespmem:v0+s18+$0x0], $0xffff  }
0x143: {  	v1 =	vmul.u32 $0x9E3779B1, v41;
	_ =	sdelay $0x1  }
0x144: {  	v43 =	vcvt.s32.f32 v1;
	_ =	sdelay $0x1  }
0x145: {  	v44 =	vld.idx.msk [tilespmem:v0+s17+$0x0], $0xffff;
	v2 =	vmul.f32 v43, v42;
	_ =	sdelay $0x1  }
0x146: {  	v2 =	vtrunc.f32 v2  }
0x147: {  	v2 =	vcvt.f32.s32 v2;
	_ =	sdelay $0x1  }
0x148: {  	v2 =	vmul.u32 v2, v44;
	_ =	sdelay $0x1  }
0x149: {  	v1 =	vsub.s32 v1, v2  }
0x14a: {  	v2 =	vshra.s32 v1, $0x1F  }
0x14b: {  	v2 =	vand.u32 v44, v2  }
0x14c: {  	v1 =	vadd.s32 v1, v2  }
0x14d: {  	v2 =	vshra.s32 v1, $0x1F  }
0x14e: {  	v2 =	vand.u32 v44, v2  }
0x14f: {  	v0 =	vld.idx.msk [tilespmem:v0+s16+$0x0], $0xffff;
	v1 =	vadd.s32 v1, v2  }
0x150: {  	vm8 =	vlt.s32 v1, v44  }
0x151: {  	v45 =	vsel vm8, $0x0, v44  }
0x152: {  	v1 =	vsub.s32 v1, v45  }
0x153: {  	vm9 =	vlt.s32 v1, v44  }
0x154: {  	v0 =	vadd.s32 v0, v1;
	v46 =	vsel vm9, $0x0, v44  }
0x155: {  	v0 =	vsub.s32 v0, v46  }
0x156: {  	[tilespmem:$0x6920] =	vst v0  }
0x157: {  	v0 =	vld [tilespmem:s4+$0xFFFFFFB0];
	_ =	sdelay $0x3  }
0x158: {  	v47 =	vld [tilespmem:s5+$0xFFFFFFB0];
	_ =	sdelay $0x3  }
0x159: {  	v48 =	vld.idx.msk [tilespmem:v0+s18+$0x0], $0xffff  }
0x15a: {  	v1 =	vmul.u32 $0x9E3779B1, v47;
	_ =	sdelay $0x1  }
0x15b: {  	v49 =	vcvt.s32.f32 v1;
	_ =	sdelay $0x1  }
0x15c: {  	v50 =	vld.idx.msk [tilespmem:v0+s17+$0x0], $0xffff;
	v2 =	vmul.f32 v49, v48;
	_ =	sdelay $0x1  }
0x15d: {  	v2 =	vtrunc.f32 v2  }
0x15e: {  	v2 =	vcvt.f32.s32 v2;
	_ =	sdelay $0x1  }
0x15f: {  	v2 =	vmul.u32 v2, v50;
	_ =	sdelay $0x1  }
0x160: {  	v1 =	vsub.s32 v1, v2  }
0x161: {  	v2 =	vshra.s32 v1, $0x1F  }
0x162: {  	v2 =	vand.u32 v50, v2  }
0x163: {  	v1 =	vadd.s32 v1, v2  }
0x164: {  	v2 =	vshra.s32 v1, $0x1F  }
0x165: {  	v2 =	vand.u32 v50, v2  }
0x166: {  	v0 =	vld.idx.msk [tilespmem:v0+s16+$0x0], $0xffff;
	v1 =	vadd.s32 v1, v2  }
0x167: {  	vm10 =	vlt.s32 v1, v50  }
0x168: {  	v51 =	vsel vm10, $0x0, v50  }
0x169: {  	v1 =	vsub.s32 v1, v51  }
0x16a: {  	vm11 =	vlt.s32 v1, v50  }
0x16b: {  	v0 =	vadd.s32 v0, v1;
	v52 =	vsel vm11, $0x0, v50  }
0x16c: {  	v0 =	vsub.s32 v0, v52  }
0x16d: {  	s9 =	simm.s32 @!p0 $0x7;
	[tilespmem:$0x6930] =	vst v0  }
0x16e: {  	_ =	swait.ge @!p0 [sflag:s9], $0x2000  }
0x16f: {  	[sflag:s9] =	ssyncset.done @!p0 $0x0  }
0x170: {  	s10 =	simm.s32 @!p0 $0x12D80;
	[sflag:s9] =	ssyncadd.s32 @!p0 $0xFFFFE000;
	s9 =	sadd.s32 @!p0 $0xFFFFF800, s7  }
0x171: {  	[hbm4b:s9+s8] =	stream.linear.scatter @!p0 [tilespmem:s10], [sflag:$0xF], $0x2000, $0x38;
	[tilespmem:$0x16D80] =	vst v63  }
0x172: {  	s9 =	simm.s32 @!p0 $0xB  }
0x173: {  	_ =	swait.ge @!p0 [sflag:s9], $0x2000  }
0x174: {  	[sflag:s9] =	ssyncset.done @!p0 $0x0  }
0x175: {  	s10 =	rddreg [dreg:$0x8];
	[sflag:s9] =	ssyncadd.s32 @!p0 $0xFFFFE000  }
0x176: {  	[tilespmem:s22], [sflag:$0x3] =	stream.indirect.gather [hbm4b:s1+s19], $0x80, s10, s19, $0xb8;
	[tilespmem:$0x16D80] =	vst v63  }
0x177: {  	v53 =	vld [tilespmem:s4+$0xFFFFFFC0];
	_ =	sdelay $0x3  }
0x178: {  	v54 =	vld [tilespmem:s5+$0xFFFFFFC0];
	_ =	sdelay $0x3  }
0x179: {  	v55 =	vld.idx.msk [tilespmem:v53+s18+$0x0], $0xffff  }
0x17a: {  	v1 =	vmul.u32 $0x9E3779B1, v54;
	_ =	sdelay $0x1  }
0x17b: {  	v56 =	vcvt.s32.f32 v1;
	_ =	sdelay $0x1  }
0x17c: {  	v57 =	vld.idx.msk [tilespmem:v53+s17+$0x0], $0xffff;
	v2 =	vmul.f32 v56, v55;
	_ =	sdelay $0x1  }
0x17d: {  	v2 =	vtrunc.f32 v2  }
0x17e: {  	v2 =	vcvt.f32.s32 v2;
	_ =	sdelay $0x1  }
0x17f: {  	v2 =	vmul.u32 v2, v57;
	_ =	sdelay $0x1  }
0x180: {  	v1 =	vsub.s32 v1, v2  }
0x181: {  	v2 =	vshra.s32 v1, $0x1F  }
0x182: {  	v2 =	vand.u32 v57, v2  }
0x183: {  	v1 =	vadd.s32 v1, v2  }
0x184: {  	v2 =	vshra.s32 v1, $0x1F  }
0x185: {  	v2 =	vand.u32 v57, v2  }
0x186: {  	v0 =	vld.idx.msk [tilespmem:v53+s16+$0x0], $0xffff;
	v1 =	vadd.s32 v1, v2  }
0x187: {  	vm12 =	vlt.s32 v1, v57  }
0x188: {  	v58 =	vsel vm12, $0x0, v57  }
0x189: {  	v1 =	vsub.s32 v1, v58  }
0x18a: {  	vm13 =	vlt.s32 v1, v57  }
0x18b: {  	v0 =	vadd.s32 v0, v1;
	v59 =	vsel vm13, $0x0, v57  }
0x18c: {  	v0 =	vsub.s32 v0, v59  }
0x18d: {  	[tilespmem:$0x6980] =	vst v0  }
0x18e: {  	v0 =	vld [tilespmem:s4+$0xFFFFFFD0];
	_ =	sdelay $0x3  }
0x18f: {  	v60 =	vld [tilespmem:s5+$0xFFFFFFD0];
	_ =	sdelay $0x3  }
0x190: {  	v61 =	vld.idx.msk [tilespmem:v0+s18+$0x0], $0xffff  }
0x191: {  	v1 =	vmul.u32 $0x9E3779B1, v60;
	_ =	sdelay $0x1  }
0x192: {  	v62 =	vcvt.s32.f32 v1;
	_ =	sdelay $0x1  }
0x193: {  	v63 =	vld.idx.msk [tilespmem:v0+s17+$0x0], $0xffff;
	v2 =	vmul.f32 v62, v61;
	_ =	sdelay $0x1  }
0x194: {  	v2 =	vtrunc.f32 v2  }
0x195: {  	v2 =	vcvt.f32.s32 v2;
	_ =	sdelay $0x1  }
0x196: {  	v2 =	vmul.u32 v2, v63;
	_ =	sdelay $0x1  }
0x197: {  	v1 =	vsub.s32 v1, v2  }
0x198: {  	v2 =	vshra.s32 v1, $0x1F  }
0x199: {  	v2 =	vand.u32 v63, v2  }
0x19a: {  	v1 =	vadd.s32 v1, v2  }
0x19b: {  	v2 =	vshra.s32 v1, $0x1F  }
0x19c: {  	v2 =	vand.u32 v63, v2  }
0x19d: {  	v0 =	vld.idx.msk [tilespmem:v0+s16+$0x0], $0xffff;
	v1 =	vadd.s32 v1, v2  }
0x19e: {  	vm14 =	vlt.s32 v1, v63  }
0x19f: {  	v8 =	vsel vm14, $0x0, v63  }
0x1a0: {  	v1 =	vsub.s32 v1, v8  }
0x1a1: {  	vm15 =	vlt.s32 v1, v63  }
0x1a2: {  	v0 =	vadd.s32 v0, v1;
	v9 =	vsel vm15, $0x0, v63  }
0x1a3: {  	v0 =	vsub.s32 v0, v9  }
0x1a4: {  	[tilespmem:$0x6990] =	vst v0  }
0x1a5: {  	v0 =	vld [tilespmem:s4+$0xFFFFFFE0];
	_ =	sdelay $0x3  }
0x1a6: {  	v10 =	vld [tilespmem:s5+$0xFFFFFFE0];
	_ =	sdelay $0x3  }
0x1a7: {  	v11 =	vld.idx.msk [tilespmem:v0+s18+$0x0], $0xffff  }
0x1a8: {  	v1 =	vmul.u32 $0x9E3779B1, v10;
	_ =	sdelay $0x1  }
0x1a9: {  	v12 =	vcvt.s32.f32 v1;
	_ =	sdelay $0x1  }
0x1aa: {  	v13 =	vld.idx.msk [tilespmem:v0+s17+$0x0], $0xffff;
	v2 =	vmul.f32 v12, v11;
	_ =	sdelay $0x1  }
0x1ab: {  	v2 =	vtrunc.f32 v2  }
0x1ac: {  	v2 =	vcvt.f32.s32 v2;
	_ =	sdelay $0x1  }
0x1ad: {  	v2 =	vmul.u32 v2, v13;
	_ =	sdelay $0x1  }
0x1ae: {  	v1 =	vsub.s32 v1, v2  }
0x1af: {  	v2 =	vshra.s32 v1, $0x1F  }
0x1b0: {  	v2 =	vand.u32 v13, v2  }
0x1b1: {  	v1 =	vadd.s32 v1, v2  }
0x1b2: {  	v2 =	vshra.s32 v1, $0x1F  }
0x1b3: {  	v2 =	vand.u32 v13, v2  }
0x1b4: {  	v0 =	vld.idx.msk [tilespmem:v0+s16+$0x0], $0xffff;
	v1 =	vadd.s32 v1, v2  }
0x1b5: {  	vm4 =	vlt.s32 v1, v13  }
0x1b6: {  	v14 =	vsel vm4, $0x0, v13  }
0x1b7: {  	v1 =	vsub.s32 v1, v14  }
0x1b8: {  	vm5 =	vlt.s32 v1, v13  }
0x1b9: {  	v0 =	vadd.s32 v0, v1;
	v15 =	vsel vm5, $0x0, v13  }
0x1ba: {  	v0 =	vsub.s32 v0, v15  }
0x1bb: {  	[tilespmem:$0x69A0] =	vst v0  }
0x1bc: {  	v0 =	vld [tilespmem:s4+$0xFFFFFFF0];
	_ =	sdelay $0x3  }
0x1bd: {  	v16 =	vld [tilespmem:s5+$0xFFFFFFF0];
	_ =	sdelay $0x3  }
0x1be: {  	v17 =	vld.idx.msk [tilespmem:v0+s18+$0x0], $0xffff  }
0x1bf: {  	v1 =	vmul.u32 $0x9E3779B1, v16;
	_ =	sdelay $0x1  }
0x1c0: {  	v18 =	vcvt.s32.f32 v1;
	_ =	sdelay $0x1  }
0x1c1: {  	v19 =	vld.idx.msk [tilespmem:v0+s17+$0x0], $0xffff;
	v2 =	vmul.f32 v18, v17;
	_ =	sdelay $0x1  }
0x1c2: {  	v2 =	vtrunc.f32 v2  }
0x1c3: {  	v2 =	vcvt.f32.s32 v2;
	_ =	sdelay $0x1  }
0x1c4: {  	v2 =	vmul.u32 v2, v19;
	_ =	sdelay $0x1  }
0x1c5: {  	v1 =	vsub.s32 v1, v2  }
0x1c6: {  	v2 =	vshra.s32 v1, $0x1F  }
0x1c7: {  	v2 =	vand.u32 v19, v2  }
0x1c8: {  	v1 =	vadd.s32 v1, v2  }
0x1c9: {  	v2 =	vshra.s32 v1, $0x1F  }
0x1ca: {  	v2 =	vand.u32 v19, v2  }
0x1cb: {  	v0 =	vld.idx.msk [tilespmem:v0+s16+$0x0], $0xffff;
	v1 =	vadd.s32 v1, v2  }
0x1cc: {  	vm6 =	vlt.s32 v1, v19  }
0x1cd: {  	v20 =	vsel vm6, $0x0, v19  }
0x1ce: {  	v1 =	vsub.s32 v1, v20  }
0x1cf: {  	vm7 =	vlt.s32 v1, v19  }
0x1d0: {  	v0 =	vadd.s32 v0, v1;
	v21 =	vsel vm7, $0x0, v19  }
0x1d1: {  	v0 =	vsub.s32 v0, v21  }
0x1d2: {  	s9 =	simm.s32 @!p0 $0x8;
	[tilespmem:$0x69B0] =	vst v0  }
0x1d3: {  	_ =	swait.ge @!p0 [sflag:s9], $0x2000  }
0x1d4: {  	[sflag:s9] =	ssyncset.done @!p0 $0x0  }
0x1d5: {  	s7 =	sadd.s32 @!p0 $0xFFFFFC00, s7;
	[sflag:s9] =	ssyncadd.s32 @!p0 $0xFFFFE000;
	s9 =	simm.s32 @!p0 $0x14D80  }
0x1d6: {  	[hbm4b:s7+s8] =	stream.linear.scatter @!p0 [tilespmem:s9], [sflag:$0x10], $0x2000, $0x38;
	[tilespmem:$0x16D80] =	vst v63  }
0x1d7: {  	s7 =	simm.s32 @!p0 $0xC  }
0x1d8: {  	_ =	swait.ge @!p0 [sflag:s7], $0x2000  }
0x1d9: {  	[sflag:s7] =	ssyncset.done @!p0 $0x0  }
0x1da: {  	s9 =	rddreg [dreg:$0x9];
	[sflag:s7] =	ssyncadd.s32 @!p0 $0xFFFFE000  }
0x1db: {  	[tilespmem:s23], [sflag:$0x4] =	stream.indirect.gather [hbm4b:s1+s19], $0x80, s9, s19, $0xb8;
	[tilespmem:$0x16D80] =	vst v63  }
0x1dc: {  	v22 =	vld [tilespmem:s4+$0x0];
	_ =	sdelay $0x3  }
0x1dd: {  	v23 =	vld [tilespmem:s5+$0x0];
	_ =	sdelay $0x3  }
0x1de: {  	v24 =	vld.idx.msk [tilespmem:v22+s18+$0x0], $0xffff  }
0x1df: {  	v1 =	vmul.u32 $0x9E3779B1, v23;
	_ =	sdelay $0x1  }
0x1e0: {  	v25 =	vcvt.s32.f32 v1;
	_ =	sdelay $0x1  }
0x1e1: {  	v26 =	vld.idx.msk [tilespmem:v22+s17+$0x0], $0xffff;
	v2 =	vmul.f32 v25, v24;
	_ =	sdelay $0x1  }
0x1e2: {  	v2 =	vtrunc.f32 v2  }
0x1e3: {  	v2 =	vcvt.f32.s32 v2;
	_ =	sdelay $0x1  }
0x1e4: {  	v2 =	vmul.u32 v2, v26;
	_ =	sdelay $0x1  }
0x1e5: {  	v1 =	vsub.s32 v1, v2  }
0x1e6: {  	v2 =	vshra.s32 v1, $0x1F  }
0x1e7: {  	v2 =	vand.u32 v26, v2  }
0x1e8: {  	v1 =	vadd.s32 v1, v2  }
0x1e9: {  	v2 =	vshra.s32 v1, $0x1F  }
0x1ea: {  	v2 =	vand.u32 v26, v2  }
0x1eb: {  	v0 =	vld.idx.msk [tilespmem:v22+s16+$0x0], $0xffff;
	v1 =	vadd.s32 v1, v2  }
0x1ec: {  	vm8 =	vlt.s32 v1, v26  }
0x1ed: {  	v27 =	vsel vm8, $0x0, v26  }
0x1ee: {  	v1 =	vsub.s32 v1, v27  }
0x1ef: {  	vm9 =	vlt.s32 v1, v26  }
0x1f0: {  	v0 =	vadd.s32 v0, v1;
	v28 =	vsel vm9, $0x0, v26  }
0x1f1: {  	v0 =	vsub.s32 v0, v28  }
0x1f2: {  	[tilespmem:$0x6A00] =	vst v0  }
0x1f3: {  	v0 =	vld [tilespmem:s4+$0x10];
	_ =	sdelay $0x3  }
0x1f4: {  	v29 =	vld [tilespmem:s5+$0x10];
	_ =	sdelay $0x3  }
0x1f5: {  	v30 =	vld.idx.msk [tilespmem:v0+s18+$0x0], $0xffff  }
0x1f6: {  	v1 =	vmul.u32 $0x9E3779B1, v29;
	_ =	sdelay $0x1  }
0x1f7: {  	v31 =	vcvt.s32.f32 v1;
	_ =	sdelay $0x1  }
0x1f8: {  	v32 =	vld.idx.msk [tilespmem:v0+s17+$0x0], $0xffff;
	v2 =	vmul.f32 v31, v30;
	_ =	sdelay $0x1  }
0x1f9: {  	v2 =	vtrunc.f32 v2  }
0x1fa: {  	v2 =	vcvt.f32.s32 v2;
	_ =	sdelay $0x1  }
0x1fb: {  	v2 =	vmul.u32 v2, v32;
	_ =	sdelay $0x1  }
0x1fc: {  	v1 =	vsub.s32 v1, v2  }
0x1fd: {  	v2 =	vshra.s32 v1, $0x1F  }
0x1fe: {  	v2 =	vand.u32 v32, v2  }
0x1ff: {  	v1 =	vadd.s32 v1, v2  }
0x200: {  	v2 =	vshra.s32 v1, $0x1F  }
0x201: {  	v2 =	vand.u32 v32, v2  }
0x202: {  	v0 =	vld.idx.msk [tilespmem:v0+s16+$0x0], $0xffff;
	v1 =	vadd.s32 v1, v2  }
0x203: {  	vm10 =	vlt.s32 v1, v32  }
0x204: {  	v33 =	vsel vm10, $0x0, v32  }
0x205: {  	v1 =	vsub.s32 v1, v33  }
0x206: {  	vm11 =	vlt.s32 v1, v32  }
0x207: {  	v0 =	vadd.s32 v0, v1;
	v34 =	vsel vm11, $0x0, v32  }
0x208: {  	v0 =	vsub.s32 v0, v34  }
0x209: {  	[tilespmem:$0x6A10] =	vst v0  }
0x20a: {  	v0 =	vld [tilespmem:s4+$0x20];
	_ =	sdelay $0x3  }
0x20b: {  	v35 =	vld [tilespmem:s5+$0x20];
	_ =	sdelay $0x3  }
0x20c: {  	v36 =	vld.idx.msk [tilespmem:v0+s18+$0x0], $0xffff  }
0x20d: {  	v1 =	vmul.u32 $0x9E3779B1, v35;
	_ =	sdelay $0x1  }
0x20e: {  	v37 =	vcvt.s32.f32 v1;
	_ =	sdelay $0x1  }
0x20f: {  	v38 =	vld.idx.msk [tilespmem:v0+s17+$0x0], $0xffff;
	v2 =	vmul.f32 v37, v36;
	_ =	sdelay $0x1  }
0x210: {  	v2 =	vtrunc.f32 v2  }
0x211: {  	v2 =	vcvt.f32.s32 v2;
	_ =	sdelay $0x1  }
0x212: {  	v2 =	vmul.u32 v2, v38;
	_ =	sdelay $0x1  }
0x213: {  	v1 =	vsub.s32 v1, v2  }
0x214: {  	v2 =	vshra.s32 v1, $0x1F  }
0x215: {  	v2 =	vand.u32 v38, v2  }
0x216: {  	v1 =	vadd.s32 v1, v2  }
0x217: {  	v2 =	vshra.s32 v1, $0x1F  }
0x218: {  	v2 =	vand.u32 v38, v2  }
0x219: {  	v0 =	vld.idx.msk [tilespmem:v0+s16+$0x0], $0xffff;
	v1 =	vadd.s32 v1, v2  }
0x21a: {  	vm12 =	vlt.s32 v1, v38  }
0x21b: {  	v39 =	vsel vm12, $0x0, v38  }
0x21c: {  	v1 =	vsub.s32 v1, v39  }
0x21d: {  	vm13 =	vlt.s32 v1, v38  }
0x21e: {  	v0 =	vadd.s32 v0, v1;
	v40 =	vsel vm13, $0x0, v38  }
0x21f: {  	v0 =	vsub.s32 v0, v40  }
0x220: {  	[tilespmem:$0x6A20] =	vst v0  }
0x221: {  	v0 =	vld [tilespmem:s4+$0x30];
	_ =	sdelay $0x3  }
0x222: {  	v41 =	vld [tilespmem:s5+$0x30];
	_ =	sdelay $0x3  }
0x223: {  	v42 =	vld.idx.msk [tilespmem:v0+s18+$0x0], $0xffff  }
0x224: {  	v1 =	vmul.u32 $0x9E3779B1, v41;
	_ =	sdelay $0x1  }
0x225: {  	v43 =	vcvt.s32.f32 v1;
	_ =	sdelay $0x1  }
0x226: {  	v44 =	vld.idx.msk [tilespmem:v0+s17+$0x0], $0xffff;
	v2 =	vmul.f32 v43, v42;
	_ =	sdelay $0x1  }
0x227: {  	v2 =	vtrunc.f32 v2  }
0x228: {  	v2 =	vcvt.f32.s32 v2;
	_ =	sdelay $0x1  }
0x229: {  	v2 =	vmul.u32 v2, v44;
	_ =	sdelay $0x1  }
0x22a: {  	v1 =	vsub.s32 v1, v2  }
0x22b: {  	v2 =	vshra.s32 v1, $0x1F  }
0x22c: {  	v2 =	vand.u32 v44, v2  }
0x22d: {  	v1 =	vadd.s32 v1, v2  }
0x22e: {  	v2 =	vshra.s32 v1, $0x1F  }
0x22f: {  	v2 =	vand.u32 v44, v2  }
0x230: {  	v0 =	vld.idx.msk [tilespmem:v0+s16+$0x0], $0xffff;
	v1 =	vadd.s32 v1, v2  }
0x231: {  	vm14 =	vlt.s32 v1, v44  }
0x232: {  	v45 =	vsel vm14, $0x0, v44  }
0x233: {  	v1 =	vsub.s32 v1, v45  }
0x234: {  	vm15 =	vlt.s32 v1, v44  }
0x235: {  	v0 =	vadd.s32 v0, v1;
	v46 =	vsel vm15, $0x0, v44  }
0x236: {  	v0 =	vsub.s32 v0, v46  }
0x237: {  	[tilespmem:$0x6A30] =	vst v0  }
0x238: {  	_ =	swait.ge [sflag:s24], $0x2000  }
0x239: {  	[sflag:s24] =	ssyncset.done $0x0  }
0x23a: {  	s8 =	simm.s32 @!p0 $0xD;
	s7 =	sadd.s32 s6, s13;
	[sflag:s24] =	ssyncadd.s32 $0xFFFFE000  }
0x23b: {  	[hbm4b:s7+s3] =	stream.linear.scatter [tilespmem:s20], [sflag:$0x9], $0x2000, $0x38;
	[tilespmem:$0x16D80] =	vst v63  }
0x23c: {  	_ =	swait.ge @!p0 [sflag:s8], $0x2000  }
0x23d: {  	[sflag:s8] =	ssyncset.done @!p0 $0x0  }
0x23e: {  	s10 =	rddreg [dreg:$0xa];
	[sflag:s8] =	ssyncadd.s32 @!p0 $0xFFFFE000  }
0x23f: {  	[tilespmem:s25], [sflag:$0x5] =	stream.indirect.gather [hbm4b:s1+s19], $0x80, s10, s19, $0xb8;
	[tilespmem:$0x16D80] =	vst v63  }
0x240: {  	v47 =	vld [tilespmem:s4+$0x40];
	_ =	sdelay $0x3  }
0x241: {  	v48 =	vld [tilespmem:s5+$0x40];
	_ =	sdelay $0x3  }
0x242: {  	v49 =	vld.idx.msk [tilespmem:v47+s18+$0x0], $0xffff  }
0x243: {  	v1 =	vmul.u32 $0x9E3779B1, v48;
	_ =	sdelay $0x1  }
0x244: {  	v50 =	vcvt.s32.f32 v1;
	_ =	sdelay $0x1  }
0x245: {  	v51 =	vld.idx.msk [tilespmem:v47+s17+$0x0], $0xffff;
	v2 =	vmul.f32 v50, v49;
	_ =	sdelay $0x1  }
0x246: {  	v2 =	vtrunc.f32 v2  }
0x247: {  	v2 =	vcvt.f32.s32 v2;
	_ =	sdelay $0x1  }
0x248: {  	v2 =	vmul.u32 v2, v51;
	_ =	sdelay $0x1  }
0x249: {  	v1 =	vsub.s32 v1, v2  }
0x24a: {  	v2 =	vshra.s32 v1, $0x1F  }
0x24b: {  	v2 =	vand.u32 v51, v2  }
0x24c: {  	v1 =	vadd.s32 v1, v2  }
0x24d: {  	v2 =	vshra.s32 v1, $0x1F  }
0x24e: {  	v2 =	vand.u32 v51, v2  }
0x24f: {  	v0 =	vld.idx.msk [tilespmem:v47+s16+$0x0], $0xffff;
	v1 =	vadd.s32 v1, v2  }
0x250: {  	vm4 =	vlt.s32 v1, v51  }
0x251: {  	v52 =	vsel vm4, $0x0, v51  }
0x252: {  	v1 =	vsub.s32 v1, v52  }
0x253: {  	vm5 =	vlt.s32 v1, v51  }
0x254: {  	v0 =	vadd.s32 v0, v1;
	v53 =	vsel vm5, $0x0, v51  }
0x255: {  	v0 =	vsub.s32 v0, v53  }
0x256: {  	[tilespmem:$0x6A80] =	vst v0  }
0x257: {  	v0 =	vld [tilespmem:s4+$0x50];
	_ =	sdelay $0x3  }
0x258: {  	v54 =	vld [tilespmem:s5+$0x50];
	_ =	sdelay $0x3  }
0x259: {  	v55 =	vld.idx.msk [tilespmem:v0+s18+$0x0], $0xffff  }
0x25a: {  	v1 =	vmul.u32 $0x9E3779B1, v54;
	_ =	sdelay $0x1  }
0x25b: {  	v56 =	vcvt.s32.f32 v1;
	_ =	sdelay $0x1  }
0x25c: {  	v57 =	vld.idx.msk [tilespmem:v0+s17+$0x0], $0xffff;
	v2 =	vmul.f32 v56, v55;
	_ =	sdelay $0x1  }
0x25d: {  	v2 =	vtrunc.f32 v2  }
0x25e: {  	v2 =	vcvt.f32.s32 v2;
	_ =	sdelay $0x1  }
0x25f: {  	v2 =	vmul.u32 v2, v57;
	_ =	sdelay $0x1  }
0x260: {  	v1 =	vsub.s32 v1, v2  }
0x261: {  	v2 =	vshra.s32 v1, $0x1F  }
0x262: {  	v2 =	vand.u32 v57, v2  }
0x263: {  	v1 =	vadd.s32 v1, v2  }
0x264: {  	v2 =	vshra.s32 v1, $0x1F  }
0x265: {  	v2 =	vand.u32 v57, v2  }
0x266: {  	v0 =	vld.idx.msk [tilespmem:v0+s16+$0x0], $0xffff;
	v1 =	vadd.s32 v1, v2  }
0x267: {  	vm6 =	vlt.s32 v1, v57  }
0x268: {  	v58 =	vsel vm6, $0x0, v57  }
0x269: {  	v1 =	vsub.s32 v1, v58  }
0x26a: {  	vm7 =	vlt.s32 v1, v57  }
0x26b: {  	v0 =	vadd.s32 v0, v1;
	v59 =	vsel vm7, $0x0, v57  }
0x26c: {  	v0 =	vsub.s32 v0, v59  }
0x26d: {  	[tilespmem:$0x6A90] =	vst v0  }
0x26e: {  	v0 =	vld [tilespmem:s4+$0x60];
	_ =	sdelay $0x3  }
0x26f: {  	v60 =	vld [tilespmem:s5+$0x60];
	_ =	sdelay $0x3  }
0x270: {  	v61 =	vld.idx.msk [tilespmem:v0+s18+$0x0], $0xffff  }
0x271: {  	v1 =	vmul.u32 $0x9E3779B1, v60;
	_ =	sdelay $0x1  }
0x272: {  	v62 =	vcvt.s32.f32 v1;
	_ =	sdelay $0x1  }
0x273: {  	v63 =	vld.idx.msk [tilespmem:v0+s17+$0x0], $0xffff;
	v2 =	vmul.f32 v62, v61;
	_ =	sdelay $0x1  }
0x274: {  	v2 =	vtrunc.f32 v2  }
0x275: {  	v2 =	vcvt.f32.s32 v2;
	_ =	sdelay $0x1  }
0x276: {  	v2 =	vmul.u32 v2, v63;
	_ =	sdelay $0x1  }
0x277: {  	v1 =	vsub.s32 v1, v2  }
0x278: {  	v2 =	vshra.s32 v1, $0x1F  }
0x279: {  	v2 =	vand.u32 v63, v2  }
0x27a: {  	v1 =	vadd.s32 v1, v2  }
0x27b: {  	v2 =	vshra.s32 v1, $0x1F  }
0x27c: {  	v2 =	vand.u32 v63, v2  }
0x27d: {  	v0 =	vld.idx.msk [tilespmem:v0+s16+$0x0], $0xffff;
	v1 =	vadd.s32 v1, v2  }
0x27e: {  	vm8 =	vlt.s32 v1, v63  }
0x27f: {  	v6 =	vsel vm8, $0x0, v63  }
0x280: {  	v1 =	vsub.s32 v1, v6  }
0x281: {  	vm9 =	vlt.s32 v1, v63  }
0x282: {  	v0 =	vadd.s32 v0, v1;
	v7 =	vsel vm9, $0x0, v63  }
0x283: {  	v0 =	vsub.s32 v0, v7  }
0x284: {  	[tilespmem:$0x6AA0] =	vst v0  }
0x285: {  	v0 =	vld [tilespmem:s4+$0x70];
	_ =	sdelay $0x3  }
0x286: {  	v8 =	vld [tilespmem:s5+$0x70];
	_ =	sdelay $0x3  }
0x287: {  	v9 =	vld.idx.msk [tilespmem:v0+s18+$0x0], $0xffff  }
0x288: {  	v1 =	vmul.u32 $0x9E3779B1, v8;
	_ =	sdelay $0x1  }
0x289: {  	v10 =	vcvt.s32.f32 v1;
	_ =	sdelay $0x1  }
0x28a: {  	v11 =	vld.idx.msk [tilespmem:v0+s17+$0x0], $0xffff;
	v2 =	vmul.f32 v10, v9;
	_ =	sdelay $0x1  }
0x28b: {  	v2 =	vtrunc.f32 v2  }
0x28c: {  	v2 =	vcvt.f32.s32 v2;
	_ =	sdelay $0x1  }
0x28d: {  	v2 =	vmul.u32 v2, v11;
	_ =	sdelay $0x1  }
0x28e: {  	v1 =	vsub.s32 v1, v2  }
0x28f: {  	v2 =	vshra.s32 v1, $0x1F  }
0x290: {  	v2 =	vand.u32 v11, v2  }
0x291: {  	v1 =	vadd.s32 v1, v2  }
0x292: {  	v2 =	vshra.s32 v1, $0x1F  }
0x293: {  	v2 =	vand.u32 v11, v2  }
0x294: {  	v0 =	vld.idx.msk [tilespmem:v0+s16+$0x0], $0xffff;
	v1 =	vadd.s32 v1, v2  }
0x295: {  	vm10 =	vlt.s32 v1, v11  }
0x296: {  	v12 =	vsel vm10, $0x0, v11  }
0x297: {  	v1 =	vsub.s32 v1, v12  }
0x298: {  	vm11 =	vlt.s32 v1, v11  }
0x299: {  	v0 =	vadd.s32 v0, v1;
	v13 =	vsel vm11, $0x0, v11  }
0x29a: {  	v0 =	vsub.s32 v0, v13  }
0x29b: {  	[tilespmem:$0x6AB0] =	vst v0  }
0x29c: {  	_ =	swait.ge [sflag:s26], $0x2000  }
0x29d: {  	[sflag:s26] =	ssyncset.done $0x0  }
0x29e: {  	s9 =	sadd.s32 $0x400, s7;
	s8 =	simm.s32 @!p0 $0xE;
	[sflag:s26] =	ssyncadd.s32 $0xFFFFE000  }
0x29f: {  	[hbm4b:s9+s3] =	stream.linear.scatter [tilespmem:s21], [sflag:$0xA], $0x2000, $0x38;
	[tilespmem:$0x16D80] =	vst v63  }
0x2a0: {  	_ =	swait.ge @!p0 [sflag:s8], $0x2000  }
0x2a1: {  	[sflag:s8] =	ssyncset.done @!p0 $0x0  }
0x2a2: {  	s10 =	rddreg [dreg:$0xb];
	[sflag:s8] =	ssyncadd.s32 @!p0 $0xFFFFE000  }
0x2a3: {  	[tilespmem:s28], [sflag:$0x6] =	stream.indirect.gather [hbm4b:s1+s19], $0x80, s10, s19, $0xb8;
	[tilespmem:$0x16D80] =	vst v63  }
0x2a4: {  	v14 =	vld [tilespmem:s4+$0x80];
	_ =	sdelay $0x3  }
0x2a5: {  	v15 =	vld [tilespmem:s5+$0x80];
	_ =	sdelay $0x3  }
0x2a6: {  	v16 =	vld.idx.msk [tilespmem:v14+s18+$0x0], $0xffff  }
0x2a7: {  	v1 =	vmul.u32 $0x9E3779B1, v15;
	_ =	sdelay $0x1  }
0x2a8: {  	v17 =	vcvt.s32.f32 v1;
	_ =	sdelay $0x1  }
0x2a9: {  	v18 =	vld.idx.msk [tilespmem:v14+s17+$0x0], $0xffff;
	v2 =	vmul.f32 v17, v16;
	_ =	sdelay $0x1  }
0x2aa: {  	v2 =	vtrunc.f32 v2  }
0x2ab: {  	v2 =	vcvt.f32.s32 v2;
	_ =	sdelay $0x1  }
0x2ac: {  	v2 =	vmul.u32 v2, v18;
	_ =	sdelay $0x1  }
0x2ad: {  	v1 =	vsub.s32 v1, v2  }
0x2ae: {  	v2 =	vshra.s32 v1, $0x1F  }
0x2af: {  	v2 =	vand.u32 v18, v2  }
0x2b0: {  	v1 =	vadd.s32 v1, v2  }
0x2b1: {  	v2 =	vshra.s32 v1, $0x1F  }
0x2b2: {  	v2 =	vand.u32 v18, v2  }
0x2b3: {  	v0 =	vld.idx.msk [tilespmem:v14+s16+$0x0], $0xffff;
	v1 =	vadd.s32 v1, v2  }
0x2b4: {  	vm12 =	vlt.s32 v1, v18  }
0x2b5: {  	v19 =	vsel vm12, $0x0, v18  }
0x2b6: {  	v1 =	vsub.s32 v1, v19  }
0x2b7: {  	vm13 =	vlt.s32 v1, v18  }
0x2b8: {  	v0 =	vadd.s32 v0, v1;
	v20 =	vsel vm13, $0x0, v18  }
0x2b9: {  	v0 =	vsub.s32 v0, v20  }
0x2ba: {  	[tilespmem:$0x6B00] =	vst v0  }
0x2bb: {  	v0 =	vld [tilespmem:s4+$0x90];
	_ =	sdelay $0x3  }
0x2bc: {  	v21 =	vld [tilespmem:s5+$0x90];
	_ =	sdelay $0x3  }
0x2bd: {  	v22 =	vld.idx.msk [tilespmem:v0+s18+$0x0], $0xffff  }
0x2be: {  	v1 =	vmul.u32 $0x9E3779B1, v21;
	_ =	sdelay $0x1  }
0x2bf: {  	v23 =	vcvt.s32.f32 v1;
	_ =	sdelay $0x1  }
0x2c0: {  	v24 =	vld.idx.msk [tilespmem:v0+s17+$0x0], $0xffff;
	v2 =	vmul.f32 v23, v22;
	_ =	sdelay $0x1  }
0x2c1: {  	v2 =	vtrunc.f32 v2  }
0x2c2: {  	v2 =	vcvt.f32.s32 v2;
	_ =	sdelay $0x1  }
0x2c3: {  	v2 =	vmul.u32 v2, v24;
	_ =	sdelay $0x1  }
0x2c4: {  	v1 =	vsub.s32 v1, v2  }
0x2c5: {  	v2 =	vshra.s32 v1, $0x1F  }
0x2c6: {  	v2 =	vand.u32 v24, v2  }
0x2c7: {  	v1 =	vadd.s32 v1, v2  }
0x2c8: {  	v2 =	vshra.s32 v1, $0x1F  }
0x2c9: {  	v2 =	vand.u32 v24, v2  }
0x2ca: {  	v0 =	vld.idx.msk [tilespmem:v0+s16+$0x0], $0xffff;
	v1 =	vadd.s32 v1, v2  }
0x2cb: {  	vm14 =	vlt.s32 v1, v24  }
0x2cc: {  	v25 =	vsel vm14, $0x0, v24  }
0x2cd: {  	v1 =	vsub.s32 v1, v25  }
0x2ce: {  	vm15 =	vlt.s32 v1, v24  }
0x2cf: {  	v0 =	vadd.s32 v0, v1;
	v26 =	vsel vm15, $0x0, v24  }
0x2d0: {  	v0 =	vsub.s32 v0, v26  }
0x2d1: {  	[tilespmem:$0x6B10] =	vst v0  }
0x2d2: {  	v0 =	vld [tilespmem:s4+$0xA0];
	_ =	sdelay $0x3  }
0x2d3: {  	v27 =	vld [tilespmem:s5+$0xA0];
	_ =	sdelay $0x3  }
0x2d4: {  	v28 =	vld.idx.msk [tilespmem:v0+s18+$0x0], $0xffff  }
0x2d5: {  	v1 =	vmul.u32 $0x9E3779B1, v27;
	_ =	sdelay $0x1  }
0x2d6: {  	v29 =	vcvt.s32.f32 v1;
	_ =	sdelay $0x1  }
0x2d7: {  	v30 =	vld.idx.msk [tilespmem:v0+s17+$0x0], $0xffff;
	v2 =	vmul.f32 v29, v28;
	_ =	sdelay $0x1  }
0x2d8: {  	v2 =	vtrunc.f32 v2  }
0x2d9: {  	v2 =	vcvt.f32.s32 v2;
	_ =	sdelay $0x1  }
0x2da: {  	v2 =	vmul.u32 v2, v30;
	_ =	sdelay $0x1  }
0x2db: {  	v1 =	vsub.s32 v1, v2  }
0x2dc: {  	v2 =	vshra.s32 v1, $0x1F  }
0x2dd: {  	v2 =	vand.u32 v30, v2  }
0x2de: {  	v1 =	vadd.s32 v1, v2  }
0x2df: {  	v2 =	vshra.s32 v1, $0x1F  }
0x2e0: {  	v2 =	vand.u32 v30, v2  }
0x2e1: {  	v0 =	vld.idx.msk [tilespmem:v0+s16+$0x0], $0xffff;
	v1 =	vadd.s32 v1, v2  }
0x2e2: {  	vm4 =	vlt.s32 v1, v30  }
0x2e3: {  	v31 =	vsel vm4, $0x0, v30  }
0x2e4: {  	v1 =	vsub.s32 v1, v31  }
0x2e5: {  	vm5 =	vlt.s32 v1, v30  }
0x2e6: {  	v0 =	vadd.s32 v0, v1;
	v32 =	vsel vm5, $0x0, v30  }
0x2e7: {  	v0 =	vsub.s32 v0, v32  }
0x2e8: {  	[tilespmem:$0x6B20] =	vst v0  }
0x2e9: {  	v0 =	vld [tilespmem:s4+$0xB0];
	_ =	sdelay $0x3  }
0x2ea: {  	v33 =	vld [tilespmem:s5+$0xB0];
	_ =	sdelay $0x3  }
0x2eb: {  	v34 =	vld.idx.msk [tilespmem:v0+s18+$0x0], $0xffff  }
0x2ec: {  	v1 =	vmul.u32 $0x9E3779B1, v33;
	_ =	sdelay $0x1  }
0x2ed: {  	v35 =	vcvt.s32.f32 v1;
	_ =	sdelay $0x1  }
0x2ee: {  	v36 =	vld.idx.msk [tilespmem:v0+s17+$0x0], $0xffff;
	v2 =	vmul.f32 v35, v34;
	_ =	sdelay $0x1  }
0x2ef: {  	v2 =	vtrunc.f32 v2  }
0x2f0: {  	v2 =	vcvt.f32.s32 v2;
	_ =	sdelay $0x1  }
0x2f1: {  	v2 =	vmul.u32 v2, v36;
	_ =	sdelay $0x1  }
0x2f2: {  	v1 =	vsub.s32 v1, v2  }
0x2f3: {  	v2 =	vshra.s32 v1, $0x1F  }
0x2f4: {  	v2 =	vand.u32 v36, v2  }
0x2f5: {  	v1 =	vadd.s32 v1, v2  }
0x2f6: {  	v2 =	vshra.s32 v1, $0x1F  }
0x2f7: {  	v2 =	vand.u32 v36, v2  }
0x2f8: {  	v0 =	vld.idx.msk [tilespmem:v0+s16+$0x0], $0xffff;
	v1 =	vadd.s32 v1, v2  }
0x2f9: {  	vm6 =	vlt.s32 v1, v36  }
0x2fa: {  	v37 =	vsel vm6, $0x0, v36  }
0x2fb: {  	v1 =	vsub.s32 v1, v37  }
0x2fc: {  	vm7 =	vlt.s32 v1, v36  }
0x2fd: {  	v0 =	vadd.s32 v0, v1;
	v38 =	vsel vm7, $0x0, v36  }
0x2fe: {  	v0 =	vsub.s32 v0, v38  }
0x2ff: {  	[tilespmem:$0x6B30] =	vst v0  }
0x300: {  	_ =	swait.ge [sflag:s29], $0x2000  }
0x301: {  	[sflag:s29] =	ssyncset.done $0x0  }
0x302: {  	s9 =	sadd.s32 $0x800, s7;
	s8 =	simm.s32 @!p0 $0xF;
	[sflag:s29] =	ssyncadd.s32 $0xFFFFE000  }
0x303: {  	[hbm4b:s9+s3] =	stream.linear.scatter [tilespmem:s22], [sflag:$0xB], $0x2000, $0x38;
	[tilespmem:$0x16D80] =	vst v63  }
0x304: {  	_ =	swait.ge @!p0 [sflag:s8], $0x2000  }
0x305: {  	[sflag:s8] =	ssyncset.done @!p0 $0x0  }
0x306: {  	s10 =	rddreg [dreg:$0xc];
	[sflag:s8] =	ssyncadd.s32 @!p0 $0xFFFFE000  }
0x307: {  	[tilespmem:s30], [sflag:$0x7] =	stream.indirect.gather [hbm4b:s1+s19], $0x80, s10, s19, $0xb8;
	[tilespmem:$0x16D80] =	vst v63  }
0x308: {  	v39 =	vld [tilespmem:s4+$0xC0];
	_ =	sdelay $0x3  }
0x309: {  	v40 =	vld [tilespmem:s5+$0xC0];
	_ =	sdelay $0x3  }
0x30a: {  	v41 =	vld.idx.msk [tilespmem:v39+s18+$0x0], $0xffff  }
0x30b: {  	v1 =	vmul.u32 $0x9E3779B1, v40;
	_ =	sdelay $0x1  }
0x30c: {  	v42 =	vcvt.s32.f32 v1;
	_ =	sdelay $0x1  }
0x30d: {  	v43 =	vld.idx.msk [tilespmem:v39+s17+$0x0], $0xffff;
	v2 =	vmul.f32 v42, v41;
	_ =	sdelay $0x1  }
0x30e: {  	v2 =	vtrunc.f32 v2  }
0x30f: {  	v2 =	vcvt.f32.s32 v2;
	_ =	sdelay $0x1  }
0x310: {  	v2 =	vmul.u32 v2, v43;
	_ =	sdelay $0x1  }
0x311: {  	v1 =	vsub.s32 v1, v2  }
0x312: {  	v2 =	vshra.s32 v1, $0x1F  }
0x313: {  	v2 =	vand.u32 v43, v2  }
0x314: {  	v1 =	vadd.s32 v1, v2  }
0x315: {  	v2 =	vshra.s32 v1, $0x1F  }
0x316: {  	v2 =	vand.u32 v43, v2  }
0x317: {  	v0 =	vld.idx.msk [tilespmem:v39+s16+$0x0], $0xffff;
	v1 =	vadd.s32 v1, v2  }
0x318: {  	vm8 =	vlt.s32 v1, v43  }
0x319: {  	v44 =	vsel vm8, $0x0, v43  }
0x31a: {  	v1 =	vsub.s32 v1, v44  }
0x31b: {  	vm9 =	vlt.s32 v1, v43  }
0x31c: {  	v0 =	vadd.s32 v0, v1;
	v45 =	vsel vm9, $0x0, v43  }
0x31d: {  	v0 =	vsub.s32 v0, v45  }
0x31e: {  	[tilespmem:$0x6B80] =	vst v0  }
0x31f: {  	v0 =	vld [tilespmem:s4+$0xD0];
	_ =	sdelay $0x3  }
0x320: {  	v46 =	vld [tilespmem:s5+$0xD0];
	_ =	sdelay $0x3  }
0x321: {  	v47 =	vld.idx.msk [tilespmem:v0+s18+$0x0], $0xffff  }
0x322: {  	v1 =	vmul.u32 $0x9E3779B1, v46;
	_ =	sdelay $0x1  }
0x323: {  	v48 =	vcvt.s32.f32 v1;
	_ =	sdelay $0x1  }
0x324: {  	v49 =	vld.idx.msk [tilespmem:v0+s17+$0x0], $0xffff;
	v2 =	vmul.f32 v48, v47;
	_ =	sdelay $0x1  }
0x325: {  	v2 =	vtrunc.f32 v2  }
0x326: {  	v2 =	vcvt.f32.s32 v2;
	_ =	sdelay $0x1  }
0x327: {  	v2 =	vmul.u32 v2, v49;
	_ =	sdelay $0x1  }
0x328: {  	v1 =	vsub.s32 v1, v2  }
0x329: {  	v2 =	vshra.s32 v1, $0x1F  }
0x32a: {  	v2 =	vand.u32 v49, v2  }
0x32b: {  	v1 =	vadd.s32 v1, v2  }
0x32c: {  	v2 =	vshra.s32 v1, $0x1F  }
0x32d: {  	v2 =	vand.u32 v49, v2  }
0x32e: {  	v0 =	vld.idx.msk [tilespmem:v0+s16+$0x0], $0xffff;
	v1 =	vadd.s32 v1, v2  }
0x32f: {  	vm10 =	vlt.s32 v1, v49  }
0x330: {  	v50 =	vsel vm10, $0x0, v49  }
0x331: {  	v1 =	vsub.s32 v1, v50  }
0x332: {  	vm11 =	vlt.s32 v1, v49  }
0x333: {  	v0 =	vadd.s32 v0, v1;
	v51 =	vsel vm11, $0x0, v49  }
0x334: {  	v0 =	vsub.s32 v0, v51  }
0x335: {  	[tilespmem:$0x6B90] =	vst v0  }
0x336: {  	v0 =	vld [tilespmem:s4+$0xE0];
	_ =	sdelay $0x3  }
0x337: {  	v52 =	vld [tilespmem:s5+$0xE0];
	_ =	sdelay $0x3  }
0x338: {  	v53 =	vld.idx.msk [tilespmem:v0+s18+$0x0], $0xffff  }
0x339: {  	v1 =	vmul.u32 $0x9E3779B1, v52;
	_ =	sdelay $0x1  }
0x33a: {  	v54 =	vcvt.s32.f32 v1;
	_ =	sdelay $0x1  }
0x33b: {  	v55 =	vld.idx.msk [tilespmem:v0+s17+$0x0], $0xffff;
	v2 =	vmul.f32 v54, v53;
	_ =	sdelay $0x1  }
0x33c: {  	v2 =	vtrunc.f32 v2  }
0x33d: {  	v2 =	vcvt.f32.s32 v2;
	_ =	sdelay $0x1  }
0x33e: {  	v2 =	vmul.u32 v2, v55;
	_ =	sdelay $0x1  }
0x33f: {  	v1 =	vsub.s32 v1, v2  }
0x340: {  	v2 =	vshra.s32 v1, $0x1F  }
0x341: {  	v2 =	vand.u32 v55, v2  }
0x342: {  	v1 =	vadd.s32 v1, v2  }
0x343: {  	v2 =	vshra.s32 v1, $0x1F  }
0x344: {  	v2 =	vand.u32 v55, v2  }
0x345: {  	v0 =	vld.idx.msk [tilespmem:v0+s16+$0x0], $0xffff;
	v1 =	vadd.s32 v1, v2  }
0x346: {  	vm12 =	vlt.s32 v1, v55  }
0x347: {  	v56 =	vsel vm12, $0x0, v55  }
0x348: {  	v1 =	vsub.s32 v1, v56  }
0x349: {  	vm13 =	vlt.s32 v1, v55  }
0x34a: {  	v0 =	vadd.s32 v0, v1;
	v57 =	vsel vm13, $0x0, v55  }
0x34b: {  	v0 =	vsub.s32 v0, v57  }
0x34c: {  	[tilespmem:$0x6BA0] =	vst v0  }
0x34d: {  	v0 =	vld [tilespmem:s4+$0xF0];
	_ =	sdelay $0x3  }
0x34e: {  	v58 =	vld [tilespmem:s5+$0xF0];
	_ =	sdelay $0x3  }
0x34f: {  	v59 =	vld.idx.msk [tilespmem:v0+s18+$0x0], $0xffff  }
0x350: {  	v1 =	vmul.u32 $0x9E3779B1, v58;
	_ =	sdelay $0x1  }
0x351: {  	v60 =	vcvt.s32.f32 v1;
	_ =	sdelay $0x1  }
0x352: {  	v61 =	vld.idx.msk [tilespmem:v0+s17+$0x0], $0xffff;
	v2 =	vmul.f32 v60, v59;
	_ =	sdelay $0x1  }
0x353: {  	v2 =	vtrunc.f32 v2  }
0x354: {  	v2 =	vcvt.f32.s32 v2;
	_ =	sdelay $0x1  }
0x355: {  	v2 =	vmul.u32 v2, v61;
	_ =	sdelay $0x1  }
0x356: {  	v1 =	vsub.s32 v1, v2  }
0x357: {  	v2 =	vshra.s32 v1, $0x1F  }
0x358: {  	v2 =	vand.u32 v61, v2  }
0x359: {  	v1 =	vadd.s32 v1, v2  }
0x35a: {  	v2 =	vshra.s32 v1, $0x1F  }
0x35b: {  	v2 =	vand.u32 v61, v2  }
0x35c: {  	v0 =	vld.idx.msk [tilespmem:v0+s16+$0x0], $0xffff;
	v1 =	vadd.s32 v1, v2  }
0x35d: {  	vm14 =	vlt.s32 v1, v61  }
0x35e: {  	v62 =	vsel vm14, $0x0, v61  }
0x35f: {  	v1 =	vsub.s32 v1, v62  }
0x360: {  	vm15 =	vlt.s32 v1, v61  }
0x361: {  	v0 =	vadd.s32 v0, v1;
	v63 =	vsel vm15, $0x0, v61  }
0x362: {  	v0 =	vsub.s32 v0, v63  }
0x363: {  	[tilespmem:$0x6BB0] =	vst v0  }
0x364: {  	_ =	swait.ge [sflag:s31], $0x2000  }
0x365: {  	[sflag:s31] =	ssyncset.done $0x0  }
0x366: {  	s7 =	sadd.s32 $0xC00, s7;
	[sflag:s31] =	ssyncadd.s32 $0xFFFFE000  }
0x367: {  	[hbm4b:s7+s3] =	stream.linear.scatter [tilespmem:s23], [sflag:$0xC], $0x2000, $0x38;
	[tilespmem:$0x16D80] =	vst v63  }
0x368: {  	s7 =	simm.s32 @!p0 $0x10  }
0x369: {  	_ =	swait.ge @!p0 [sflag:s7], $0x2000  }
0x36a: {  	s6 =	sadd.s32 $0x2000, s6;
	[sflag:s7] =	ssyncset.done @!p0 $0x0  }
0x36b: {  	[sflag:s7] =	ssyncadd.s32 @!p0 $0xFFFFE000;
	p0 =	sne.s32 s6, $0x34000  }
.Ltmp0:
0x36c: {  	_ = 	snop;
	(pc) =	sbr.rel @p0 .LBB2_2-.Ltmp0, $3  }
0x36d: {  	_ =	sdelay $0x1  }
0x36e: {  	s4 =	sadd.s32 $0x200, s4;
	s5 =	sadd.s32 $0x200, s5;
	s10 =	rddreg [dreg:$0xd]  }
0x36f: {  	[tilespmem:s2], [sflag:$0x8] =	stream.indirect.gather [hbm4b:s1+s19], $0x80, s10, s19, $0xb8;
	[tilespmem:$0x16D80] =	vst v63  }
0x370: {  	s4 =	simm.s32 $0x5  }
0x371: {  	_ =	swait.ge [sflag:s4], $0x2000  }
0x372: {  	[sflag:s4] =	ssyncset.done $0x0  }
0x373: {  	s5 =	simm.s32 $0x6;
	s10 =	rddreg [dreg:$0x12];
	[sflag:s4] =	ssyncadd.s32 $0xFFFFE000  }
0x374: {  	[hbm4b:s10+s3] =	stream.linear.scatter [tilespmem:s25], [sflag:$0xD], $0x2000, $0x38;
	[tilespmem:$0x16D80] =	vst v63  }
0x375: {  	_ =	swait.ge [sflag:s5], $0x2000  }
0x376: {  	[sflag:s5] =	ssyncset.done $0x0  }
0x377: {  	s7 =	simm.s32 $0x7;
	s6 =	rddreg [dreg:$0x13];
	[sflag:s5] =	ssyncadd.s32 $0xFFFFE000  }
0x378: {  	[hbm4b:s6+s3] =	stream.linear.scatter [tilespmem:s28], [sflag:$0xE], $0x2000, $0x38;
	[tilespmem:$0x16D80] =	vst v63  }
0x379: {  	_ =	swait.ge [sflag:s7], $0x2000  }
0x37a: {  	[sflag:s7] =	ssyncset.done $0x0  }
0x37b: {  	s9 =	simm.s32 $0x8;
	s8 =	rddreg [dreg:$0x14];
	[sflag:s7] =	ssyncadd.s32 $0xFFFFE000  }
0x37c: {  	[hbm4b:s8+s3] =	stream.linear.scatter [tilespmem:s30], [sflag:$0xF], $0x2000, $0x38;
	[tilespmem:$0x16D80] =	vst v63  }
0x37d: {  	_ =	swait.ge [sflag:s9], $0x2000  }
0x37e: {  	[sflag:s9] =	ssyncset.done $0x0  }
0x37f: {  	s5 =	simm.s32 $0x9;
	s10 =	rddreg [dreg:$0x15];
	[sflag:s9] =	ssyncadd.s32 $0xFFFFE000  }
0x380: {  	[hbm4b:s10+s3] =	stream.linear.scatter [tilespmem:s2], [sflag:$0x10], $0x2000, $0x38;
	[tilespmem:$0x16D80] =	vst v63  }
0x381: {  	_ =	swait.ge [sflag:s5], $0x2000  }
0x382: {  	[sflag:s5] =	ssyncset.done $0x0  }
0x383: {  	s6 =	simm.s32 $0xA;
	[sflag:s5] =	ssyncadd.s32 $0xFFFFE000  }
0x384: {  	_ =	swait.ge [sflag:s6], $0x2000  }
0x385: {  	[sflag:s6] =	ssyncset.done $0x0  }
0x386: {  	s7 =	simm.s32 $0xB;
	[sflag:s6] =	ssyncadd.s32 $0xFFFFE000  }
0x387: {  	_ =	swait.ge [sflag:s7], $0x2000  }
0x388: {  	[sflag:s7] =	ssyncset.done $0x0  }
0x389: {  	s8 =	simm.s32 $0xC;
	[sflag:s7] =	ssyncadd.s32 $0xFFFFE000  }
0x38a: {  	_ =	swait.ge [sflag:s8], $0x2000  }
0x38b: {  	[sflag:s8] =	ssyncset.done $0x0  }
0x38c: {  	s9 =	simm.s32 $0xD;
	[sflag:s8] =	ssyncadd.s32 $0xFFFFE000  }
0x38d: {  	_ =	swait.ge [sflag:s9], $0x2000  }
0x38e: {  	[sflag:s9] =	ssyncset.done $0x0  }
0x38f: {  	[sflag:s9] =	ssyncadd.s32 $0xFFFFE000  }
0x390: {  	_ =	swait.ge [sflag:s11], $0x2000  }
0x391: {  	[sflag:s11] =	ssyncset.done $0x0  }
0x392: {  	[sflag:s11] =	ssyncadd.s32 $0xFFFFE000  }
0x393: {  	_ =	swait.ge [sflag:s12], $0x2000  }
0x394: {  	[sflag:s12] =	ssyncset.done $0x0  }
0x395: {  	[sflag:s12] =	ssyncadd.s32 $0xFFFFE000  }
0x396: {  	_ =	swait.ge [sflag:s0], $0x2000  }
0x397: {  	s15 =	sadd.s32 $0x1, s15;
	s10 =	rddreg [dreg:$0x16]  }
0x398: {  	p0 =	sne.s32 s15, s10  }
.Ltmp1:
0x399: {  	_ = 	snop;
	(pc) =	sbr.rel @p0 .LBB2_1-.Ltmp1, $3  }
0x39a: {  	_ =	sdelay $0x1  }
0x39b: {  	[sflag:s0] =	ssyncset.done $0x0  }
0x39c: {  	[sflag:s0] =	ssyncadd.s32 $0xFFFFE000  }
0x39d: {  	_ =	sfence.sel $0x180000  }
0x39e: {  	[bflag:$0x0] =	sbarrier.arrive $0xFFFF  }
0x39f: {  	_ =	strace $0x90000047  }
0x3a0: {  	s0 =	stileid.u32;
	[bflag:$0x2] =	sbarrier.arrive $0xFFFF  }
0x3a1: {  	p0 =	sne.s32 s0, $0x0;
	s0 =	rddreg [dreg:$0x5]  }
0x3a2: {  	s0 =	sadd.s32 @!p0 $0x100000, s0  }
0x3a3: {  	[sflag:s0] =	ssyncadd.tile.s32 @!p0 $0x1;
	_ =	shalt  }
.Lfunc_end2:
_tile_overlayer_lowered:
.L_overlay_start_2:
0x3a4: {  	(tag) =	ssettag $0x2  }
0x3a5: {  	s0 =	rddreg [dreg:$0x0];
	s2 =	stileid.u32  }
0x3a6: {  	s1 =	rddreg [dreg:$0x1];
	p0 =	sne.s32 s2, $0x0  }
0x3a7: {  	s3 =	rddreg [dreg:$0x2];
	[bflag:$0x3] =	sbarrier.arrive $0xFFFF;
	s2 =	simm.s32 @!p0 $0x1C11  }
0x3a8: {  	[timem:s3], [sflag:s2] =	dma.local @!p0 [hbm:s0], s1  }
0x3a9: {  	s0 =	simm.s32 @!p0 $0x11  }
0x3aa: {  	_ =	swait.ge @!p0 [sflag:s0], s1  }
0x3ab: {  	s1 =	ssub.s32 @!p0 $0x0, s1;
	[sflag:s0] =	ssyncset.done @!p0 $0x0  }
0x3ac: {  	[sflag:s0] =	ssyncadd.s32 @!p0 s1  }
0x3ad: {  	[bflag:$0x3] =	sbarrier.arrive $0xFFFF  }
0x3ae: {  	_ =	shalt  }

</sc_bundles>
